<compile_context>
chip_gen: v7x
topology: tpu7x:2x2x1
jax: 0.10.2.dev20260603
libtpu: 0.0.44.dev20260713+nightly
codegen_flags: <defaults>
</compile_context>

<pallas_src>
import functools

import jax
import jax.numpy as jnp
from jax import lax
from jax.experimental import pallas as pl
from jax.experimental.pallas import tpu as pltpu
from jax.experimental.pallas import tpu_sc as plsc

N = 10000
E = 320000
D_IN = 128
D_H = 64

NC = 2
NS = 16
NW = NC * NS

CH = 128
TROWS = 80
E_PAD = NW * TROWS * CH
PAD_ROWS = 128

ZCH = 640
ZLAST = N - 15 * ZCH
BCH = 80


def _mesh():
    return plsc.VectorSubcoreMesh(
        core_axis_name="c", subcore_axis_name="s", num_cores=NC, num_subcores=NS
    )


@functools.partial(
    pl.kernel,
    out_type=jax.ShapeDtypeStruct((NC, 1, N), jnp.float32),
    mesh=_mesh(),
    scratch_types=[
        pltpu.VMEM((CH,), jnp.float32),
        pltpu.VMEM((ZCH,), jnp.float32),
        pltpu.VMEM((TROWS, CH), jnp.int32),
        pltpu.VMEM_SHARED((N + PAD_ROWS,), jnp.float32),
        pltpu.SemaphoreType.DMA,
    ],
    compiler_params=pltpu.CompilerParams(skip_device_barrier=True),
)
def _deg_kernel(dst_hbm, out_hbm, ones_v, buf_v, di_v, acc_s, sem):
    c = lax.axis_index("c")
    s = lax.axis_index("s")
    tid = c * NS + s
    row0 = tid * TROWS

    def fill_ones(i, _):
        ones_v[pl.ds(i * 16, 16)] = jnp.full((16,), 1.0, jnp.float32)
        return 0

    lax.fori_loop(0, CH // 16, fill_ones, 0)

    def fill_zero(i, _):
        buf_v[pl.ds(i * 16, 16)] = jnp.zeros((16,), jnp.float32)
        return 0

    lax.fori_loop(0, ZCH // 16, fill_zero, 0)

    @pl.when(s < NS - 1)
    def _():
        pltpu.sync_copy(buf_v, acc_s.at[pl.ds(s * ZCH, ZCH)])

    @pl.when(s == NS - 1)
    def _():
        pltpu.sync_copy(buf_v.at[pl.ds(0, ZLAST)], acc_s.at[pl.ds(15 * ZCH, ZLAST)])

    pltpu.sync_copy(dst_hbm.at[pl.ds(row0, TROWS)], di_v)

    plsc.subcore_barrier()

    def body(j, _):
        pltpu.async_copy(ones_v, acc_s.at[di_v.at[j]], sem, add=True)
        return 0

    lax.fori_loop(0, TROWS, body, 0)

    def drain(j, _):
        pltpu.make_async_copy(ones_v, acc_s.at[di_v.at[j]], sem).wait()
        return 0

    lax.fori_loop(0, TROWS, drain, 0)
    plsc.subcore_barrier()

    @pl.when(s < NS - 1)
    def _():
        pltpu.sync_copy(acc_s.at[pl.ds(s * ZCH, ZCH)], buf_v)
        pltpu.sync_copy(buf_v, out_hbm.at[c, 0, pl.ds(s * ZCH, ZCH)])

    @pl.when(s == NS - 1)
    def _():
        pltpu.sync_copy(acc_s.at[pl.ds(15 * ZCH, ZLAST)], buf_v.at[pl.ds(0, ZLAST)])
        pltpu.sync_copy(buf_v.at[pl.ds(0, ZLAST)], out_hbm.at[c, 0, pl.ds(15 * ZCH, ZLAST)])


@functools.partial(
    pl.kernel,
    out_type=jax.ShapeDtypeStruct((NC, N, D_H), jnp.float32),
    mesh=_mesh(),
    scratch_types=[
        pltpu.VMEM((TROWS, CH), jnp.int32),
        pltpu.VMEM((TROWS, CH), jnp.int32),
        [pltpu.VMEM((CH, D_H), jnp.float32)] * 4,
        pltpu.VMEM((BCH, D_H), jnp.float32),
        pltpu.VMEM_SHARED((N + PAD_ROWS, D_H), jnp.float32),
        [pltpu.SemaphoreType.DMA] * 4,
        [pltpu.SemaphoreType.DMA] * 4,
        pltpu.SemaphoreType.DMA,
    ],
    compiler_params=pltpu.CompilerParams(use_tc_tiling_on_sc=False, skip_device_barrier=True),
)
def _agg_kernel(
    g_hbm, src_hbm, dst_hbm, out_hbm, si_v, di_v, rows, buf_v, acc_s, gsem, ssem, psem
):
    c = lax.axis_index("c")
    s = lax.axis_index("s")
    tid = c * NS + s
    row0 = tid * TROWS

    def fill_zero(i, _):
        def fill_col(k, _):
            buf_v[i, pl.ds(k * 16, 16)] = jnp.zeros((16,), jnp.float32)
            return 0

        lax.fori_loop(0, D_H // 16, fill_col, 0)
        return 0

    lax.fori_loop(0, BCH, fill_zero, 0)

    pltpu.async_copy(src_hbm.at[pl.ds(row0, TROWS)], si_v, psem)
    pltpu.async_copy(dst_hbm.at[pl.ds(row0, TROWS)], di_v, psem)

    @pl.when(s < NS - 1)
    def _():
        def z(k, _):
            pltpu.sync_copy(buf_v, acc_s.at[pl.ds(s * ZCH + k * BCH, BCH)])
            return 0

        lax.fori_loop(0, ZCH // BCH, z, 0)

    @pl.when(s == NS - 1)
    def _():
        def z(k, _):
            pltpu.sync_copy(buf_v, acc_s.at[pl.ds(15 * ZCH + k * BCH, BCH)])
            return 0

        lax.fori_loop(0, ZLAST // BCH, z, 0)

    pltpu.make_async_copy(src_hbm.at[pl.ds(row0, TROWS)], si_v, psem).wait()
    pltpu.make_async_copy(dst_hbm.at[pl.ds(row0, TROWS)], di_v, psem).wait()

    plsc.subcore_barrier()

    for b in range(4):
        pltpu.async_copy(g_hbm.at[si_v.at[b]], rows[b], gsem[b])

    def body(k, _):
        j0 = 4 * k
        for b in range(4):
            j = j0 + b
            pltpu.make_async_copy(g_hbm.at[si_v.at[j]], rows[b], gsem[b]).wait()
            pltpu.async_copy(rows[b], acc_s.at[di_v.at[j]], ssem[b], add=True)
        for b in range(4):
            nx = j0 + b + 4

            @pl.when(nx < TROWS)
            def _():
                pltpu.make_async_copy(rows[b], acc_s.at[di_v.at[j0 + b]], ssem[b]).wait()
                pltpu.async_copy(g_hbm.at[si_v.at[nx]], rows[b], gsem[b])

        return 0

    lax.fori_loop(0, TROWS // 4, body, 0)

    for b in range(4):
        pltpu.make_async_copy(rows[b], acc_s.at[di_v.at[TROWS - 4 + b]], ssem[b]).wait()

    plsc.subcore_barrier()

    @pl.when(s < NS - 1)
    def _():
        for k in range(ZCH // CH):
            b = rows[k % 2]
            if k >= 2:
                pltpu.make_async_copy(
                    b, out_hbm.at[c, pl.ds(s * ZCH + (k - 2) * CH, CH)], gsem[k % 2]
                ).wait()
            pltpu.sync_copy(acc_s.at[pl.ds(s * ZCH + k * CH, CH)], b)
            pltpu.async_copy(b, out_hbm.at[c, pl.ds(s * ZCH + k * CH, CH)], gsem[k % 2])
        for k in range(ZCH // CH - 2, ZCH // CH):
            pltpu.make_async_copy(
                rows[k % 2], out_hbm.at[c, pl.ds(s * ZCH + k * CH, CH)], gsem[k % 2]
            ).wait()

    @pl.when(s == NS - 1)
    def _():
        for k in range(3):
            b = rows[k % 2]
            if k >= 2:
                pltpu.make_async_copy(
                    b, out_hbm.at[c, pl.ds(15 * ZCH + (k - 2) * CH, CH)], gsem[k % 2]
                ).wait()
            pltpu.sync_copy(acc_s.at[pl.ds(15 * ZCH + k * CH, CH)], b)
            pltpu.async_copy(b, out_hbm.at[c, pl.ds(15 * ZCH + k * CH, CH)], gsem[k % 2])
        pltpu.sync_copy(
            acc_s.at[pl.ds(15 * ZCH + 3 * CH, ZLAST - 3 * CH)],
            rows[2].at[pl.ds(0, ZLAST - 3 * CH)],
        )
        pltpu.async_copy(
            rows[2].at[pl.ds(0, ZLAST - 3 * CH)],
            out_hbm.at[c, pl.ds(15 * ZCH + 3 * CH, ZLAST - 3 * CH)],
            gsem[2],
        )
        for k in range(1, 3):
            pltpu.make_async_copy(
                rows[k % 2], out_hbm.at[c, pl.ds(15 * ZCH + k * CH, CH)], gsem[k % 2]
            ).wait()
        pltpu.make_async_copy(
            rows[2].at[pl.ds(0, ZLAST - 3 * CH)],
            out_hbm.at[c, pl.ds(15 * ZCH + 3 * CH, ZLAST - 3 * CH)],
            gsem[2],
        ).wait()


def _tc1_body(x_ref, w1_ref, degp_ref, g_ref, dinvb_ref):
    deg = degp_ref[0, 0, :] + degp_ref[1, 0, :] + 1.0
    dinv = lax.rsqrt(deg)
    db = jnp.broadcast_to(dinv[:, None], (N, D_H))
    h = jnp.dot(x_ref[...], w1_ref[...], preferred_element_type=jnp.float32)
    dinvb_ref[...] = db
    g_ref[...] = db * h


def _tc1(x, w1, degp):
    return pl.pallas_call(
        _tc1_body,
        out_shape=(
            jax.ShapeDtypeStruct((N, D_H), jnp.float32),
            jax.ShapeDtypeStruct((N, D_H), jnp.float32),
        ),
    )(x, w1, degp)


def _tc2_body(p_ref, g_ref, dinvb_ref, b1_ref, w2_ref, g2_ref):
    db = dinvb_ref[...]
    acc = p_ref[0] + p_ref[1] + g_ref[...]
    x2 = jnp.maximum(db * acc + b1_ref[...], 0.0)
    h2 = jnp.dot(x2, w2_ref[...], preferred_element_type=jnp.float32)
    g2_ref[...] = db * h2


def _tc2(p, g, dinvb, b1, w2):
    return pl.pallas_call(
        _tc2_body,
        out_shape=jax.ShapeDtypeStruct((N, D_H), jnp.float32),
    )(p, g, dinvb, b1, w2)


def _tc3_body(p_ref, g_ref, dinvb_ref, b2_ref, wfc_ref, bfc_ref, y_ref):
    db = dinvb_ref[...]
    acc = p_ref[0] + p_ref[1] + g_ref[...]
    x3 = jnp.maximum(db * acc + b2_ref[...], 0.0)
    y_ref[...] = (
        jnp.dot(x3, wfc_ref[...], preferred_element_type=jnp.float32) + bfc_ref[...]
    )


def _tc3(p, g, dinvb, b2, wfc, bfc):
    return pl.pallas_call(
        _tc3_body,
        out_shape=jax.ShapeDtypeStruct((N, 1), jnp.float32),
    )(p, g, dinvb, b2, wfc, bfc)


def kernel(x, edge_index, W1, b1, W2, b2, Wfc, bfc):
    pad = jnp.arange(E_PAD - E, dtype=jnp.int32) % PAD_ROWS
    src2d = jnp.concatenate([edge_index[0], pad]).reshape(E_PAD // CH, CH)
    dst2d = jnp.concatenate([edge_index[1], pad + N]).reshape(E_PAD // CH, CH)

    degp = _deg_kernel(dst2d)
    g1, dinvb = _tc1(x, W1, degp)
    p1 = _agg_kernel(g1, src2d, dst2d)
    g2 = _tc2(p1, g1, dinvb, b1.reshape(1, D_H), W2)
    p2 = _agg_kernel(g2, src2d, dst2d)
    return _tc3(p2, g2, dinvb, b2.reshape(1, D_H), Wfc, bfc.reshape(1, 1))

# --- scband reference (transcript-rebuilt; emitter-appended) ---
"""Pipeline reference for scband-gcnrecommendation-model-26852135535045 (READ-ONLY COPY).

The authoritative reference and input builder live on the scoring server;
editing this copy changes nothing except your own understanding.
"""

import jax, jax.numpy as jnp
import numpy as np

N = 10000
E = 320000
D_IN = 128
D_H = 64
D_OUT = 1


def setup_inputs(seed: int = 0) -> dict:
    key = jax.random.key(seed)
    ks = jax.random.split(key, 8)
    x = jax.random.normal(ks[0], (N, D_IN), dtype=jnp.float32)
    edge_index = jax.random.randint(ks[1], (2, E), 0, N, dtype=jnp.int32)
    W1 = jax.random.normal(ks[2], (D_IN, D_H), dtype=jnp.float32) * (1.0 / np.sqrt(D_IN))
    b1 = jnp.zeros((D_H,), dtype=jnp.float32)
    W2 = jax.random.normal(ks[3], (D_H, D_H), dtype=jnp.float32) * (1.0 / np.sqrt(D_H))
    b2 = jnp.zeros((D_H,), dtype=jnp.float32)
    Wfc = jax.random.normal(ks[4], (D_H, D_OUT), dtype=jnp.float32) * (1.0 / np.sqrt(D_H))
    bfc = jnp.zeros((D_OUT,), dtype=jnp.float32)
    return {"x": x, "edge_index": edge_index, "W1": W1, "b1": b1, "W2": W2, "b2": b2, "Wfc": Wfc, "bfc": bfc}


def _gcn_conv(x, edge_index, W, b):
    # PyG GCNConv: h = x @ W; add self-loops; norm = deg^-1/2[src]*deg^-1/2[dst];
    # out = scatter_add(norm * h[src] -> dst) + b
    h = x @ W
    loop = jnp.arange(N, dtype=edge_index.dtype)
    src = jnp.concatenate([edge_index[0], loop])
    dst = jnp.concatenate([edge_index[1], loop])
    deg = jax.ops.segment_sum(jnp.ones(src.shape[0], dtype=x.dtype), dst, num_segments=N)
    dinv = jax.lax.rsqrt(deg)  # deg >= 1 due to self-loops
    norm = dinv[src] * dinv[dst]
    msg = h[src] * norm[:, None]
    out = jax.ops.segment_sum(msg, dst, num_segments=N)
    return out + b


def reference(x, edge_index, W1, b1, W2, b2, Wfc, bfc):
    h = jax.nn.relu(_gcn_conv(x, edge_index, W1, b1))
    # dropout is identity in eval mode
    h = jax.nn.relu(_gcn_conv(h, edge_index, W2, b2))
    return h @ Wfc + bfc

if __name__ == "__main__":
    import jax
    _d = setup_inputs()
    print(jax.jit(kernel)(*tuple(_d.values())))

</pallas_src>

<mosaic_0001>
#map = affine_map<(d0, d1) -> (0, 0)>
#map1 = affine_map<(d0, d1) -> (0, 0, 0)>
module attributes {stable_mosaic.version = 14 : i64} {
  func.func @_agg_kernel(%arg0: i32, %arg1: i32, %arg2: memref<10000x64xf32, #tpu.memory_space<hbm>>, %arg3: memref<2560x128xi32, #tpu.memory_space<hbm>>, %arg4: memref<2560x128xi32, #tpu.memory_space<hbm>>, %arg5: memref<2x10000x64xf32, #tpu.memory_space<hbm>>, %arg6: memref<80x128xi32, #tpu.memory_space<vmem>>, %arg7: memref<80x128xi32, #tpu.memory_space<vmem>>, %arg8: memref<128x64xf32, #tpu.memory_space<vmem>>, %arg9: memref<128x64xf32, #tpu.memory_space<vmem>>, %arg10: memref<128x64xf32, #tpu.memory_space<vmem>>, %arg11: memref<128x64xf32, #tpu.memory_space<vmem>>, %arg12: memref<80x64xf32, #tpu.memory_space<vmem>>, %arg13: memref<10128x64xf32, #tpu.memory_space<vmem_shared>>, %arg14: memref<!tpu.dma_semaphore, #tpu.memory_space<semaphore_mem>>, %arg15: memref<!tpu.dma_semaphore, #tpu.memory_space<semaphore_mem>>, %arg16: memref<!tpu.dma_semaphore, #tpu.memory_space<semaphore_mem>>, %arg17: memref<!tpu.dma_semaphore, #tpu.memory_space<semaphore_mem>>, %arg18: memref<!tpu.dma_semaphore, #tpu.memory_space<semaphore_mem>>, %arg19: memref<!tpu.dma_semaphore, #tpu.memory_space<semaphore_mem>>, %arg20: memref<!tpu.dma_semaphore, #tpu.memory_space<semaphore_mem>>, %arg21: memref<!tpu.dma_semaphore, #tpu.memory_space<semaphore_mem>>, %arg22: memref<!tpu.dma_semaphore, #tpu.memory_space<semaphore_mem>>) attributes {dimension_semantics = [#tpu.dimension_semantics<core_parallel>, #tpu.dimension_semantics<subcore_parallel>], iteration_bounds = array<i64: 2, 16>, scalar_prefetch = 0 : i64, scratch_operands = 17 : i64, tpu.core_type = #tpu.core_type<sc_vector_subcore>, window_params = [{transform_indices = #map}, {transform_indices = #map}, {transform_indices = #map}, {transform_indices = #map1}]} {
    %mul3A = arith.constant 16 : i32
    %mul3A_0 = arith.muli %arg0, %mul3A : i32
    %add3A = arith.addi %mul3A_0, %arg1 : i32
    %mul3A_1 = arith.constant 80 : i32
    %mul3A_2 = arith.muli %add3A, %mul3A_1 : i32
    %scan3A = arith.constant 0 : i32
    %scan3A_3 = arith.constant 0 : i32
    %scan3A_4 = arith.constant 80 : i32
    %scan3A_5 = arith.addi %scan3A_3, %scan3A_4 : i32
    %scan3A_6 = arith.constant 1 : i32
    %scan3A_7 = scf.for %scan3A_103 = %scan3A_3 to %scan3A_5 step %scan3A_6 iter_args(%scan3A_104 = %scan3A) -> (i32)  : i32 {
      %scan3A_105 = arith.constant 0 : i32
      %scan3A_106 = arith.constant 0 : i32
      %scan3A_107 = arith.constant 4 : i32
      %scan3A_108 = arith.addi %scan3A_106, %scan3A_107 : i32
      %scan3A_109 = arith.constant 1 : i32
      %scan3A_110 = scf.for %scan3A_113 = %scan3A_106 to %scan3A_108 step %scan3A_109 iter_args(%scan3A_114 = %scan3A_105) -> (i32)  : i32 {
        %broadcast_in_dim3A = arith.constant 0.000000e+00 : f32
        %broadcast_in_dim3A_115 = vector.broadcast %broadcast_in_dim3A : f32 to vector<16xf32>
        %mul3A_116 = arith.constant 16 : i32
        %mul3A_117 = arith.muli %scan3A_113, %mul3A_116 : i32
        %swap3A = arith.index_cast %scan3A_103 : i32 to index
        %swap3A_118 = arith.index_cast %mul3A_117 : i32 to index
        %swap3A_119 = tpu.vector_load %arg12[%swap3A, %swap3A_118] {strides = array<i32>} : memref<80x64xf32, #tpu.memory_space<vmem>>, vector<1x16xf32>,
        %swap3A_120 = vector.shape_cast %swap3A_119 : vector<1x16xf32> to vector<16xf32>
        %swap3A_121 = vector.shape_cast %broadcast_in_dim3A_115 : vector<16xf32> to vector<1x16xf32>
        tpu.vector_store %arg12[%swap3A, %swap3A_118], %swap3A_121 {strides = array<i32>} : memref<80x64xf32, #tpu.memory_space<vmem>>, vector<1x16xf32>,
        %scan3A_122 = arith.constant 0 : i32
        scf.yield %scan3A_122 : i32
      }
      %scan3A_111 = arith.constant 4 : i32
      %scan3A_112 = arith.constant 0 : i32
      scf.yield %scan3A_112 : i32
    }
    %scan3A_8 = arith.constant 80 : i32
    %dma_start3A = arith.constant 0 : i32
    %dma_start3A_9 = tpu.memref_slice %arg3[%mul3A_2, %dma_start3A] : memref<2560x128xi32, #tpu.memory_space<hbm>> -> memref<80x128xi32, #tpu.memory_space<hbm>>
    %dma_start3A_10 = arith.constant 0 : i32
    %dma_start3A_11 = tpu.memref_slice %arg3[%mul3A_2, %dma_start3A_10] : memref<2560x128xi32, #tpu.memory_space<hbm>> -> memref<80x128xi32, #tpu.memory_space<hbm>>
    tpu.enqueue_dma source(%dma_start3A_11 : memref<80x128xi32, #tpu.memory_space<hbm>>) target(%arg6 : memref<80x128xi32, #tpu.memory_space<vmem>>) target_semaphore(%arg22 : memref<!tpu.dma_semaphore, #tpu.memory_space<semaphore_mem>>)
    %dma_start3A_12 = arith.constant 0 : i32
    %dma_start3A_13 = tpu.memref_slice %arg4[%mul3A_2, %dma_start3A_12] : memref<2560x128xi32, #tpu.memory_space<hbm>> -> memref<80x128xi32, #tpu.memory_space<hbm>>
    %dma_start3A_14 = arith.constant 0 : i32
    %dma_start3A_15 = tpu.memref_slice %arg4[%mul3A_2, %dma_start3A_14] : memref<2560x128xi32, #tpu.memory_space<hbm>> -> memref<80x128xi32, #tpu.memory_space<hbm>>
    tpu.enqueue_dma source(%dma_start3A_15 : memref<80x128xi32, #tpu.memory_space<hbm>>) target(%arg7 : memref<80x128xi32, #tpu.memory_space<vmem>>) target_semaphore(%arg22 : memref<!tpu.dma_semaphore, #tpu.memory_space<semaphore_mem>>)
    %lt3A = arith.constant 15 : i32
    %lt3A_16 = arith.cmpi slt, %arg1, %lt3A : i32
    %convert_element_type3A = arith.extui %lt3A_16 : i1 to i32
    %cond3A = arith.constant 0 : i32
    %cond3A_17 = arith.cmpi ne, %convert_element_type3A, %cond3A : i32
    scf.if %cond3A_17 {
      %scan3A_103 = arith.constant 0 : i32
      %scan3A_104 = arith.constant 0 : i32
      %scan3A_105 = arith.constant 8 : i32
      %scan3A_106 = arith.addi %scan3A_104, %scan3A_105 : i32
      %scan3A_107 = arith.constant 1 : i32
      %scan3A_108 = scf.for %scan3A_110 = %scan3A_104 to %scan3A_106 step %scan3A_107 iter_args(%scan3A_111 = %scan3A_103) -> (i32)  : i32 {
        %mul3A_112 = arith.constant 640 : i32
        %mul3A_113 = arith.muli %arg1, %mul3A_112 : i32
        %mul3A_114 = arith.constant 80 : i32
        %mul3A_115 = arith.muli %scan3A_110, %mul3A_114 : i32
        %add3A_116 = arith.addi %mul3A_113, %mul3A_115 : i32
        "tpu.region"() ({
          %run_scoped3A = tpu.sem_alloc : memref<!tpu.dma_semaphore, #tpu.memory_space<semaphore_mem>>
          %dma_start3A_118 = arith.constant 0 : i32
          %dma_start3A_119 = tpu.memref_slice %arg13[%add3A_116, %dma_start3A_118] : memref<10128x64xf32, #tpu.memory_space<vmem_shared>> -> memref<80x64xf32, #tpu.memory_space<vmem_shared>>
          %dma_start3A_120 = arith.constant 0 : i32
          %dma_start3A_121 = tpu.memref_slice %arg13[%add3A_116, %dma_start3A_120] : memref<10128x64xf32, #tpu.memory_space<vmem_shared>> -> memref<80x64xf32, #tpu.memory_space<vmem_shared>>
          tpu.enqueue_dma source(%arg12 : memref<80x64xf32, #tpu.memory_space<vmem>>) target(%dma_start3A_121 : memref<80x64xf32, #tpu.memory_space<vmem_shared>>) target_semaphore(%run_scoped3A : memref<!tpu.dma_semaphore, #tpu.memory_space<semaphore_mem>>)
          %dma_wait3A_122 = arith.constant 0 : i32
          %dma_wait3A_123 = tpu.memref_slice %arg13[%add3A_116, %dma_wait3A_122] : memref<10128x64xf32, #tpu.memory_space<vmem_shared>> -> memref<80x64xf32, #tpu.memory_space<vmem_shared>>
          %dma_wait3A_124 = arith.constant 0 : i32
          %dma_wait3A_125 = tpu.memref_slice %arg13[%add3A_116, %dma_wait3A_124] : memref<10128x64xf32, #tpu.memory_space<vmem_shared>> -> memref<80x64xf32, #tpu.memory_space<vmem_shared>>
          tpu.wait_dma2 semaphore(%run_scoped3A : memref<!tpu.dma_semaphore, #tpu.memory_space<semaphore_mem>>) src(%arg12 : memref<80x64xf32, #tpu.memory_space<vmem>>) dst(%dma_wait3A_125 : memref<80x64xf32, #tpu.memory_space<vmem_shared>>)
          tpu.yield
        }) : () -> ()
        %scan3A_117 = arith.constant 0 : i32
        scf.yield %scan3A_117 : i32
      }
      %scan3A_109 = arith.constant 8 : i32
    } else {
    }
    %eq3A = arith.constant 15 : i32
    %eq3A_18 = arith.cmpi eq, %arg1, %eq3A : i32
    %convert_element_type3A_19 = arith.extui %eq3A_18 : i1 to i32
    %cond3A_20 = arith.constant 0 : i32
    %cond3A_21 = arith.cmpi ne, %convert_element_type3A_19, %cond3A_20 : i32
    scf.if %cond3A_21 {
      %scan3A_103 = arith.constant 0 : i32
      %scan3A_104 = arith.constant 0 : i32
      %scan3A_105 = arith.constant 5 : i32
      %scan3A_106 = arith.addi %scan3A_104, %scan3A_105 : i32
      %scan3A_107 = arith.constant 1 : i32
      %scan3A_108 = scf.for %scan3A_110 = %scan3A_104 to %scan3A_106 step %scan3A_107 iter_args(%scan3A_111 = %scan3A_103) -> (i32)  : i32 {
        %mul3A_112 = arith.constant 80 : i32
        %mul3A_113 = arith.muli %scan3A_110, %mul3A_112 : i32
        %add3A_114 = arith.constant 9600 : i32
        %add3A_115 = arith.addi %add3A_114, %mul3A_113 : i32
        "tpu.region"() ({
          %run_scoped3A = tpu.sem_alloc : memref<!tpu.dma_semaphore, #tpu.memory_space<semaphore_mem>>
          %dma_start3A_117 = arith.constant 0 : i32
          %dma_start3A_118 = tpu.memref_slice %arg13[%add3A_115, %dma_start3A_117] : memref<10128x64xf32, #tpu.memory_space<vmem_shared>> -> memref<80x64xf32, #tpu.memory_space<vmem_shared>>
          %dma_start3A_119 = arith.constant 0 : i32
          %dma_start3A_120 = tpu.memref_slice %arg13[%add3A_115, %dma_start3A_119] : memref<10128x64xf32, #tpu.memory_space<vmem_shared>> -> memref<80x64xf32, #tpu.memory_space<vmem_shared>>
          tpu.enqueue_dma source(%arg12 : memref<80x64xf32, #tpu.memory_space<vmem>>) target(%dma_start3A_120 : memref<80x64xf32, #tpu.memory_space<vmem_shared>>) target_semaphore(%run_scoped3A : memref<!tpu.dma_semaphore, #tpu.memory_space<semaphore_mem>>)
          %dma_wait3A_121 = arith.constant 0 : i32
          %dma_wait3A_122 = tpu.memref_slice %arg13[%add3A_115, %dma_wait3A_121] : memref<10128x64xf32, #tpu.memory_space<vmem_shared>> -> memref<80x64xf32, #tpu.memory_space<vmem_shared>>
          %dma_wait3A_123 = arith.constant 0 : i32
          %dma_wait3A_124 = tpu.memref_slice %arg13[%add3A_115, %dma_wait3A_123] : memref<10128x64xf32, #tpu.memory_space<vmem_shared>> -> memref<80x64xf32, #tpu.memory_space<vmem_shared>>
          tpu.wait_dma2 semaphore(%run_scoped3A : memref<!tpu.dma_semaphore, #tpu.memory_space<semaphore_mem>>) src(%arg12 : memref<80x64xf32, #tpu.memory_space<vmem>>) dst(%dma_wait3A_124 : memref<80x64xf32, #tpu.memory_space<vmem_shared>>)
          tpu.yield
        }) : () -> ()
        %scan3A_116 = arith.constant 0 : i32
        scf.yield %scan3A_116 : i32
      }
      %scan3A_109 = arith.constant 5 : i32
    } else {
    }
    %dma_wait3A = arith.constant 0 : i32
    %dma_wait3A_22 = tpu.memref_slice %arg3[%mul3A_2, %dma_wait3A] : memref<2560x128xi32, #tpu.memory_space<hbm>> -> memref<80x128xi32, #tpu.memory_space<hbm>>
    %dma_wait3A_23 = arith.constant 0 : i32
    %dma_wait3A_24 = tpu.memref_slice %arg3[%mul3A_2, %dma_wait3A_23] : memref<2560x128xi32, #tpu.memory_space<hbm>> -> memref<80x128xi32, #tpu.memory_space<hbm>>
    tpu.wait_dma2 semaphore(%arg22 : memref<!tpu.dma_semaphore, #tpu.memory_space<semaphore_mem>>) src(%dma_wait3A_24 : memref<80x128xi32, #tpu.memory_space<hbm>>) dst(%arg6 : memref<80x128xi32, #tpu.memory_space<vmem>>)
    %dma_wait3A_25 = arith.constant 0 : i32
    %dma_wait3A_26 = tpu.memref_slice %arg4[%mul3A_2, %dma_wait3A_25] : memref<2560x128xi32, #tpu.memory_space<hbm>> -> memref<80x128xi32, #tpu.memory_space<hbm>>
    %dma_wait3A_27 = arith.constant 0 : i32
    %dma_wait3A_28 = tpu.memref_slice %arg4[%mul3A_2, %dma_wait3A_27] : memref<2560x128xi32, #tpu.memory_space<hbm>> -> memref<80x128xi32, #tpu.memory_space<hbm>>
    tpu.wait_dma2 semaphore(%arg22 : memref<!tpu.dma_semaphore, #tpu.memory_space<semaphore_mem>>) src(%dma_wait3A_28 : memref<80x128xi32, #tpu.memory_space<hbm>>) dst(%arg7 : memref<80x128xi32, #tpu.memory_space<vmem>>)
    %barrier3A = arith.constant 0 : index
    tpu.barrier barrier_id(%barrier3A)
    %dma_start3A_29 = arith.constant 0 : i32
    %dma_start3A_30 = arith.constant 0 : i32
    %dma_start3A_31 = tpu.memref_slice %arg6[%dma_start3A_29, %dma_start3A_30] : memref<80x128xi32, #tpu.memory_space<vmem>> -> memref<1x128xi32, #tpu.memory_space<vmem>>
    %dma_start3A_32 = tpu.memref_squeeze %dma_start3A_31 : memref<1x128xi32, #tpu.memory_space<vmem>> -> memref<128xi32, #tpu.memory_space<vmem>>
    %dma_start3A_33 = arith.constant 0 : i32
    %dma_start3A_34 = arith.constant 0 : i32
    %dma_start3A_35 = tpu.memref_slice %arg2[%dma_start3A_33, %dma_start3A_34] : memref<10000x64xf32, #tpu.memory_space<hbm>> -> memref<10000x64xf32, #tpu.memory_space<hbm>>
    tpu.enqueue_indirect_dma source(%dma_start3A_35 : memref<10000x64xf32, #tpu.memory_space<hbm>>) target(%arg8 : memref<128x64xf32, #tpu.memory_space<vmem>>) offsets(%dma_start3A_32 : memref<128xi32, #tpu.memory_space<vmem>>) semaphore(%arg14 : memref<!tpu.dma_semaphore, #tpu.memory_space<semaphore_mem>>)
    %dma_start3A_36 = arith.constant 1 : i32
    %dma_start3A_37 = arith.constant 0 : i32
    %dma_start3A_38 = tpu.memref_slice %arg6[%dma_start3A_36, %dma_start3A_37] : memref<80x128xi32, #tpu.memory_space<vmem>> -> memref<1x128xi32, #tpu.memory_space<vmem>>
    %dma_start3A_39 = tpu.memref_squeeze %dma_start3A_38 : memref<1x128xi32, #tpu.memory_space<vmem>> -> memref<128xi32, #tpu.memory_space<vmem>>
    %dma_start3A_40 = arith.constant 0 : i32
    %dma_start3A_41 = arith.constant 0 : i32
    %dma_start3A_42 = tpu.memref_slice %arg2[%dma_start3A_40, %dma_start3A_41] : memref<10000x64xf32, #tpu.memory_space<hbm>> -> memref<10000x64xf32, #tpu.memory_space<hbm>>
    tpu.enqueue_indirect_dma source(%dma_start3A_42 : memref<10000x64xf32, #tpu.memory_space<hbm>>) target(%arg9 : memref<128x64xf32, #tpu.memory_space<vmem>>) offsets(%dma_start3A_39 : memref<128xi32, #tpu.memory_space<vmem>>) semaphore(%arg15 : memref<!tpu.dma_semaphore, #tpu.memory_space<semaphore_mem>>)
    %dma_start3A_43 = arith.constant 2 : i32
    %dma_start3A_44 = arith.constant 0 : i32
    %dma_start3A_45 = tpu.memref_slice %arg6[%dma_start3A_43, %dma_start3A_44] : memref<80x128xi32, #tpu.memory_space<vmem>> -> memref<1x128xi32, #tpu.memory_space<vmem>>
    %dma_start3A_46 = tpu.memref_squeeze %dma_start3A_45 : memref<1x128xi32, #tpu.memory_space<vmem>> -> memref<128xi32, #tpu.memory_space<vmem>>
    %dma_start3A_47 = arith.constant 0 : i32
    %dma_start3A_48 = arith.constant 0 : i32
    %dma_start3A_49 = tpu.memref_slice %arg2[%dma_start3A_47, %dma_start3A_48] : memref<10000x64xf32, #tpu.memory_space<hbm>> -> memref<10000x64xf32, #tpu.memory_space<hbm>>
    tpu.enqueue_indirect_dma source(%dma_start3A_49 : memref<10000x64xf32, #tpu.memory_space<hbm>>) target(%arg10 : memref<128x64xf32, #tpu.memory_space<vmem>>) offsets(%dma_start3A_46 : memref<128xi32, #tpu.memory_space<vmem>>) semaphore(%arg16 : memref<!tpu.dma_semaphore, #tpu.memory_space<semaphore_mem>>)
    %dma_start3A_50 = arith.constant 3 : i32
    %dma_start3A_51 = arith.constant 0 : i32
    %dma_start3A_52 = tpu.memref_slice %arg6[%dma_start3A_50, %dma_start3A_51] : memref<80x128xi32, #tpu.memory_space<vmem>> -> memref<1x128xi32, #tpu.memory_space<vmem>>
    %dma_start3A_53 = tpu.memref_squeeze %dma_start3A_52 : memref<1x128xi32, #tpu.memory_space<vmem>> -> memref<128xi32, #tpu.memory_space<vmem>>
    %dma_start3A_54 = arith.constant 0 : i32
    %dma_start3A_55 = arith.constant 0 : i32
    %dma_start3A_56 = tpu.memref_slice %arg2[%dma_start3A_54, %dma_start3A_55] : memref<10000x64xf32, #tpu.memory_space<hbm>> -> memref<10000x64xf32, #tpu.memory_space<hbm>>
    tpu.enqueue_indirect_dma source(%dma_start3A_56 : memref<10000x64xf32, #tpu.memory_space<hbm>>) target(%arg11 : memref<128x64xf32, #tpu.memory_space<vmem>>) offsets(%dma_start3A_53 : memref<128xi32, #tpu.memory_space<vmem>>) semaphore(%arg17 : memref<!tpu.dma_semaphore, #tpu.memory_space<semaphore_mem>>)
    %scan3A_57 = arith.constant 0 : i32
    %scan3A_58 = arith.constant 0 : i32
    %scan3A_59 = arith.constant 20 : i32
    %scan3A_60 = arith.addi %scan3A_58, %scan3A_59 : i32
    %scan3A_61 = arith.constant 1 : i32
    %scan3A_62 = scf.for %scan3A_103 = %scan3A_58 to %scan3A_60 step %scan3A_61 iter_args(%scan3A_104 = %scan3A_57) -> (i32)  : i32 {
      %mul3A_105 = arith.constant 4 : i32
      %mul3A_106 = arith.muli %mul3A_105, %scan3A_103 : i32
      %add3A_107 = arith.constant 0 : i32
      %add3A_108 = arith.addi %mul3A_106, %add3A_107 : i32
      %dma_wait3A_109 = arith.constant 0 : i32
      %dma_wait3A_110 = tpu.memref_slice %arg6[%add3A_108, %dma_wait3A_109] : memref<80x128xi32, #tpu.memory_space<vmem>> -> memref<1x128xi32, #tpu.memory_space<vmem>>
      %dma_wait3A_111 = tpu.memref_squeeze %dma_wait3A_110 : memref<1x128xi32, #tpu.memory_space<vmem>> -> memref<128xi32, #tpu.memory_space<vmem>>
      %dma_wait3A_112 = arith.constant 0 : i32
      %dma_wait3A_113 = arith.constant 0 : i32
      %dma_wait3A_114 = tpu.memref_slice %arg2[%dma_wait3A_112, %dma_wait3A_113] : memref<10000x64xf32, #tpu.memory_space<hbm>> -> memref<10000x64xf32, #tpu.memory_space<hbm>>
      tpu.wait_indirect_dma semaphore(%arg14 : memref<!tpu.dma_semaphore, #tpu.memory_space<semaphore_mem>>) src(%dma_wait3A_114 : memref<10000x64xf32, #tpu.memory_space<hbm>>) dst(%arg8 : memref<128x64xf32, #tpu.memory_space<vmem>>)
      %dma_start3A_115 = arith.constant 0 : i32
      %dma_start3A_116 = tpu.memref_slice %arg7[%add3A_108, %dma_start3A_115] : memref<80x128xi32, #tpu.memory_space<vmem>> -> memref<1x128xi32, #tpu.memory_space<vmem>>
      %dma_start3A_117 = tpu.memref_squeeze %dma_start3A_116 : memref<1x128xi32, #tpu.memory_space<vmem>> -> memref<128xi32, #tpu.memory_space<vmem>>
      %dma_start3A_118 = arith.constant 0 : i32
      %dma_start3A_119 = arith.constant 0 : i32
      %dma_start3A_120 = tpu.memref_slice %arg13[%dma_start3A_118, %dma_start3A_119] : memref<10128x64xf32, #tpu.memory_space<vmem_shared>> -> memref<10128x64xf32, #tpu.memory_space<vmem_shared>>
      tpu.enqueue_indirect_dma source(%arg8 : memref<128x64xf32, #tpu.memory_space<vmem>>) target(%dma_start3A_120 : memref<10128x64xf32, #tpu.memory_space<vmem_shared>>) offsets(%dma_start3A_117 : memref<128xi32, #tpu.memory_space<vmem>>) semaphore(%arg18 : memref<!tpu.dma_semaphore, #tpu.memory_space<semaphore_mem>>) {add = true}
      %add3A_121 = arith.constant 1 : i32
      %add3A_122 = arith.addi %mul3A_106, %add3A_121 : i32
      %dma_wait3A_123 = arith.constant 0 : i32
      %dma_wait3A_124 = tpu.memref_slice %arg6[%add3A_122, %dma_wait3A_123] : memref<80x128xi32, #tpu.memory_space<vmem>> -> memref<1x128xi32, #tpu.memory_space<vmem>>
      %dma_wait3A_125 = tpu.memref_squeeze %dma_wait3A_124 : memref<1x128xi32, #tpu.memory_space<vmem>> -> memref<128xi32, #tpu.memory_space<vmem>>
      %dma_wait3A_126 = arith.constant 0 : i32
      %dma_wait3A_127 = arith.constant 0 : i32
      %dma_wait3A_128 = tpu.memref_slice %arg2[%dma_wait3A_126, %dma_wait3A_127] : memref<10000x64xf32, #tpu.memory_space<hbm>> -> memref<10000x64xf32, #tpu.memory_space<hbm>>
      tpu.wait_indirect_dma semaphore(%arg15 : memref<!tpu.dma_semaphore, #tpu.memory_space<semaphore_mem>>) src(%dma_wait3A_128 : memref<10000x64xf32, #tpu.memory_space<hbm>>) dst(%arg9 : memref<128x64xf32, #tpu.memory_space<vmem>>)
      %dma_start3A_129 = arith.constant 0 : i32
      %dma_start3A_130 = tpu.memref_slice %arg7[%add3A_122, %dma_start3A_129] : memref<80x128xi32, #tpu.memory_space<vmem>> -> memref<1x128xi32, #tpu.memory_space<vmem>>
      %dma_start3A_131 = tpu.memref_squeeze %dma_start3A_130 : memref<1x128xi32, #tpu.memory_space<vmem>> -> memref<128xi32, #tpu.memory_space<vmem>>
      %dma_start3A_132 = arith.constant 0 : i32
      %dma_start3A_133 = arith.constant 0 : i32
      %dma_start3A_134 = tpu.memref_slice %arg13[%dma_start3A_132, %dma_start3A_133] : memref<10128x64xf32, #tpu.memory_space<vmem_shared>> -> memref<10128x64xf32, #tpu.memory_space<vmem_shared>>
      tpu.enqueue_indirect_dma source(%arg9 : memref<128x64xf32, #tpu.memory_space<vmem>>) target(%dma_start3A_134 : memref<10128x64xf32, #tpu.memory_space<vmem_shared>>) offsets(%dma_start3A_131 : memref<128xi32, #tpu.memory_space<vmem>>) semaphore(%arg19 : memref<!tpu.dma_semaphore, #tpu.memory_space<semaphore_mem>>) {add = true}
      %add3A_135 = arith.constant 2 : i32
      %add3A_136 = arith.addi %mul3A_106, %add3A_135 : i32
      %dma_wait3A_137 = arith.constant 0 : i32
      %dma_wait3A_138 = tpu.memref_slice %arg6[%add3A_136, %dma_wait3A_137] : memref<80x128xi32, #tpu.memory_space<vmem>> -> memref<1x128xi32, #tpu.memory_space<vmem>>
      %dma_wait3A_139 = tpu.memref_squeeze %dma_wait3A_138 : memref<1x128xi32, #tpu.memory_space<vmem>> -> memref<128xi32, #tpu.memory_space<vmem>>
      %dma_wait3A_140 = arith.constant 0 : i32
      %dma_wait3A_141 = arith.constant 0 : i32
      %dma_wait3A_142 = tpu.memref_slice %arg2[%dma_wait3A_140, %dma_wait3A_141] : memref<10000x64xf32, #tpu.memory_space<hbm>> -> memref<10000x64xf32, #tpu.memory_space<hbm>>
      tpu.wait_indirect_dma semaphore(%arg16 : memref<!tpu.dma_semaphore, #tpu.memory_space<semaphore_mem>>) src(%dma_wait3A_142 : memref<10000x64xf32, #tpu.memory_space<hbm>>) dst(%arg10 : memref<128x64xf32, #tpu.memory_space<vmem>>)
      %dma_start3A_143 = arith.constant 0 : i32
      %dma_start3A_144 = tpu.memref_slice %arg7[%add3A_136, %dma_start3A_143] : memref<80x128xi32, #tpu.memory_space<vmem>> -> memref<1x128xi32, #tpu.memory_space<vmem>>
      %dma_start3A_145 = tpu.memref_squeeze %dma_start3A_144 : memref<1x128xi32, #tpu.memory_space<vmem>> -> memref<128xi32, #tpu.memory_space<vmem>>
      %dma_start3A_146 = arith.constant 0 : i32
      %dma_start3A_147 = arith.constant 0 : i32
      %dma_start3A_148 = tpu.memref_slice %arg13[%dma_start3A_146, %dma_start3A_147] : memref<10128x64xf32, #tpu.memory_space<vmem_shared>> -> memref<10128x64xf32, #tpu.memory_space<vmem_shared>>
      tpu.enqueue_indirect_dma source(%arg10 : memref<128x64xf32, #tpu.memory_space<vmem>>) target(%dma_start3A_148 : memref<10128x64xf32, #tpu.memory_space<vmem_shared>>) offsets(%dma_start3A_145 : memref<128xi32, #tpu.memory_space<vmem>>) semaphore(%arg20 : memref<!tpu.dma_semaphore, #tpu.memory_space<semaphore_mem>>) {add = true}
      %add3A_149 = arith.constant 3 : i32
      %add3A_150 = arith.addi %mul3A_106, %add3A_149 : i32
      %dma_wait3A_151 = arith.constant 0 : i32
      %dma_wait3A_152 = tpu.memref_slice %arg6[%add3A_150, %dma_wait3A_151] : memref<80x128xi32, #tpu.memory_space<vmem>> -> memref<1x128xi32, #tpu.memory_space<vmem>>
      %dma_wait3A_153 = tpu.memref_squeeze %dma_wait3A_152 : memref<1x128xi32, #tpu.memory_space<vmem>> -> memref<128xi32, #tpu.memory_space<vmem>>
      %dma_wait3A_154 = arith.constant 0 : i32
      %dma_wait3A_155 = arith.constant 0 : i32
      %dma_wait3A_156 = tpu.memref_slice %arg2[%dma_wait3A_154, %dma_wait3A_155] : memref<10000x64xf32, #tpu.memory_space<hbm>> -> memref<10000x64xf32, #tpu.memory_space<hbm>>
      tpu.wait_indirect_dma semaphore(%arg17 : memref<!tpu.dma_semaphore, #tpu.memory_space<semaphore_mem>>) src(%dma_wait3A_156 : memref<10000x64xf32, #tpu.memory_space<hbm>>) dst(%arg11 : memref<128x64xf32, #tpu.memory_space<vmem>>)
      %dma_start3A_157 = arith.constant 0 : i32
      %dma_start3A_158 = tpu.memref_slice %arg7[%add3A_150, %dma_start3A_157] : memref<80x128xi32, #tpu.memory_space<vmem>> -> memref<1x128xi32, #tpu.memory_space<vmem>>
      %dma_start3A_159 = tpu.memref_squeeze %dma_start3A_158 : memref<1x128xi32, #tpu.memory_space<vmem>> -> memref<128xi32, #tpu.memory_space<vmem>>
      %dma_start3A_160 = arith.constant 0 : i32
      %dma_start3A_161 = arith.constant 0 : i32
      %dma_start3A_162 = tpu.memref_slice %arg13[%dma_start3A_160, %dma_start3A_161] : memref<10128x64xf32, #tpu.memory_space<vmem_shared>> -> memref<10128x64xf32, #tpu.memory_space<vmem_shared>>
      tpu.enqueue_indirect_dma source(%arg11 : memref<128x64xf32, #tpu.memory_space<vmem>>) target(%dma_start3A_162 : memref<10128x64xf32, #tpu.memory_space<vmem_shared>>) offsets(%dma_start3A_159 : memref<128xi32, #tpu.memory_space<vmem>>) semaphore(%arg21 : memref<!tpu.dma_semaphore, #tpu.memory_space<semaphore_mem>>) {add = true}
      %add3A_163 = arith.constant 0 : i32
      %add3A_164 = arith.addi %mul3A_106, %add3A_163 : i32
      %add3A_165 = arith.constant 4 : i32
      %add3A_166 = arith.addi %add3A_164, %add3A_165 : i32
      %lt3A_167 = arith.constant 80 : i32
      %lt3A_168 = arith.cmpi slt, %add3A_166, %lt3A_167 : i32
      %convert_element_type3A_169 = arith.extui %lt3A_168 : i1 to i32
      %cond3A_170 = arith.constant 0 : i32
      %cond3A_171 = arith.cmpi ne, %convert_element_type3A_169, %cond3A_170 : i32
      scf.if %cond3A_171 {
        %add3A_200 = arith.constant 0 : i32
        %add3A_201 = arith.addi %mul3A_106, %add3A_200 : i32
        %dma_wait3A_202 = arith.constant 0 : i32
        %dma_wait3A_203 = tpu.memref_slice %arg7[%add3A_201, %dma_wait3A_202] : memref<80x128xi32, #tpu.memory_space<vmem>> -> memref<1x128xi32, #tpu.memory_space<vmem>>
        %dma_wait3A_204 = tpu.memref_squeeze %dma_wait3A_203 : memref<1x128xi32, #tpu.memory_space<vmem>> -> memref<128xi32, #tpu.memory_space<vmem>>
        %dma_wait3A_205 = arith.constant 0 : i32
        %dma_wait3A_206 = arith.constant 0 : i32
        %dma_wait3A_207 = tpu.memref_slice %arg13[%dma_wait3A_205, %dma_wait3A_206] : memref<10128x64xf32, #tpu.memory_space<vmem_shared>> -> memref<10128x64xf32, #tpu.memory_space<vmem_shared>>
        tpu.wait_indirect_dma semaphore(%arg18 : memref<!tpu.dma_semaphore, #tpu.memory_space<semaphore_mem>>) src(%arg8 : memref<128x64xf32, #tpu.memory_space<vmem>>) dst(%dma_wait3A_207 : memref<10128x64xf32, #tpu.memory_space<vmem_shared>>)
        %dma_start3A_208 = arith.constant 0 : i32
        %dma_start3A_209 = tpu.memref_slice %arg6[%add3A_166, %dma_start3A_208] : memref<80x128xi32, #tpu.memory_space<vmem>> -> memref<1x128xi32, #tpu.memory_space<vmem>>
        %dma_start3A_210 = tpu.memref_squeeze %dma_start3A_209 : memref<1x128xi32, #tpu.memory_space<vmem>> -> memref<128xi32, #tpu.memory_space<vmem>>
        %dma_start3A_211 = arith.constant 0 : i32
        %dma_start3A_212 = arith.constant 0 : i32
        %dma_start3A_213 = tpu.memref_slice %arg2[%dma_start3A_211, %dma_start3A_212] : memref<10000x64xf32, #tpu.memory_space<hbm>> -> memref<10000x64xf32, #tpu.memory_space<hbm>>
        tpu.enqueue_indirect_dma source(%dma_start3A_213 : memref<10000x64xf32, #tpu.memory_space<hbm>>) target(%arg8 : memref<128x64xf32, #tpu.memory_space<vmem>>) offsets(%dma_start3A_210 : memref<128xi32, #tpu.memory_space<vmem>>) semaphore(%arg14 : memref<!tpu.dma_semaphore, #tpu.memory_space<semaphore_mem>>)
      } else {
      }
      %add3A_172 = arith.constant 1 : i32
      %add3A_173 = arith.addi %mul3A_106, %add3A_172 : i32
      %add3A_174 = arith.constant 4 : i32
      %add3A_175 = arith.addi %add3A_173, %add3A_174 : i32
      %lt3A_176 = arith.constant 80 : i32
      %lt3A_177 = arith.cmpi slt, %add3A_175, %lt3A_176 : i32
      %convert_element_type3A_178 = arith.extui %lt3A_177 : i1 to i32
      %cond3A_179 = arith.constant 0 : i32
      %cond3A_180 = arith.cmpi ne, %convert_element_type3A_178, %cond3A_179 : i32
      scf.if %cond3A_180 {
        %add3A_200 = arith.constant 1 : i32
        %add3A_201 = arith.addi %mul3A_106, %add3A_200 : i32
        %dma_wait3A_202 = arith.constant 0 : i32
        %dma_wait3A_203 = tpu.memref_slice %arg7[%add3A_201, %dma_wait3A_202] : memref<80x128xi32, #tpu.memory_space<vmem>> -> memref<1x128xi32, #tpu.memory_space<vmem>>
        %dma_wait3A_204 = tpu.memref_squeeze %dma_wait3A_203 : memref<1x128xi32, #tpu.memory_space<vmem>> -> memref<128xi32, #tpu.memory_space<vmem>>
        %dma_wait3A_205 = arith.constant 0 : i32
        %dma_wait3A_206 = arith.constant 0 : i32
        %dma_wait3A_207 = tpu.memref_slice %arg13[%dma_wait3A_205, %dma_wait3A_206] : memref<10128x64xf32, #tpu.memory_space<vmem_shared>> -> memref<10128x64xf32, #tpu.memory_space<vmem_shared>>
        tpu.wait_indirect_dma semaphore(%arg19 : memref<!tpu.dma_semaphore, #tpu.memory_space<semaphore_mem>>) src(%arg9 : memref<128x64xf32, #tpu.memory_space<vmem>>) dst(%dma_wait3A_207 : memref<10128x64xf32, #tpu.memory_space<vmem_shared>>)
        %dma_start3A_208 = arith.constant 0 : i32
        %dma_start3A_209 = tpu.memref_slice %arg6[%add3A_175, %dma_start3A_208] : memref<80x128xi32, #tpu.memory_space<vmem>> -> memref<1x128xi32, #tpu.memory_space<vmem>>
        %dma_start3A_210 = tpu.memref_squeeze %dma_start3A_209 : memref<1x128xi32, #tpu.memory_space<vmem>> -> memref<128xi32, #tpu.memory_space<vmem>>
        %dma_start3A_211 = arith.constant 0 : i32
        %dma_start3A_212 = arith.constant 0 : i32
        %dma_start3A_213 = tpu.memref_slice %arg2[%dma_start3A_211, %dma_start3A_212] : memref<10000x64xf32, #tpu.memory_space<hbm>> -> memref<10000x64xf32, #tpu.memory_space<hbm>>
        tpu.enqueue_indirect_dma source(%dma_start3A_213 : memref<10000x64xf32, #tpu.memory_space<hbm>>) target(%arg9 : memref<128x64xf32, #tpu.memory_space<vmem>>) offsets(%dma_start3A_210 : memref<128xi32, #tpu.memory_space<vmem>>) semaphore(%arg15 : memref<!tpu.dma_semaphore, #tpu.memory_space<semaphore_mem>>)
      } else {
      }
      %add3A_181 = arith.constant 2 : i32
      %add3A_182 = arith.addi %mul3A_106, %add3A_181 : i32
      %add3A_183 = arith.constant 4 : i32
      %add3A_184 = arith.addi %add3A_182, %add3A_183 : i32
      %lt3A_185 = arith.constant 80 : i32
      %lt3A_186 = arith.cmpi slt, %add3A_184, %lt3A_185 : i32
      %convert_element_type3A_187 = arith.extui %lt3A_186 : i1 to i32
      %cond3A_188 = arith.constant 0 : i32
      %cond3A_189 = arith.cmpi ne, %convert_element_type3A_187, %cond3A_188 : i32
      scf.if %cond3A_189 {
        %add3A_200 = arith.constant 2 : i32
        %add3A_201 = arith.addi %mul3A_106, %add3A_200 : i32
        %dma_wait3A_202 = arith.constant 0 : i32
        %dma_wait3A_203 = tpu.memref_slice %arg7[%add3A_201, %dma_wait3A_202] : memref<80x128xi32, #tpu.memory_space<vmem>> -> memref<1x128xi32, #tpu.memory_space<vmem>>
        %dma_wait3A_204 = tpu.memref_squeeze %dma_wait3A_203 : memref<1x128xi32, #tpu.memory_space<vmem>> -> memref<128xi32, #tpu.memory_space<vmem>>
        %dma_wait3A_205 = arith.constant 0 : i32
        %dma_wait3A_206 = arith.constant 0 : i32
        %dma_wait3A_207 = tpu.memref_slice %arg13[%dma_wait3A_205, %dma_wait3A_206] : memref<10128x64xf32, #tpu.memory_space<vmem_shared>> -> memref<10128x64xf32, #tpu.memory_space<vmem_shared>>
        tpu.wait_indirect_dma semaphore(%arg20 : memref<!tpu.dma_semaphore, #tpu.memory_space<semaphore_mem>>) src(%arg10 : memref<128x64xf32, #tpu.memory_space<vmem>>) dst(%dma_wait3A_207 : memref<10128x64xf32, #tpu.memory_space<vmem_shared>>)
        %dma_start3A_208 = arith.constant 0 : i32
        %dma_start3A_209 = tpu.memref_slice %arg6[%add3A_184, %dma_start3A_208] : memref<80x128xi32, #tpu.memory_space<vmem>> -> memref<1x128xi32, #tpu.memory_space<vmem>>
        %dma_start3A_210 = tpu.memref_squeeze %dma_start3A_209 : memref<1x128xi32, #tpu.memory_space<vmem>> -> memref<128xi32, #tpu.memory_space<vmem>>
        %dma_start3A_211 = arith.constant 0 : i32
        %dma_start3A_212 = arith.constant 0 : i32
        %dma_start3A_213 = tpu.memref_slice %arg2[%dma_start3A_211, %dma_start3A_212] : memref<10000x64xf32, #tpu.memory_space<hbm>> -> memref<10000x64xf32, #tpu.memory_space<hbm>>
        tpu.enqueue_indirect_dma source(%dma_start3A_213 : memref<10000x64xf32, #tpu.memory_space<hbm>>) target(%arg10 : memref<128x64xf32, #tpu.memory_space<vmem>>) offsets(%dma_start3A_210 : memref<128xi32, #tpu.memory_space<vmem>>) semaphore(%arg16 : memref<!tpu.dma_semaphore, #tpu.memory_space<semaphore_mem>>)
      } else {
      }
      %add3A_190 = arith.constant 3 : i32
      %add3A_191 = arith.addi %mul3A_106, %add3A_190 : i32
      %add3A_192 = arith.constant 4 : i32
      %add3A_193 = arith.addi %add3A_191, %add3A_192 : i32
      %lt3A_194 = arith.constant 80 : i32
      %lt3A_195 = arith.cmpi slt, %add3A_193, %lt3A_194 : i32
      %convert_element_type3A_196 = arith.extui %lt3A_195 : i1 to i32
      %cond3A_197 = arith.constant 0 : i32
      %cond3A_198 = arith.cmpi ne, %convert_element_type3A_196, %cond3A_197 : i32
      scf.if %cond3A_198 {
        %add3A_200 = arith.constant 3 : i32
        %add3A_201 = arith.addi %mul3A_106, %add3A_200 : i32
        %dma_wait3A_202 = arith.constant 0 : i32
        %dma_wait3A_203 = tpu.memref_slice %arg7[%add3A_201, %dma_wait3A_202] : memref<80x128xi32, #tpu.memory_space<vmem>> -> memref<1x128xi32, #tpu.memory_space<vmem>>
        %dma_wait3A_204 = tpu.memref_squeeze %dma_wait3A_203 : memref<1x128xi32, #tpu.memory_space<vmem>> -> memref<128xi32, #tpu.memory_space<vmem>>
        %dma_wait3A_205 = arith.constant 0 : i32
        %dma_wait3A_206 = arith.constant 0 : i32
        %dma_wait3A_207 = tpu.memref_slice %arg13[%dma_wait3A_205, %dma_wait3A_206] : memref<10128x64xf32, #tpu.memory_space<vmem_shared>> -> memref<10128x64xf32, #tpu.memory_space<vmem_shared>>
        tpu.wait_indirect_dma semaphore(%arg21 : memref<!tpu.dma_semaphore, #tpu.memory_space<semaphore_mem>>) src(%arg11 : memref<128x64xf32, #tpu.memory_space<vmem>>) dst(%dma_wait3A_207 : memref<10128x64xf32, #tpu.memory_space<vmem_shared>>)
        %dma_start3A_208 = arith.constant 0 : i32
        %dma_start3A_209 = tpu.memref_slice %arg6[%add3A_193, %dma_start3A_208] : memref<80x128xi32, #tpu.memory_space<vmem>> -> memref<1x128xi32, #tpu.memory_space<vmem>>
        %dma_start3A_210 = tpu.memref_squeeze %dma_start3A_209 : memref<1x128xi32, #tpu.memory_space<vmem>> -> memref<128xi32, #tpu.memory_space<vmem>>
        %dma_start3A_211 = arith.constant 0 : i32
        %dma_start3A_212 = arith.constant 0 : i32
        %dma_start3A_213 = tpu.memref_slice %arg2[%dma_start3A_211, %dma_start3A_212] : memref<10000x64xf32, #tpu.memory_space<hbm>> -> memref<10000x64xf32, #tpu.memory_space<hbm>>
        tpu.enqueue_indirect_dma source(%dma_start3A_213 : memref<10000x64xf32, #tpu.memory_space<hbm>>) target(%arg11 : memref<128x64xf32, #tpu.memory_space<vmem>>) offsets(%dma_start3A_210 : memref<128xi32, #tpu.memory_space<vmem>>) semaphore(%arg17 : memref<!tpu.dma_semaphore, #tpu.memory_space<semaphore_mem>>)
      } else {
      }
      %scan3A_199 = arith.constant 0 : i32
      scf.yield %scan3A_199 : i32
    }
    %scan3A_63 = arith.constant 20 : i32
    %dma_wait3A_64 = arith.constant 76 : i32
    %dma_wait3A_65 = arith.constant 0 : i32
    %dma_wait3A_66 = tpu.memref_slice %arg7[%dma_wait3A_64, %dma_wait3A_65] : memref<80x128xi32, #tpu.memory_space<vmem>> -> memref<1x128xi32, #tpu.memory_space<vmem>>
    %dma_wait3A_67 = tpu.memref_squeeze %dma_wait3A_66 : memref<1x128xi32, #tpu.memory_space<vmem>> -> memref<128xi32, #tpu.memory_space<vmem>>
    %dma_wait3A_68 = arith.constant 0 : i32
    %dma_wait3A_69 = arith.constant 0 : i32
    %dma_wait3A_70 = tpu.memref_slice %arg13[%dma_wait3A_68, %dma_wait3A_69] : memref<10128x64xf32, #tpu.memory_space<vmem_shared>> -> memref<10128x64xf32, #tpu.memory_space<vmem_shared>>
    tpu.wait_indirect_dma semaphore(%arg18 : memref<!tpu.dma_semaphore, #tpu.memory_space<semaphore_mem>>) src(%arg8 : memref<128x64xf32, #tpu.memory_space<vmem>>) dst(%dma_wait3A_70 : memref<10128x64xf32, #tpu.memory_space<vmem_shared>>)
    %dma_wait3A_71 = arith.constant 77 : i32
    %dma_wait3A_72 = arith.constant 0 : i32
    %dma_wait3A_73 = tpu.memref_slice %arg7[%dma_wait3A_71, %dma_wait3A_72] : memref<80x128xi32, #tpu.memory_space<vmem>> -> memref<1x128xi32, #tpu.memory_space<vmem>>
    %dma_wait3A_74 = tpu.memref_squeeze %dma_wait3A_73 : memref<1x128xi32, #tpu.memory_space<vmem>> -> memref<128xi32, #tpu.memory_space<vmem>>
    %dma_wait3A_75 = arith.constant 0 : i32
    %dma_wait3A_76 = arith.constant 0 : i32
    %dma_wait3A_77 = tpu.memref_slice %arg13[%dma_wait3A_75, %dma_wait3A_76] : memref<10128x64xf32, #tpu.memory_space<vmem_shared>> -> memref<10128x64xf32, #tpu.memory_space<vmem_shared>>
    tpu.wait_indirect_dma semaphore(%arg19 : memref<!tpu.dma_semaphore, #tpu.memory_space<semaphore_mem>>) src(%arg9 : memref<128x64xf32, #tpu.memory_space<vmem>>) dst(%dma_wait3A_77 : memref<10128x64xf32, #tpu.memory_space<vmem_shared>>)
    %dma_wait3A_78 = arith.constant 78 : i32
    %dma_wait3A_79 = arith.constant 0 : i32
    %dma_wait3A_80 = tpu.memref_slice %arg7[%dma_wait3A_78, %dma_wait3A_79] : memref<80x128xi32, #tpu.memory_space<vmem>> -> memref<1x128xi32, #tpu.memory_space<vmem>>
    %dma_wait3A_81 = tpu.memref_squeeze %dma_wait3A_80 : memref<1x128xi32, #tpu.memory_space<vmem>> -> memref<128xi32, #tpu.memory_space<vmem>>
    %dma_wait3A_82 = arith.constant 0 : i32
    %dma_wait3A_83 = arith.constant 0 : i32
    %dma_wait3A_84 = tpu.memref_slice %arg13[%dma_wait3A_82, %dma_wait3A_83] : memref<10128x64xf32, #tpu.memory_space<vmem_shared>> -> memref<10128x64xf32, #tpu.memory_space<vmem_shared>>
    tpu.wait_indirect_dma semaphore(%arg20 : memref<!tpu.dma_semaphore, #tpu.memory_space<semaphore_mem>>) src(%arg10 : memref<128x64xf32, #tpu.memory_space<vmem>>) dst(%dma_wait3A_84 : memref<10128x64xf32, #tpu.memory_space<vmem_shared>>)
    %dma_wait3A_85 = arith.constant 79 : i32
    %dma_wait3A_86 = arith.constant 0 : i32
    %dma_wait3A_87 = tpu.memref_slice %arg7[%dma_wait3A_85, %dma_wait3A_86] : memref<80x128xi32, #tpu.memory_space<vmem>> -> memref<1x128xi32, #tpu.memory_space<vmem>>
    %dma_wait3A_88 = tpu.memref_squeeze %dma_wait3A_87 : memref<1x128xi32, #tpu.memory_space<vmem>> -> memref<128xi32, #tpu.memory_space<vmem>>
    %dma_wait3A_89 = arith.constant 0 : i32
    %dma_wait3A_90 = arith.constant 0 : i32
    %dma_wait3A_91 = tpu.memref_slice %arg13[%dma_wait3A_89, %dma_wait3A_90] : memref<10128x64xf32, #tpu.memory_space<vmem_shared>> -> memref<10128x64xf32, #tpu.memory_space<vmem_shared>>
    tpu.wait_indirect_dma semaphore(%arg21 : memref<!tpu.dma_semaphore, #tpu.memory_space<semaphore_mem>>) src(%arg11 : memref<128x64xf32, #tpu.memory_space<vmem>>) dst(%dma_wait3A_91 : memref<10128x64xf32, #tpu.memory_space<vmem_shared>>)
    %barrier3A_92 = arith.constant 0 : index
    tpu.barrier barrier_id(%barrier3A_92)
    %lt3A_93 = arith.constant 15 : i32
    %lt3A_94 = arith.cmpi slt, %arg1, %lt3A_93 : i32
    %convert_element_type3A_95 = arith.extui %lt3A_94 : i1 to i32
    %cond3A_96 = arith.constant 0 : i32
    %cond3A_97 = arith.cmpi ne, %convert_element_type3A_95, %cond3A_96 : i32
    scf.if %cond3A_97 {
      %mul3A_103 = arith.constant 640 : i32
      %mul3A_104 = arith.muli %arg1, %mul3A_103 : i32
      %add3A_105 = arith.constant 0 : i32
      %add3A_106 = arith.addi %mul3A_104, %add3A_105 : i32
      "tpu.region"() ({
        %run_scoped3A = tpu.sem_alloc : memref<!tpu.dma_semaphore, #tpu.memory_space<semaphore_mem>>
        %dma_start3A_223 = arith.constant 0 : i32
        %dma_start3A_224 = tpu.memref_slice %arg13[%add3A_106, %dma_start3A_223] : memref<10128x64xf32, #tpu.memory_space<vmem_shared>> -> memref<128x64xf32, #tpu.memory_space<vmem_shared>>
        %dma_start3A_225 = arith.constant 0 : i32
        %dma_start3A_226 = tpu.memref_slice %arg13[%add3A_106, %dma_start3A_225] : memref<10128x64xf32, #tpu.memory_space<vmem_shared>> -> memref<128x64xf32, #tpu.memory_space<vmem_shared>>
        tpu.enqueue_dma source(%dma_start3A_226 : memref<128x64xf32, #tpu.memory_space<vmem_shared>>) target(%arg8 : memref<128x64xf32, #tpu.memory_space<vmem>>) target_semaphore(%run_scoped3A : memref<!tpu.dma_semaphore, #tpu.memory_space<semaphore_mem>>)
        %dma_wait3A_227 = arith.constant 0 : i32
        %dma_wait3A_228 = tpu.memref_slice %arg13[%add3A_106, %dma_wait3A_227] : memref<10128x64xf32, #tpu.memory_space<vmem_shared>> -> memref<128x64xf32, #tpu.memory_space<vmem_shared>>
        %dma_wait3A_229 = arith.constant 0 : i32
        %dma_wait3A_230 = tpu.memref_slice %arg13[%add3A_106, %dma_wait3A_229] : memref<10128x64xf32, #tpu.memory_space<vmem_shared>> -> memref<128x64xf32, #tpu.memory_space<vmem_shared>>
        tpu.wait_dma2 semaphore(%run_scoped3A : memref<!tpu.dma_semaphore, #tpu.memory_space<semaphore_mem>>) src(%dma_wait3A_230 : memref<128x64xf32, #tpu.memory_space<vmem_shared>>) dst(%arg8 : memref<128x64xf32, #tpu.memory_space<vmem>>)
        tpu.yield
      }) : () -> ()
      %mul3A_107 = arith.constant 640 : i32
      %mul3A_108 = arith.muli %arg1, %mul3A_107 : i32
      %add3A_109 = arith.constant 0 : i32
      %add3A_110 = arith.addi %mul3A_108, %add3A_109 : i32
      %dma_start3A_111 = arith.constant 0 : i32
      %dma_start3A_112 = tpu.memref_slice %arg5[%arg0, %add3A_110, %dma_start3A_111] : memref<2x10000x64xf32, #tpu.memory_space<hbm>> -> memref<1x128x64xf32, #tpu.memory_space<hbm>>
      %dma_start3A_113 = tpu.memref_squeeze %dma_start3A_112 : memref<1x128x64xf32, #tpu.memory_space<hbm>> -> memref<128x64xf32, #tpu.memory_space<hbm>>
      %dma_start3A_114 = arith.constant 0 : i32
      %dma_start3A_115 = tpu.memref_slice %arg5[%arg0, %add3A_110, %dma_start3A_114] : memref<2x10000x64xf32, #tpu.memory_space<hbm>> -> memref<1x128x64xf32, #tpu.memory_space<hbm>>
      %dma_start3A_116 = tpu.memref_squeeze %dma_start3A_115 : memref<1x128x64xf32, #tpu.memory_space<hbm>> -> memref<128x64xf32, #tpu.memory_space<hbm>>
      tpu.enqueue_dma source(%arg8 : memref<128x64xf32, #tpu.memory_space<vmem>>) target(%dma_start3A_116 : memref<128x64xf32, #tpu.memory_space<hbm>>) target_semaphore(%arg14 : memref<!tpu.dma_semaphore, #tpu.memory_space<semaphore_mem>>)
      %mul3A_117 = arith.constant 640 : i32
      %mul3A_118 = arith.muli %arg1, %mul3A_117 : i32
      %add3A_119 = arith.constant 128 : i32
      %add3A_120 = arith.addi %mul3A_118, %add3A_119 : i32
      "tpu.region"() ({
        %run_scoped3A = tpu.sem_alloc : memref<!tpu.dma_semaphore, #tpu.memory_space<semaphore_mem>>
        %dma_start3A_223 = arith.constant 0 : i32
        %dma_start3A_224 = tpu.memref_slice %arg13[%add3A_120, %dma_start3A_223] : memref<10128x64xf32, #tpu.memory_space<vmem_shared>> -> memref<128x64xf32, #tpu.memory_space<vmem_shared>>
        %dma_start3A_225 = arith.constant 0 : i32
        %dma_start3A_226 = tpu.memref_slice %arg13[%add3A_120, %dma_start3A_225] : memref<10128x64xf32, #tpu.memory_space<vmem_shared>> -> memref<128x64xf32, #tpu.memory_space<vmem_shared>>
        tpu.enqueue_dma source(%dma_start3A_226 : memref<128x64xf32, #tpu.memory_space<vmem_shared>>) target(%arg9 : memref<128x64xf32, #tpu.memory_space<vmem>>) target_semaphore(%run_scoped3A : memref<!tpu.dma_semaphore, #tpu.memory_space<semaphore_mem>>)
        %dma_wait3A_227 = arith.constant 0 : i32
        %dma_wait3A_228 = tpu.memref_slice %arg13[%add3A_120, %dma_wait3A_227] : memref<10128x64xf32, #tpu.memory_space<vmem_shared>> -> memref<128x64xf32, #tpu.memory_space<vmem_shared>>
        %dma_wait3A_229 = arith.constant 0 : i32
        %dma_wait3A_230 = tpu.memref_slice %arg13[%add3A_120, %dma_wait3A_229] : memref<10128x64xf32, #tpu.memory_space<vmem_shared>> -> memref<128x64xf32, #tpu.memory_space<vmem_shared>>
        tpu.wait_dma2 semaphore(%run_scoped3A : memref<!tpu.dma_semaphore, #tpu.memory_space<semaphore_mem>>) src(%dma_wait3A_230 : memref<128x64xf32, #tpu.memory_space<vmem_shared>>) dst(%arg9 : memref<128x64xf32, #tpu.memory_space<vmem>>)
        tpu.yield
      }) : () -> ()
      %mul3A_121 = arith.constant 640 : i32
      %mul3A_122 = arith.muli %arg1, %mul3A_121 : i32
      %add3A_123 = arith.constant 128 : i32
      %add3A_124 = arith.addi %mul3A_122, %add3A_123 : i32
      %dma_start3A_125 = arith.constant 0 : i32
      %dma_start3A_126 = tpu.memref_slice %arg5[%arg0, %add3A_124, %dma_start3A_125] : memref<2x10000x64xf32, #tpu.memory_space<hbm>> -> memref<1x128x64xf32, #tpu.memory_space<hbm>>
      %dma_start3A_127 = tpu.memref_squeeze %dma_start3A_126 : memref<1x128x64xf32, #tpu.memory_space<hbm>> -> memref<128x64xf32, #tpu.memory_space<hbm>>
      %dma_start3A_128 = arith.constant 0 : i32
      %dma_start3A_129 = tpu.memref_slice %arg5[%arg0, %add3A_124, %dma_start3A_128] : memref<2x10000x64xf32, #tpu.memory_space<hbm>> -> memref<1x128x64xf32, #tpu.memory_space<hbm>>
      %dma_start3A_130 = tpu.memref_squeeze %dma_start3A_129 : memref<1x128x64xf32, #tpu.memory_space<hbm>> -> memref<128x64xf32, #tpu.memory_space<hbm>>
      tpu.enqueue_dma source(%arg9 : memref<128x64xf32, #tpu.memory_space<vmem>>) target(%dma_start3A_130 : memref<128x64xf32, #tpu.memory_space<hbm>>) target_semaphore(%arg15 : memref<!tpu.dma_semaphore, #tpu.memory_space<semaphore_mem>>)
      %mul3A_131 = arith.constant 640 : i32
      %mul3A_132 = arith.muli %arg1, %mul3A_131 : i32
      %add3A_133 = arith.constant 0 : i32
      %add3A_134 = arith.addi %mul3A_132, %add3A_133 : i32
      %dma_wait3A_135 = arith.constant 0 : i32
      %dma_wait3A_136 = tpu.memref_slice %arg5[%arg0, %add3A_134, %dma_wait3A_135] : memref<2x10000x64xf32, #tpu.memory_space<hbm>> -> memref<1x128x64xf32, #tpu.memory_space<hbm>>
      %dma_wait3A_137 = tpu.memref_squeeze %dma_wait3A_136 : memref<1x128x64xf32, #tpu.memory_space<hbm>> -> memref<128x64xf32, #tpu.memory_space<hbm>>
      %dma_wait3A_138 = arith.constant 0 : i32
      %dma_wait3A_139 = tpu.memref_slice %arg5[%arg0, %add3A_134, %dma_wait3A_138] : memref<2x10000x64xf32, #tpu.memory_space<hbm>> -> memref<1x128x64xf32, #tpu.memory_space<hbm>>
      %dma_wait3A_140 = tpu.memref_squeeze %dma_wait3A_139 : memref<1x128x64xf32, #tpu.memory_space<hbm>> -> memref<128x64xf32, #tpu.memory_space<hbm>>
      tpu.wait_dma2 semaphore(%arg14 : memref<!tpu.dma_semaphore, #tpu.memory_space<semaphore_mem>>) src(%arg8 : memref<128x64xf32, #tpu.memory_space<vmem>>) dst(%dma_wait3A_140 : memref<128x64xf32, #tpu.memory_space<hbm>>)
      %mul3A_141 = arith.constant 640 : i32
      %mul3A_142 = arith.muli %arg1, %mul3A_141 : i32
      %add3A_143 = arith.constant 256 : i32
      %add3A_144 = arith.addi %mul3A_142, %add3A_143 : i32
      "tpu.region"() ({
        %run_scoped3A = tpu.sem_alloc : memref<!tpu.dma_semaphore, #tpu.memory_space<semaphore_mem>>
        %dma_start3A_223 = arith.constant 0 : i32
        %dma_start3A_224 = tpu.memref_slice %arg13[%add3A_144, %dma_start3A_223] : memref<10128x64xf32, #tpu.memory_space<vmem_shared>> -> memref<128x64xf32, #tpu.memory_space<vmem_shared>>
        %dma_start3A_225 = arith.constant 0 : i32
        %dma_start3A_226 = tpu.memref_slice %arg13[%add3A_144, %dma_start3A_225] : memref<10128x64xf32, #tpu.memory_space<vmem_shared>> -> memref<128x64xf32, #tpu.memory_space<vmem_shared>>
        tpu.enqueue_dma source(%dma_start3A_226 : memref<128x64xf32, #tpu.memory_space<vmem_shared>>) target(%arg8 : memref<128x64xf32, #tpu.memory_space<vmem>>) target_semaphore(%run_scoped3A : memref<!tpu.dma_semaphore, #tpu.memory_space<semaphore_mem>>)
        %dma_wait3A_227 = arith.constant 0 : i32
        %dma_wait3A_228 = tpu.memref_slice %arg13[%add3A_144, %dma_wait3A_227] : memref<10128x64xf32, #tpu.memory_space<vmem_shared>> -> memref<128x64xf32, #tpu.memory_space<vmem_shared>>
        %dma_wait3A_229 = arith.constant 0 : i32
        %dma_wait3A_230 = tpu.memref_slice %arg13[%add3A_144, %dma_wait3A_229] : memref<10128x64xf32, #tpu.memory_space<vmem_shared>> -> memref<128x64xf32, #tpu.memory_space<vmem_shared>>
        tpu.wait_dma2 semaphore(%run_scoped3A : memref<!tpu.dma_semaphore, #tpu.memory_space<semaphore_mem>>) src(%dma_wait3A_230 : memref<128x64xf32, #tpu.memory_space<vmem_shared>>) dst(%arg8 : memref<128x64xf32, #tpu.memory_space<vmem>>)
        tpu.yield
      }) : () -> ()
      %mul3A_145 = arith.constant 640 : i32
      %mul3A_146 = arith.muli %arg1, %mul3A_145 : i32
      %add3A_147 = arith.constant 256 : i32
      %add3A_148 = arith.addi %mul3A_146, %add3A_147 : i32
      %dma_start3A_149 = arith.constant 0 : i32
      %dma_start3A_150 = tpu.memref_slice %arg5[%arg0, %add3A_148, %dma_start3A_149] : memref<2x10000x64xf32, #tpu.memory_space<hbm>> -> memref<1x128x64xf32, #tpu.memory_space<hbm>>
      %dma_start3A_151 = tpu.memref_squeeze %dma_start3A_150 : memref<1x128x64xf32, #tpu.memory_space<hbm>> -> memref<128x64xf32, #tpu.memory_space<hbm>>
      %dma_start3A_152 = arith.constant 0 : i32
      %dma_start3A_153 = tpu.memref_slice %arg5[%arg0, %add3A_148, %dma_start3A_152] : memref<2x10000x64xf32, #tpu.memory_space<hbm>> -> memref<1x128x64xf32, #tpu.memory_space<hbm>>
      %dma_start3A_154 = tpu.memref_squeeze %dma_start3A_153 : memref<1x128x64xf32, #tpu.memory_space<hbm>> -> memref<128x64xf32, #tpu.memory_space<hbm>>
      tpu.enqueue_dma source(%arg8 : memref<128x64xf32, #tpu.memory_space<vmem>>) target(%dma_start3A_154 : memref<128x64xf32, #tpu.memory_space<hbm>>) target_semaphore(%arg14 : memref<!tpu.dma_semaphore, #tpu.memory_space<semaphore_mem>>)
      %mul3A_155 = arith.constant 640 : i32
      %mul3A_156 = arith.muli %arg1, %mul3A_155 : i32
      %add3A_157 = arith.constant 128 : i32
      %add3A_158 = arith.addi %mul3A_156, %add3A_157 : i32
      %dma_wait3A_159 = arith.constant 0 : i32
      %dma_wait3A_160 = tpu.memref_slice %arg5[%arg0, %add3A_158, %dma_wait3A_159] : memref<2x10000x64xf32, #tpu.memory_space<hbm>> -> memref<1x128x64xf32, #tpu.memory_space<hbm>>
      %dma_wait3A_161 = tpu.memref_squeeze %dma_wait3A_160 : memref<1x128x64xf32, #tpu.memory_space<hbm>> -> memref<128x64xf32, #tpu.memory_space<hbm>>
      %dma_wait3A_162 = arith.constant 0 : i32
      %dma_wait3A_163 = tpu.memref_slice %arg5[%arg0, %add3A_158, %dma_wait3A_162] : memref<2x10000x64xf32, #tpu.memory_space<hbm>> -> memref<1x128x64xf32, #tpu.memory_space<hbm>>
      %dma_wait3A_164 = tpu.memref_squeeze %dma_wait3A_163 : memref<1x128x64xf32, #tpu.memory_space<hbm>> -> memref<128x64xf32, #tpu.memory_space<hbm>>
      tpu.wait_dma2 semaphore(%arg15 : memref<!tpu.dma_semaphore, #tpu.memory_space<semaphore_mem>>) src(%arg9 : memref<128x64xf32, #tpu.memory_space<vmem>>) dst(%dma_wait3A_164 : memref<128x64xf32, #tpu.memory_space<hbm>>)
      %mul3A_165 = arith.constant 640 : i32
      %mul3A_166 = arith.muli %arg1, %mul3A_165 : i32
      %add3A_167 = arith.constant 384 : i32
      %add3A_168 = arith.addi %mul3A_166, %add3A_167 : i32
      "tpu.region"() ({
        %run_scoped3A = tpu.sem_alloc : memref<!tpu.dma_semaphore, #tpu.memory_space<semaphore_mem>>
        %dma_start3A_223 = arith.constant 0 : i32
        %dma_start3A_224 = tpu.memref_slice %arg13[%add3A_168, %dma_start3A_223] : memref<10128x64xf32, #tpu.memory_space<vmem_shared>> -> memref<128x64xf32, #tpu.memory_space<vmem_shared>>
        %dma_start3A_225 = arith.constant 0 : i32
        %dma_start3A_226 = tpu.memref_slice %arg13[%add3A_168, %dma_start3A_225] : memref<10128x64xf32, #tpu.memory_space<vmem_shared>> -> memref<128x64xf32, #tpu.memory_space<vmem_shared>>
        tpu.enqueue_dma source(%dma_start3A_226 : memref<128x64xf32, #tpu.memory_space<vmem_shared>>) target(%arg9 : memref<128x64xf32, #tpu.memory_space<vmem>>) target_semaphore(%run_scoped3A : memref<!tpu.dma_semaphore, #tpu.memory_space<semaphore_mem>>)
        %dma_wait3A_227 = arith.constant 0 : i32
        %dma_wait3A_228 = tpu.memref_slice %arg13[%add3A_168, %dma_wait3A_227] : memref<10128x64xf32, #tpu.memory_space<vmem_shared>> -> memref<128x64xf32, #tpu.memory_space<vmem_shared>>
        %dma_wait3A_229 = arith.constant 0 : i32
        %dma_wait3A_230 = tpu.memref_slice %arg13[%add3A_168, %dma_wait3A_229] : memref<10128x64xf32, #tpu.memory_space<vmem_shared>> -> memref<128x64xf32, #tpu.memory_space<vmem_shared>>
        tpu.wait_dma2 semaphore(%run_scoped3A : memref<!tpu.dma_semaphore, #tpu.memory_space<semaphore_mem>>) src(%dma_wait3A_230 : memref<128x64xf32, #tpu.memory_space<vmem_shared>>) dst(%arg9 : memref<128x64xf32, #tpu.memory_space<vmem>>)
        tpu.yield
      }) : () -> ()
      %mul3A_169 = arith.constant 640 : i32
      %mul3A_170 = arith.muli %arg1, %mul3A_169 : i32
      %add3A_171 = arith.constant 384 : i32
      %add3A_172 = arith.addi %mul3A_170, %add3A_171 : i32
      %dma_start3A_173 = arith.constant 0 : i32
      %dma_start3A_174 = tpu.memref_slice %arg5[%arg0, %add3A_172, %dma_start3A_173] : memref<2x10000x64xf32, #tpu.memory_space<hbm>> -> memref<1x128x64xf32, #tpu.memory_space<hbm>>
      %dma_start3A_175 = tpu.memref_squeeze %dma_start3A_174 : memref<1x128x64xf32, #tpu.memory_space<hbm>> -> memref<128x64xf32, #tpu.memory_space<hbm>>
      %dma_start3A_176 = arith.constant 0 : i32
      %dma_start3A_177 = tpu.memref_slice %arg5[%arg0, %add3A_172, %dma_start3A_176] : memref<2x10000x64xf32, #tpu.memory_space<hbm>> -> memref<1x128x64xf32, #tpu.memory_space<hbm>>
      %dma_start3A_178 = tpu.memref_squeeze %dma_start3A_177 : memref<1x128x64xf32, #tpu.memory_space<hbm>> -> memref<128x64xf32, #tpu.memory_space<hbm>>
      tpu.enqueue_dma source(%arg9 : memref<128x64xf32, #tpu.memory_space<vmem>>) target(%dma_start3A_178 : memref<128x64xf32, #tpu.memory_space<hbm>>) target_semaphore(%arg15 : memref<!tpu.dma_semaphore, #tpu.memory_space<semaphore_mem>>)
      %mul3A_179 = arith.constant 640 : i32
      %mul3A_180 = arith.muli %arg1, %mul3A_179 : i32
      %add3A_181 = arith.constant 256 : i32
      %add3A_182 = arith.addi %mul3A_180, %add3A_181 : i32
      %dma_wait3A_183 = arith.constant 0 : i32
      %dma_wait3A_184 = tpu.memref_slice %arg5[%arg0, %add3A_182, %dma_wait3A_183] : memref<2x10000x64xf32, #tpu.memory_space<hbm>> -> memref<1x128x64xf32, #tpu.memory_space<hbm>>
      %dma_wait3A_185 = tpu.memref_squeeze %dma_wait3A_184 : memref<1x128x64xf32, #tpu.memory_space<hbm>> -> memref<128x64xf32, #tpu.memory_space<hbm>>
      %dma_wait3A_186 = arith.constant 0 : i32
      %dma_wait3A_187 = tpu.memref_slice %arg5[%arg0, %add3A_182, %dma_wait3A_186] : memref<2x10000x64xf32, #tpu.memory_space<hbm>> -> memref<1x128x64xf32, #tpu.memory_space<hbm>>
      %dma_wait3A_188 = tpu.memref_squeeze %dma_wait3A_187 : memref<1x128x64xf32, #tpu.memory_space<hbm>> -> memref<128x64xf32, #tpu.memory_space<hbm>>
      tpu.wait_dma2 semaphore(%arg14 : memref<!tpu.dma_semaphore, #tpu.memory_space<semaphore_mem>>) src(%arg8 : memref<128x64xf32, #tpu.memory_space<vmem>>) dst(%dma_wait3A_188 : memref<128x64xf32, #tpu.memory_space<hbm>>)
      %mul3A_189 = arith.constant 640 : i32
      %mul3A_190 = arith.muli %arg1, %mul3A_189 : i32
      %add3A_191 = arith.constant 512 : i32
      %add3A_192 = arith.addi %mul3A_190, %add3A_191 : i32
      "tpu.region"() ({
        %run_scoped3A = tpu.sem_alloc : memref<!tpu.dma_semaphore, #tpu.memory_space<semaphore_mem>>
        %dma_start3A_223 = arith.constant 0 : i32
        %dma_start3A_224 = tpu.memref_slice %arg13[%add3A_192, %dma_start3A_223] : memref<10128x64xf32, #tpu.memory_space<vmem_shared>> -> memref<128x64xf32, #tpu.memory_space<vmem_shared>>
        %dma_start3A_225 = arith.constant 0 : i32
        %dma_start3A_226 = tpu.memref_slice %arg13[%add3A_192, %dma_start3A_225] : memref<10128x64xf32, #tpu.memory_space<vmem_shared>> -> memref<128x64xf32, #tpu.memory_space<vmem_shared>>
        tpu.enqueue_dma source(%dma_start3A_226 : memref<128x64xf32, #tpu.memory_space<vmem_shared>>) target(%arg8 : memref<128x64xf32, #tpu.memory_space<vmem>>) target_semaphore(%run_scoped3A : memref<!tpu.dma_semaphore, #tpu.memory_space<semaphore_mem>>)
        %dma_wait3A_227 = arith.constant 0 : i32
        %dma_wait3A_228 = tpu.memref_slice %arg13[%add3A_192, %dma_wait3A_227] : memref<10128x64xf32, #tpu.memory_space<vmem_shared>> -> memref<128x64xf32, #tpu.memory_space<vmem_shared>>
        %dma_wait3A_229 = arith.constant 0 : i32
        %dma_wait3A_230 = tpu.memref_slice %arg13[%add3A_192, %dma_wait3A_229] : memref<10128x64xf32, #tpu.memory_space<vmem_shared>> -> memref<128x64xf32, #tpu.memory_space<vmem_shared>>
        tpu.wait_dma2 semaphore(%run_scoped3A : memref<!tpu.dma_semaphore, #tpu.memory_space<semaphore_mem>>) src(%dma_wait3A_230 : memref<128x64xf32, #tpu.memory_space<vmem_shared>>) dst(%arg8 : memref<128x64xf32, #tpu.memory_space<vmem>>)
        tpu.yield
      }) : () -> ()
      %mul3A_193 = arith.constant 640 : i32
      %mul3A_194 = arith.muli %arg1, %mul3A_193 : i32
      %add3A_195 = arith.constant 512 : i32
      %add3A_196 = arith.addi %mul3A_194, %add3A_195 : i32
      %dma_start3A_197 = arith.constant 0 : i32
      %dma_start3A_198 = tpu.memref_slice %arg5[%arg0, %add3A_196, %dma_start3A_197] : memref<2x10000x64xf32, #tpu.memory_space<hbm>> -> memref<1x128x64xf32, #tpu.memory_space<hbm>>
      %dma_start3A_199 = tpu.memref_squeeze %dma_start3A_198 : memref<1x128x64xf32, #tpu.memory_space<hbm>> -> memref<128x64xf32, #tpu.memory_space<hbm>>
      %dma_start3A_200 = arith.constant 0 : i32
      %dma_start3A_201 = tpu.memref_slice %arg5[%arg0, %add3A_196, %dma_start3A_200] : memref<2x10000x64xf32, #tpu.memory_space<hbm>> -> memref<1x128x64xf32, #tpu.memory_space<hbm>>
      %dma_start3A_202 = tpu.memref_squeeze %dma_start3A_201 : memref<1x128x64xf32, #tpu.memory_space<hbm>> -> memref<128x64xf32, #tpu.memory_space<hbm>>
      tpu.enqueue_dma source(%arg8 : memref<128x64xf32, #tpu.memory_space<vmem>>) target(%dma_start3A_202 : memref<128x64xf32, #tpu.memory_space<hbm>>) target_semaphore(%arg14 : memref<!tpu.dma_semaphore, #tpu.memory_space<semaphore_mem>>)
      %mul3A_203 = arith.constant 640 : i32
      %mul3A_204 = arith.muli %arg1, %mul3A_203 : i32
      %add3A_205 = arith.constant 384 : i32
      %add3A_206 = arith.addi %mul3A_204, %add3A_205 : i32
      %dma_wait3A_207 = arith.constant 0 : i32
      %dma_wait3A_208 = tpu.memref_slice %arg5[%arg0, %add3A_206, %dma_wait3A_207] : memref<2x10000x64xf32, #tpu.memory_space<hbm>> -> memref<1x128x64xf32, #tpu.memory_space<hbm>>
      %dma_wait3A_209 = tpu.memref_squeeze %dma_wait3A_208 : memref<1x128x64xf32, #tpu.memory_space<hbm>> -> memref<128x64xf32, #tpu.memory_space<hbm>>
      %dma_wait3A_210 = arith.constant 0 : i32
      %dma_wait3A_211 = tpu.memref_slice %arg5[%arg0, %add3A_206, %dma_wait3A_210] : memref<2x10000x64xf32, #tpu.memory_space<hbm>> -> memref<1x128x64xf32, #tpu.memory_space<hbm>>
      %dma_wait3A_212 = tpu.memref_squeeze %dma_wait3A_211 : memref<1x128x64xf32, #tpu.memory_space<hbm>> -> memref<128x64xf32, #tpu.memory_space<hbm>>
      tpu.wait_dma2 semaphore(%arg15 : memref<!tpu.dma_semaphore, #tpu.memory_space<semaphore_mem>>) src(%arg9 : memref<128x64xf32, #tpu.memory_space<vmem>>) dst(%dma_wait3A_212 : memref<128x64xf32, #tpu.memory_space<hbm>>)
      %mul3A_213 = arith.constant 640 : i32
      %mul3A_214 = arith.muli %arg1, %mul3A_213 : i32
      %add3A_215 = arith.constant 512 : i32
      %add3A_216 = arith.addi %mul3A_214, %add3A_215 : i32
      %dma_wait3A_217 = arith.constant 0 : i32
      %dma_wait3A_218 = tpu.memref_slice %arg5[%arg0, %add3A_216, %dma_wait3A_217] : memref<2x10000x64xf32, #tpu.memory_space<hbm>> -> memref<1x128x64xf32, #tpu.memory_space<hbm>>
      %dma_wait3A_219 = tpu.memref_squeeze %dma_wait3A_218 : memref<1x128x64xf32, #tpu.memory_space<hbm>> -> memref<128x64xf32, #tpu.memory_space<hbm>>
      %dma_wait3A_220 = arith.constant 0 : i32
      %dma_wait3A_221 = tpu.memref_slice %arg5[%arg0, %add3A_216, %dma_wait3A_220] : memref<2x10000x64xf32, #tpu.memory_space<hbm>> -> memref<1x128x64xf32, #tpu.memory_space<hbm>>
      %dma_wait3A_222 = tpu.memref_squeeze %dma_wait3A_221 : memref<1x128x64xf32, #tpu.memory_space<hbm>> -> memref<128x64xf32, #tpu.memory_space<hbm>>
      tpu.wait_dma2 semaphore(%arg14 : memref<!tpu.dma_semaphore, #tpu.memory_space<semaphore_mem>>) src(%arg8 : memref<128x64xf32, #tpu.memory_space<vmem>>) dst(%dma_wait3A_222 : memref<128x64xf32, #tpu.memory_space<hbm>>)
    } else {
    }
    %eq3A_98 = arith.constant 15 : i32
    %eq3A_99 = arith.cmpi eq, %arg1, %eq3A_98 : i32
    %convert_element_type3A_100 = arith.extui %eq3A_99 : i1 to i32
    %cond3A_101 = arith.constant 0 : i32
    %cond3A_102 = arith.cmpi ne, %convert_element_type3A_100, %cond3A_101 : i32
    scf.if %cond3A_102 {
      "tpu.region"() ({
        %run_scoped3A = tpu.sem_alloc : memref<!tpu.dma_semaphore, #tpu.memory_space<semaphore_mem>>
        %dma_start3A_179 = arith.constant 9600 : i32
        %dma_start3A_180 = arith.constant 0 : i32
        %dma_start3A_181 = tpu.memref_slice %arg13[%dma_start3A_179, %dma_start3A_180] : memref<10128x64xf32, #tpu.memory_space<vmem_shared>> -> memref<128x64xf32, #tpu.memory_space<vmem_shared>>
        %dma_start3A_182 = arith.constant 9600 : i32
        %dma_start3A_183 = arith.constant 0 : i32
        %dma_start3A_184 = tpu.memref_slice %arg13[%dma_start3A_182, %dma_start3A_183] : memref<10128x64xf32, #tpu.memory_space<vmem_shared>> -> memref<128x64xf32, #tpu.memory_space<vmem_shared>>
        tpu.enqueue_dma source(%dma_start3A_184 : memref<128x64xf32, #tpu.memory_space<vmem_shared>>) target(%arg8 : memref<128x64xf32, #tpu.memory_space<vmem>>) target_semaphore(%run_scoped3A : memref<!tpu.dma_semaphore, #tpu.memory_space<semaphore_mem>>)
        %dma_wait3A_185 = arith.constant 9600 : i32
        %dma_wait3A_186 = arith.constant 0 : i32
        %dma_wait3A_187 = tpu.memref_slice %arg13[%dma_wait3A_185, %dma_wait3A_186] : memref<10128x64xf32, #tpu.memory_space<vmem_shared>> -> memref<128x64xf32, #tpu.memory_space<vmem_shared>>
        %dma_wait3A_188 = arith.constant 9600 : i32
        %dma_wait3A_189 = arith.constant 0 : i32
        %dma_wait3A_190 = tpu.memref_slice %arg13[%dma_wait3A_188, %dma_wait3A_189] : memref<10128x64xf32, #tpu.memory_space<vmem_shared>> -> memref<128x64xf32, #tpu.memory_space<vmem_shared>>
        tpu.wait_dma2 semaphore(%run_scoped3A : memref<!tpu.dma_semaphore, #tpu.memory_space<semaphore_mem>>) src(%dma_wait3A_190 : memref<128x64xf32, #tpu.memory_space<vmem_shared>>) dst(%arg8 : memref<128x64xf32, #tpu.memory_space<vmem>>)
        tpu.yield
      }) : () -> ()
      %dma_start3A_103 = arith.constant 9600 : i32
      %dma_start3A_104 = arith.constant 0 : i32
      %dma_start3A_105 = tpu.memref_slice %arg5[%arg0, %dma_start3A_103, %dma_start3A_104] : memref<2x10000x64xf32, #tpu.memory_space<hbm>> -> memref<1x128x64xf32, #tpu.memory_space<hbm>>
      %dma_start3A_106 = tpu.memref_squeeze %dma_start3A_105 : memref<1x128x64xf32, #tpu.memory_space<hbm>> -> memref<128x64xf32, #tpu.memory_space<hbm>>
      %dma_start3A_107 = arith.constant 9600 : i32
      %dma_start3A_108 = arith.constant 0 : i32
      %dma_start3A_109 = tpu.memref_slice %arg5[%arg0, %dma_start3A_107, %dma_start3A_108] : memref<2x10000x64xf32, #tpu.memory_space<hbm>> -> memref<1x128x64xf32, #tpu.memory_space<hbm>>
      %dma_start3A_110 = tpu.memref_squeeze %dma_start3A_109 : memref<1x128x64xf32, #tpu.memory_space<hbm>> -> memref<128x64xf32, #tpu.memory_space<hbm>>
      tpu.enqueue_dma source(%arg8 : memref<128x64xf32, #tpu.memory_space<vmem>>) target(%dma_start3A_110 : memref<128x64xf32, #tpu.memory_space<hbm>>) target_semaphore(%arg14 : memref<!tpu.dma_semaphore, #tpu.memory_space<semaphore_mem>>)
      "tpu.region"() ({
        %run_scoped3A = tpu.sem_alloc : memref<!tpu.dma_semaphore, #tpu.memory_space<semaphore_mem>>
        %dma_start3A_179 = arith.constant 9728 : i32
        %dma_start3A_180 = arith.constant 0 : i32
        %dma_start3A_181 = tpu.memref_slice %arg13[%dma_start3A_179, %dma_start3A_180] : memref<10128x64xf32, #tpu.memory_space<vmem_shared>> -> memref<128x64xf32, #tpu.memory_space<vmem_shared>>
        %dma_start3A_182 = arith.constant 9728 : i32
        %dma_start3A_183 = arith.constant 0 : i32
        %dma_start3A_184 = tpu.memref_slice %arg13[%dma_start3A_182, %dma_start3A_183] : memref<10128x64xf32, #tpu.memory_space<vmem_shared>> -> memref<128x64xf32, #tpu.memory_space<vmem_shared>>
        tpu.enqueue_dma source(%dma_start3A_184 : memref<128x64xf32, #tpu.memory_space<vmem_shared>>) target(%arg9 : memref<128x64xf32, #tpu.memory_space<vmem>>) target_semaphore(%run_scoped3A : memref<!tpu.dma_semaphore, #tpu.memory_space<semaphore_mem>>)
        %dma_wait3A_185 = arith.constant 9728 : i32
        %dma_wait3A_186 = arith.constant 0 : i32
        %dma_wait3A_187 = tpu.memref_slice %arg13[%dma_wait3A_185, %dma_wait3A_186] : memref<10128x64xf32, #tpu.memory_space<vmem_shared>> -> memref<128x64xf32, #tpu.memory_space<vmem_shared>>
        %dma_wait3A_188 = arith.constant 9728 : i32
        %dma_wait3A_189 = arith.constant 0 : i32
        %dma_wait3A_190 = tpu.memref_slice %arg13[%dma_wait3A_188, %dma_wait3A_189] : memref<10128x64xf32, #tpu.memory_space<vmem_shared>> -> memref<128x64xf32, #tpu.memory_space<vmem_shared>>
        tpu.wait_dma2 semaphore(%run_scoped3A : memref<!tpu.dma_semaphore, #tpu.memory_space<semaphore_mem>>) src(%dma_wait3A_190 : memref<128x64xf32, #tpu.memory_space<vmem_shared>>) dst(%arg9 : memref<128x64xf32, #tpu.memory_space<vmem>>)
        tpu.yield
      }) : () -> ()
      %dma_start3A_111 = arith.constant 9728 : i32
      %dma_start3A_112 = arith.constant 0 : i32
      %dma_start3A_113 = tpu.memref_slice %arg5[%arg0, %dma_start3A_111, %dma_start3A_112] : memref<2x10000x64xf32, #tpu.memory_space<hbm>> -> memref<1x128x64xf32, #tpu.memory_space<hbm>>
      %dma_start3A_114 = tpu.memref_squeeze %dma_start3A_113 : memref<1x128x64xf32, #tpu.memory_space<hbm>> -> memref<128x64xf32, #tpu.memory_space<hbm>>
      %dma_start3A_115 = arith.constant 9728 : i32
      %dma_start3A_116 = arith.constant 0 : i32
      %dma_start3A_117 = tpu.memref_slice %arg5[%arg0, %dma_start3A_115, %dma_start3A_116] : memref<2x10000x64xf32, #tpu.memory_space<hbm>> -> memref<1x128x64xf32, #tpu.memory_space<hbm>>
      %dma_start3A_118 = tpu.memref_squeeze %dma_start3A_117 : memref<1x128x64xf32, #tpu.memory_space<hbm>> -> memref<128x64xf32, #tpu.memory_space<hbm>>
      tpu.enqueue_dma source(%arg9 : memref<128x64xf32, #tpu.memory_space<vmem>>) target(%dma_start3A_118 : memref<128x64xf32, #tpu.memory_space<hbm>>) target_semaphore(%arg15 : memref<!tpu.dma_semaphore, #tpu.memory_space<semaphore_mem>>)
      %dma_wait3A_119 = arith.constant 9600 : i32
      %dma_wait3A_120 = arith.constant 0 : i32
      %dma_wait3A_121 = tpu.memref_slice %arg5[%arg0, %dma_wait3A_119, %dma_wait3A_120] : memref<2x10000x64xf32, #tpu.memory_space<hbm>> -> memref<1x128x64xf32, #tpu.memory_space<hbm>>
      %dma_wait3A_122 = tpu.memref_squeeze %dma_wait3A_121 : memref<1x128x64xf32, #tpu.memory_space<hbm>> -> memref<128x64xf32, #tpu.memory_space<hbm>>
      %dma_wait3A_123 = arith.constant 9600 : i32
      %dma_wait3A_124 = arith.constant 0 : i32
      %dma_wait3A_125 = tpu.memref_slice %arg5[%arg0, %dma_wait3A_123, %dma_wait3A_124] : memref<2x10000x64xf32, #tpu.memory_space<hbm>> -> memref<1x128x64xf32, #tpu.memory_space<hbm>>
      %dma_wait3A_126 = tpu.memref_squeeze %dma_wait3A_125 : memref<1x128x64xf32, #tpu.memory_space<hbm>> -> memref<128x64xf32, #tpu.memory_space<hbm>>
      tpu.wait_dma2 semaphore(%arg14 : memref<!tpu.dma_semaphore, #tpu.memory_space<semaphore_mem>>) src(%arg8 : memref<128x64xf32, #tpu.memory_space<vmem>>) dst(%dma_wait3A_126 : memref<128x64xf32, #tpu.memory_space<hbm>>)
      "tpu.region"() ({
        %run_scoped3A = tpu.sem_alloc : memref<!tpu.dma_semaphore, #tpu.memory_space<semaphore_mem>>
        %dma_start3A_179 = arith.constant 9856 : i32
        %dma_start3A_180 = arith.constant 0 : i32
        %dma_start3A_181 = tpu.memref_slice %arg13[%dma_start3A_179, %dma_start3A_180] : memref<10128x64xf32, #tpu.memory_space<vmem_shared>> -> memref<128x64xf32, #tpu.memory_space<vmem_shared>>
        %dma_start3A_182 = arith.constant 9856 : i32
        %dma_start3A_183 = arith.constant 0 : i32
        %dma_start3A_184 = tpu.memref_slice %arg13[%dma_start3A_182, %dma_start3A_183] : memref<10128x64xf32, #tpu.memory_space<vmem_shared>> -> memref<128x64xf32, #tpu.memory_space<vmem_shared>>
        tpu.enqueue_dma source(%dma_start3A_184 : memref<128x64xf32, #tpu.memory_space<vmem_shared>>) target(%arg8 : memref<128x64xf32, #tpu.memory_space<vmem>>) target_semaphore(%run_scoped3A : memref<!tpu.dma_semaphore, #tpu.memory_space<semaphore_mem>>)
        %dma_wait3A_185 = arith.constant 9856 : i32
        %dma_wait3A_186 = arith.constant 0 : i32
        %dma_wait3A_187 = tpu.memref_slice %arg13[%dma_wait3A_185, %dma_wait3A_186] : memref<10128x64xf32, #tpu.memory_space<vmem_shared>> -> memref<128x64xf32, #tpu.memory_space<vmem_shared>>
        %dma_wait3A_188 = arith.constant 9856 : i32
        %dma_wait3A_189 = arith.constant 0 : i32
        %dma_wait3A_190 = tpu.memref_slice %arg13[%dma_wait3A_188, %dma_wait3A_189] : memref<10128x64xf32, #tpu.memory_space<vmem_shared>> -> memref<128x64xf32, #tpu.memory_space<vmem_shared>>
        tpu.wait_dma2 semaphore(%run_scoped3A : memref<!tpu.dma_semaphore, #tpu.memory_space<semaphore_mem>>) src(%dma_wait3A_190 : memref<128x64xf32, #tpu.memory_space<vmem_shared>>) dst(%arg8 : memref<128x64xf32, #tpu.memory_space<vmem>>)
        tpu.yield
      }) : () -> ()
      %dma_start3A_127 = arith.constant 9856 : i32
      %dma_start3A_128 = arith.constant 0 : i32
      %dma_start3A_129 = tpu.memref_slice %arg5[%arg0, %dma_start3A_127, %dma_start3A_128] : memref<2x10000x64xf32, #tpu.memory_space<hbm>> -> memref<1x128x64xf32, #tpu.memory_space<hbm>>
      %dma_start3A_130 = tpu.memref_squeeze %dma_start3A_129 : memref<1x128x64xf32, #tpu.memory_space<hbm>> -> memref<128x64xf32, #tpu.memory_space<hbm>>
      %dma_start3A_131 = arith.constant 9856 : i32
      %dma_start3A_132 = arith.constant 0 : i32
      %dma_start3A_133 = tpu.memref_slice %arg5[%arg0, %dma_start3A_131, %dma_start3A_132] : memref<2x10000x64xf32, #tpu.memory_space<hbm>> -> memref<1x128x64xf32, #tpu.memory_space<hbm>>
      %dma_start3A_134 = tpu.memref_squeeze %dma_start3A_133 : memref<1x128x64xf32, #tpu.memory_space<hbm>> -> memref<128x64xf32, #tpu.memory_space<hbm>>
      tpu.enqueue_dma source(%arg8 : memref<128x64xf32, #tpu.memory_space<vmem>>) target(%dma_start3A_134 : memref<128x64xf32, #tpu.memory_space<hbm>>) target_semaphore(%arg14 : memref<!tpu.dma_semaphore, #tpu.memory_space<semaphore_mem>>)
      "tpu.region"() ({
        %run_scoped3A = tpu.sem_alloc : memref<!tpu.dma_semaphore, #tpu.memory_space<semaphore_mem>>
        %dma_start3A_179 = arith.constant 0 : i32
        %dma_start3A_180 = arith.constant 0 : i32
        %dma_start3A_181 = tpu.memref_slice %arg10[%dma_start3A_179, %dma_start3A_180] : memref<128x64xf32, #tpu.memory_space<vmem>> -> memref<16x64xf32, #tpu.memory_space<vmem>>
        %dma_start3A_182 = arith.constant 9984 : i32
        %dma_start3A_183 = arith.constant 0 : i32
        %dma_start3A_184 = tpu.memref_slice %arg13[%dma_start3A_182, %dma_start3A_183] : memref<10128x64xf32, #tpu.memory_space<vmem_shared>> -> memref<16x64xf32, #tpu.memory_space<vmem_shared>>
        %dma_start3A_185 = arith.constant 0 : i32
        %dma_start3A_186 = arith.constant 0 : i32
        %dma_start3A_187 = tpu.memref_slice %arg10[%dma_start3A_185, %dma_start3A_186] : memref<128x64xf32, #tpu.memory_space<vmem>> -> memref<16x64xf32, #tpu.memory_space<vmem>>
        %dma_start3A_188 = arith.constant 9984 : i32
        %dma_start3A_189 = arith.constant 0 : i32
        %dma_start3A_190 = tpu.memref_slice %arg13[%dma_start3A_188, %dma_start3A_189] : memref<10128x64xf32, #tpu.memory_space<vmem_shared>> -> memref<16x64xf32, #tpu.memory_space<vmem_shared>>
        tpu.enqueue_dma source(%dma_start3A_190 : memref<16x64xf32, #tpu.memory_space<vmem_shared>>) target(%dma_start3A_187 : memref<16x64xf32, #tpu.memory_space<vmem>>) target_semaphore(%run_scoped3A : memref<!tpu.dma_semaphore, #tpu.memory_space<semaphore_mem>>)
        %dma_wait3A_191 = arith.constant 0 : i32
        %dma_wait3A_192 = arith.constant 0 : i32
        %dma_wait3A_193 = tpu.memref_slice %arg10[%dma_wait3A_191, %dma_wait3A_192] : memref<128x64xf32, #tpu.memory_space<vmem>> -> memref<16x64xf32, #tpu.memory_space<vmem>>
        %dma_wait3A_194 = arith.constant 9984 : i32
        %dma_wait3A_195 = arith.constant 0 : i32
        %dma_wait3A_196 = tpu.memref_slice %arg13[%dma_wait3A_194, %dma_wait3A_195] : memref<10128x64xf32, #tpu.memory_space<vmem_shared>> -> memref<16x64xf32, #tpu.memory_space<vmem_shared>>
        %dma_wait3A_197 = arith.constant 0 : i32
        %dma_wait3A_198 = arith.constant 0 : i32
        %dma_wait3A_199 = tpu.memref_slice %arg10[%dma_wait3A_197, %dma_wait3A_198] : memref<128x64xf32, #tpu.memory_space<vmem>> -> memref<16x64xf32, #tpu.memory_space<vmem>>
        %dma_wait3A_200 = arith.constant 9984 : i32
        %dma_wait3A_201 = arith.constant 0 : i32
        %dma_wait3A_202 = tpu.memref_slice %arg13[%dma_wait3A_200, %dma_wait3A_201] : memref<10128x64xf32, #tpu.memory_space<vmem_shared>> -> memref<16x64xf32, #tpu.memory_space<vmem_shared>>
        tpu.wait_dma2 semaphore(%run_scoped3A : memref<!tpu.dma_semaphore, #tpu.memory_space<semaphore_mem>>) src(%dma_wait3A_202 : memref<16x64xf32, #tpu.memory_space<vmem_shared>>) dst(%dma_wait3A_199 : memref<16x64xf32, #tpu.memory_space<vmem>>)
        tpu.yield
      }) : () -> ()
      %dma_start3A_135 = arith.constant 0 : i32
      %dma_start3A_136 = arith.constant 0 : i32
      %dma_start3A_137 = tpu.memref_slice %arg10[%dma_start3A_135, %dma_start3A_136] : memref<128x64xf32, #tpu.memory_space<vmem>> -> memref<16x64xf32, #tpu.memory_space<vmem>>
      %dma_start3A_138 = arith.constant 9984 : i32
      %dma_start3A_139 = arith.constant 0 : i32
      %dma_start3A_140 = tpu.memref_slice %arg5[%arg0, %dma_start3A_138, %dma_start3A_139] : memref<2x10000x64xf32, #tpu.memory_space<hbm>> -> memref<1x16x64xf32, #tpu.memory_space<hbm>>
      %dma_start3A_141 = tpu.memref_squeeze %dma_start3A_140 : memref<1x16x64xf32, #tpu.memory_space<hbm>> -> memref<16x64xf32, #tpu.memory_space<hbm>>
      %dma_start3A_142 = arith.constant 9984 : i32
      %dma_start3A_143 = arith.constant 0 : i32
      %dma_start3A_144 = tpu.memref_slice %arg5[%arg0, %dma_start3A_142, %dma_start3A_143] : memref<2x10000x64xf32, #tpu.memory_space<hbm>> -> memref<1x16x64xf32, #tpu.memory_space<hbm>>
      %dma_start3A_145 = tpu.memref_squeeze %dma_start3A_144 : memref<1x16x64xf32, #tpu.memory_space<hbm>> -> memref<16x64xf32, #tpu.memory_space<hbm>>
      %dma_start3A_146 = arith.constant 0 : i32
      %dma_start3A_147 = arith.constant 0 : i32
      %dma_start3A_148 = tpu.memref_slice %arg10[%dma_start3A_146, %dma_start3A_147] : memref<128x64xf32, #tpu.memory_space<vmem>> -> memref<16x64xf32, #tpu.memory_space<vmem>>
      tpu.enqueue_dma source(%dma_start3A_148 : memref<16x64xf32, #tpu.memory_space<vmem>>) target(%dma_start3A_145 : memref<16x64xf32, #tpu.memory_space<hbm>>) target_semaphore(%arg16 : memref<!tpu.dma_semaphore, #tpu.memory_space<semaphore_mem>>)
      %dma_wait3A_149 = arith.constant 9728 : i32
      %dma_wait3A_150 = arith.constant 0 : i32
      %dma_wait3A_151 = tpu.memref_slice %arg5[%arg0, %dma_wait3A_149, %dma_wait3A_150] : memref<2x10000x64xf32, #tpu.memory_space<hbm>> -> memref<1x128x64xf32, #tpu.memory_space<hbm>>
      %dma_wait3A_152 = tpu.memref_squeeze %dma_wait3A_151 : memref<1x128x64xf32, #tpu.memory_space<hbm>> -> memref<128x64xf32, #tpu.memory_space<hbm>>
      %dma_wait3A_153 = arith.constant 9728 : i32
      %dma_wait3A_154 = arith.constant 0 : i32
      %dma_wait3A_155 = tpu.memref_slice %arg5[%arg0, %dma_wait3A_153, %dma_wait3A_154] : memref<2x10000x64xf32, #tpu.memory_space<hbm>> -> memref<1x128x64xf32, #tpu.memory_space<hbm>>
      %dma_wait3A_156 = tpu.memref_squeeze %dma_wait3A_155 : memref<1x128x64xf32, #tpu.memory_space<hbm>> -> memref<128x64xf32, #tpu.memory_space<hbm>>
      tpu.wait_dma2 semaphore(%arg15 : memref<!tpu.dma_semaphore, #tpu.memory_space<semaphore_mem>>) src(%arg9 : memref<128x64xf32, #tpu.memory_space<vmem>>) dst(%dma_wait3A_156 : memref<128x64xf32, #tpu.memory_space<hbm>>)
      %dma_wait3A_157 = arith.constant 9856 : i32
      %dma_wait3A_158 = arith.constant 0 : i32
      %dma_wait3A_159 = tpu.memref_slice %arg5[%arg0, %dma_wait3A_157, %dma_wait3A_158] : memref<2x10000x64xf32, #tpu.memory_space<hbm>> -> memref<1x128x64xf32, #tpu.memory_space<hbm>>
      %dma_wait3A_160 = tpu.memref_squeeze %dma_wait3A_159 : memref<1x128x64xf32, #tpu.memory_space<hbm>> -> memref<128x64xf32, #tpu.memory_space<hbm>>
      %dma_wait3A_161 = arith.constant 9856 : i32
      %dma_wait3A_162 = arith.constant 0 : i32
      %dma_wait3A_163 = tpu.memref_slice %arg5[%arg0, %dma_wait3A_161, %dma_wait3A_162] : memref<2x10000x64xf32, #tpu.memory_space<hbm>> -> memref<1x128x64xf32, #tpu.memory_space<hbm>>
      %dma_wait3A_164 = tpu.memref_squeeze %dma_wait3A_163 : memref<1x128x64xf32, #tpu.memory_space<hbm>> -> memref<128x64xf32, #tpu.memory_space<hbm>>
      tpu.wait_dma2 semaphore(%arg14 : memref<!tpu.dma_semaphore, #tpu.memory_space<semaphore_mem>>) src(%arg8 : memref<128x64xf32, #tpu.memory_space<vmem>>) dst(%dma_wait3A_164 : memref<128x64xf32, #tpu.memory_space<hbm>>)
      %dma_wait3A_165 = arith.constant 0 : i32
      %dma_wait3A_166 = arith.constant 0 : i32
      %dma_wait3A_167 = tpu.memref_slice %arg10[%dma_wait3A_165, %dma_wait3A_166] : memref<128x64xf32, #tpu.memory_space<vmem>> -> memref<16x64xf32, #tpu.memory_space<vmem>>
      %dma_wait3A_168 = arith.constant 9984 : i32
      %dma_wait3A_169 = arith.constant 0 : i32
      %dma_wait3A_170 = tpu.memref_slice %arg5[%arg0, %dma_wait3A_168, %dma_wait3A_169] : memref<2x10000x64xf32, #tpu.memory_space<hbm>> -> memref<1x16x64xf32, #tpu.memory_space<hbm>>
      %dma_wait3A_171 = tpu.memref_squeeze %dma_wait3A_170 : memref<1x16x64xf32, #tpu.memory_space<hbm>> -> memref<16x64xf32, #tpu.memory_space<hbm>>
      %dma_wait3A_172 = arith.constant 9984 : i32
      %dma_wait3A_173 = arith.constant 0 : i32
      %dma_wait3A_174 = tpu.memref_slice %arg5[%arg0, %dma_wait3A_172, %dma_wait3A_173] : memref<2x10000x64xf32, #tpu.memory_space<hbm>> -> memref<1x16x64xf32, #tpu.memory_space<hbm>>
      %dma_wait3A_175 = tpu.memref_squeeze %dma_wait3A_174 : memref<1x16x64xf32, #tpu.memory_space<hbm>> -> memref<16x64xf32, #tpu.memory_space<hbm>>
      %dma_wait3A_176 = arith.constant 0 : i32
      %dma_wait3A_177 = arith.constant 0 : i32
      %dma_wait3A_178 = tpu.memref_slice %arg10[%dma_wait3A_176, %dma_wait3A_177] : memref<128x64xf32, #tpu.memory_space<vmem>> -> memref<16x64xf32, #tpu.memory_space<vmem>>
      tpu.wait_dma2 semaphore(%arg16 : memref<!tpu.dma_semaphore, #tpu.memory_space<semaphore_mem>>) src(%dma_wait3A_178 : memref<16x64xf32, #tpu.memory_space<vmem>>) dst(%dma_wait3A_175 : memref<16x64xf32, #tpu.memory_space<hbm>>)
    } else {
    }
    return
  }
}

#map = affine_map<(d0, d1) -> (0, 0)>
#map1 = affine_map<(d0, d1) -> (0, 0, 0)>
module attributes {stable_mosaic.version = 14 : i64} {
  func.func @_deg_kernel(%arg0: i32, %arg1: i32, %arg2: memref<2560x128xi32, #tpu.memory_space<hbm>>, %arg3: memref<2x1x10000xf32, #tpu.memory_space<hbm>>, %arg4: memref<128xf32, #tpu.memory_space<vmem>>, %arg5: memref<640xf32, #tpu.memory_space<vmem>>, %arg6: memref<80x128xi32, #tpu.memory_space<vmem>>, %arg7: memref<10128xf32, #tpu.memory_space<vmem_shared>>, %arg8: memref<!tpu.dma_semaphore, #tpu.memory_space<semaphore_mem>>) attributes {dimension_semantics = [#tpu.dimension_semantics<core_parallel>, #tpu.dimension_semantics<subcore_parallel>], iteration_bounds = array<i64: 2, 16>, scalar_prefetch = 0 : i64, scratch_operands = 5 : i64, tpu.core_type = #tpu.core_type<sc_vector_subcore>, window_params = [{transform_indices = #map}, {transform_indices = #map1}]} {
    %mul3A = arith.constant 16 : i32
    %mul3A_0 = arith.muli %arg0, %mul3A : i32
    %add3A = arith.addi %mul3A_0, %arg1 : i32
    %mul3A_1 = arith.constant 80 : i32
    %mul3A_2 = arith.muli %add3A, %mul3A_1 : i32
    %scan3A = arith.constant 0 : i32
    %scan3A_3 = arith.constant 0 : i32
    %scan3A_4 = arith.constant 8 : i32
    %scan3A_5 = arith.addi %scan3A_3, %scan3A_4 : i32
    %scan3A_6 = arith.constant 1 : i32
    %scan3A_7 = scf.for %scan3A_47 = %scan3A_3 to %scan3A_5 step %scan3A_6 iter_args(%scan3A_48 = %scan3A) -> (i32)  : i32 {
      %broadcast_in_dim3A = arith.constant 1.000000e+00 : f32
      %broadcast_in_dim3A_49 = vector.broadcast %broadcast_in_dim3A : f32 to vector<16xf32>
      %mul3A_50 = arith.constant 16 : i32
      %mul3A_51 = arith.muli %scan3A_47, %mul3A_50 : i32
      %swap3A = arith.index_cast %mul3A_51 : i32 to index
      %swap3A_52 = tpu.vector_load %arg4[%swap3A] {strides = array<i32>} : memref<128xf32, #tpu.memory_space<vmem>>, vector<16xf32>,
      %swap3A_53 = vector.shape_cast %swap3A_52 : vector<16xf32> to vector<16xf32>
      %swap3A_54 = vector.shape_cast %broadcast_in_dim3A_49 : vector<16xf32> to vector<16xf32>
      tpu.vector_store %arg4[%swap3A], %swap3A_54 {strides = array<i32>} : memref<128xf32, #tpu.memory_space<vmem>>, vector<16xf32>,
      %scan3A_55 = arith.constant 0 : i32
      scf.yield %scan3A_55 : i32
    }
    %scan3A_8 = arith.constant 8 : i32
    %scan3A_9 = arith.constant 0 : i32
    %scan3A_10 = arith.constant 0 : i32
    %scan3A_11 = arith.constant 40 : i32
    %scan3A_12 = arith.addi %scan3A_10, %scan3A_11 : i32
    %scan3A_13 = arith.constant 1 : i32
    %scan3A_14 = scf.for %scan3A_47 = %scan3A_10 to %scan3A_12 step %scan3A_13 iter_args(%scan3A_48 = %scan3A_9) -> (i32)  : i32 {
      %broadcast_in_dim3A = arith.constant 0.000000e+00 : f32
      %broadcast_in_dim3A_49 = vector.broadcast %broadcast_in_dim3A : f32 to vector<16xf32>
      %mul3A_50 = arith.constant 16 : i32
      %mul3A_51 = arith.muli %scan3A_47, %mul3A_50 : i32
      %swap3A = arith.index_cast %mul3A_51 : i32 to index
      %swap3A_52 = tpu.vector_load %arg5[%swap3A] {strides = array<i32>} : memref<640xf32, #tpu.memory_space<vmem>>, vector<16xf32>,
      %swap3A_53 = vector.shape_cast %swap3A_52 : vector<16xf32> to vector<16xf32>
      %swap3A_54 = vector.shape_cast %broadcast_in_dim3A_49 : vector<16xf32> to vector<16xf32>
      tpu.vector_store %arg5[%swap3A], %swap3A_54 {strides = array<i32>} : memref<640xf32, #tpu.memory_space<vmem>>, vector<16xf32>,
      %scan3A_55 = arith.constant 0 : i32
      scf.yield %scan3A_55 : i32
    }
    %scan3A_15 = arith.constant 40 : i32
    %lt3A = arith.constant 15 : i32
    %lt3A_16 = arith.cmpi slt, %arg1, %lt3A : i32
    %convert_element_type3A = arith.extui %lt3A_16 : i1 to i32
    %cond3A = arith.constant 0 : i32
    %cond3A_17 = arith.cmpi ne, %convert_element_type3A, %cond3A : i32
    scf.if %cond3A_17 {
      %mul3A_47 = arith.constant 640 : i32
      %mul3A_48 = arith.muli %arg1, %mul3A_47 : i32
      "tpu.region"() ({
        %run_scoped3A = tpu.sem_alloc : memref<!tpu.dma_semaphore, #tpu.memory_space<semaphore_mem>>
        %dma_start3A = tpu.memref_slice %arg7[%mul3A_48] : memref<10128xf32, #tpu.memory_space<vmem_shared>> -> memref<640xf32, #tpu.memory_space<vmem_shared>>
        %dma_start3A_49 = tpu.memref_slice %arg7[%mul3A_48] : memref<10128xf32, #tpu.memory_space<vmem_shared>> -> memref<640xf32, #tpu.memory_space<vmem_shared>>
        tpu.enqueue_dma source(%arg5 : memref<640xf32, #tpu.memory_space<vmem>>) target(%dma_start3A_49 : memref<640xf32, #tpu.memory_space<vmem_shared>>) target_semaphore(%run_scoped3A : memref<!tpu.dma_semaphore, #tpu.memory_space<semaphore_mem>>)
        %dma_wait3A = tpu.memref_slice %arg7[%mul3A_48] : memref<10128xf32, #tpu.memory_space<vmem_shared>> -> memref<640xf32, #tpu.memory_space<vmem_shared>>
        %dma_wait3A_50 = tpu.memref_slice %arg7[%mul3A_48] : memref<10128xf32, #tpu.memory_space<vmem_shared>> -> memref<640xf32, #tpu.memory_space<vmem_shared>>
        tpu.wait_dma2 semaphore(%run_scoped3A : memref<!tpu.dma_semaphore, #tpu.memory_space<semaphore_mem>>) src(%arg5 : memref<640xf32, #tpu.memory_space<vmem>>) dst(%dma_wait3A_50 : memref<640xf32, #tpu.memory_space<vmem_shared>>)
        tpu.yield
      }) : () -> ()
    } else {
    }
    %eq3A = arith.constant 15 : i32
    %eq3A_18 = arith.cmpi eq, %arg1, %eq3A : i32
    %convert_element_type3A_19 = arith.extui %eq3A_18 : i1 to i32
    %cond3A_20 = arith.constant 0 : i32
    %cond3A_21 = arith.cmpi ne, %convert_element_type3A_19, %cond3A_20 : i32
    scf.if %cond3A_21 {
      "tpu.region"() ({
        %run_scoped3A = tpu.sem_alloc : memref<!tpu.dma_semaphore, #tpu.memory_space<semaphore_mem>>
        %dma_start3A = arith.constant 0 : i32
        %dma_start3A_47 = tpu.memref_slice %arg5[%dma_start3A] : memref<640xf32, #tpu.memory_space<vmem>> -> memref<400xf32, #tpu.memory_space<vmem>>
        %dma_start3A_48 = arith.constant 9600 : i32
        %dma_start3A_49 = tpu.memref_slice %arg7[%dma_start3A_48] : memref<10128xf32, #tpu.memory_space<vmem_shared>> -> memref<400xf32, #tpu.memory_space<vmem_shared>>
        %dma_start3A_50 = arith.constant 9600 : i32
        %dma_start3A_51 = tpu.memref_slice %arg7[%dma_start3A_50] : memref<10128xf32, #tpu.memory_space<vmem_shared>> -> memref<400xf32, #tpu.memory_space<vmem_shared>>
        %dma_start3A_52 = arith.constant 0 : i32
        %dma_start3A_53 = tpu.memref_slice %arg5[%dma_start3A_52] : memref<640xf32, #tpu.memory_space<vmem>> -> memref<400xf32, #tpu.memory_space<vmem>>
        tpu.enqueue_dma source(%dma_start3A_53 : memref<400xf32, #tpu.memory_space<vmem>>) target(%dma_start3A_51 : memref<400xf32, #tpu.memory_space<vmem_shared>>) target_semaphore(%run_scoped3A : memref<!tpu.dma_semaphore, #tpu.memory_space<semaphore_mem>>)
        %dma_wait3A = arith.constant 0 : i32
        %dma_wait3A_54 = tpu.memref_slice %arg5[%dma_wait3A] : memref<640xf32, #tpu.memory_space<vmem>> -> memref<400xf32, #tpu.memory_space<vmem>>
        %dma_wait3A_55 = arith.constant 9600 : i32
        %dma_wait3A_56 = tpu.memref_slice %arg7[%dma_wait3A_55] : memref<10128xf32, #tpu.memory_space<vmem_shared>> -> memref<400xf32, #tpu.memory_space<vmem_shared>>
        %dma_wait3A_57 = arith.constant 9600 : i32
        %dma_wait3A_58 = tpu.memref_slice %arg7[%dma_wait3A_57] : memref<10128xf32, #tpu.memory_space<vmem_shared>> -> memref<400xf32, #tpu.memory_space<vmem_shared>>
        %dma_wait3A_59 = arith.constant 0 : i32
        %dma_wait3A_60 = tpu.memref_slice %arg5[%dma_wait3A_59] : memref<640xf32, #tpu.memory_space<vmem>> -> memref<400xf32, #tpu.memory_space<vmem>>
        tpu.wait_dma2 semaphore(%run_scoped3A : memref<!tpu.dma_semaphore, #tpu.memory_space<semaphore_mem>>) src(%dma_wait3A_60 : memref<400xf32, #tpu.memory_space<vmem>>) dst(%dma_wait3A_58 : memref<400xf32, #tpu.memory_space<vmem_shared>>)
        tpu.yield
      }) : () -> ()
    } else {
    }
    "tpu.region"() ({
      %run_scoped3A = tpu.sem_alloc : memref<!tpu.dma_semaphore, #tpu.memory_space<semaphore_mem>>
      %dma_start3A = arith.constant 0 : i32
      %dma_start3A_47 = tpu.memref_slice %arg2[%mul3A_2, %dma_start3A] : memref<2560x128xi32, #tpu.memory_space<hbm>> -> memref<80x128xi32, #tpu.memory_space<hbm>>
      %dma_start3A_48 = arith.constant 0 : i32
      %dma_start3A_49 = tpu.memref_slice %arg2[%mul3A_2, %dma_start3A_48] : memref<2560x128xi32, #tpu.memory_space<hbm>> -> memref<80x128xi32, #tpu.memory_space<hbm>>
      tpu.enqueue_dma source(%dma_start3A_49 : memref<80x128xi32, #tpu.memory_space<hbm>>) target(%arg6 : memref<80x128xi32, #tpu.memory_space<vmem>>) target_semaphore(%run_scoped3A : memref<!tpu.dma_semaphore, #tpu.memory_space<semaphore_mem>>)
      %dma_wait3A = arith.constant 0 : i32
      %dma_wait3A_50 = tpu.memref_slice %arg2[%mul3A_2, %dma_wait3A] : memref<2560x128xi32, #tpu.memory_space<hbm>> -> memref<80x128xi32, #tpu.memory_space<hbm>>
      %dma_wait3A_51 = arith.constant 0 : i32
      %dma_wait3A_52 = tpu.memref_slice %arg2[%mul3A_2, %dma_wait3A_51] : memref<2560x128xi32, #tpu.memory_space<hbm>> -> memref<80x128xi32, #tpu.memory_space<hbm>>
      tpu.wait_dma2 semaphore(%run_scoped3A : memref<!tpu.dma_semaphore, #tpu.memory_space<semaphore_mem>>) src(%dma_wait3A_52 : memref<80x128xi32, #tpu.memory_space<hbm>>) dst(%arg6 : memref<80x128xi32, #tpu.memory_space<vmem>>)
      tpu.yield
    }) : () -> ()
    %barrier3A = arith.constant 0 : index
    tpu.barrier barrier_id(%barrier3A)
    %scan3A_22 = arith.constant 0 : i32
    %scan3A_23 = arith.constant 0 : i32
    %scan3A_24 = arith.constant 80 : i32
    %scan3A_25 = arith.addi %scan3A_23, %scan3A_24 : i32
    %scan3A_26 = arith.constant 1 : i32
    %scan3A_27 = scf.for %scan3A_47 = %scan3A_23 to %scan3A_25 step %scan3A_26 iter_args(%scan3A_48 = %scan3A_22) -> (i32)  : i32 {
      %dma_start3A = arith.constant 0 : i32
      %dma_start3A_49 = tpu.memref_slice %arg6[%scan3A_47, %dma_start3A] : memref<80x128xi32, #tpu.memory_space<vmem>> -> memref<1x128xi32, #tpu.memory_space<vmem>>
      %dma_start3A_50 = tpu.memref_squeeze %dma_start3A_49 : memref<1x128xi32, #tpu.memory_space<vmem>> -> memref<128xi32, #tpu.memory_space<vmem>>
      %dma_start3A_51 = arith.constant 0 : i32
      %dma_start3A_52 = tpu.memref_slice %arg7[%dma_start3A_51] : memref<10128xf32, #tpu.memory_space<vmem_shared>> -> memref<10128xf32, #tpu.memory_space<vmem_shared>>
      tpu.enqueue_indirect_dma source(%arg4 : memref<128xf32, #tpu.memory_space<vmem>>) target(%dma_start3A_52 : memref<10128xf32, #tpu.memory_space<vmem_shared>>) offsets(%dma_start3A_50 : memref<128xi32, #tpu.memory_space<vmem>>) semaphore(%arg8 : memref<!tpu.dma_semaphore, #tpu.memory_space<semaphore_mem>>) {add = true}
      %scan3A_53 = arith.constant 0 : i32
      scf.yield %scan3A_53 : i32
    }
    %scan3A_28 = arith.constant 80 : i32
    %scan3A_29 = arith.constant 0 : i32
    %scan3A_30 = arith.constant 0 : i32
    %scan3A_31 = arith.constant 80 : i32
    %scan3A_32 = arith.addi %scan3A_30, %scan3A_31 : i32
    %scan3A_33 = arith.constant 1 : i32
    %scan3A_34 = scf.for %scan3A_47 = %scan3A_30 to %scan3A_32 step %scan3A_33 iter_args(%scan3A_48 = %scan3A_29) -> (i32)  : i32 {
      %dma_wait3A = arith.constant 0 : i32
      %dma_wait3A_49 = tpu.memref_slice %arg6[%scan3A_47, %dma_wait3A] : memref<80x128xi32, #tpu.memory_space<vmem>> -> memref<1x128xi32, #tpu.memory_space<vmem>>
      %dma_wait3A_50 = tpu.memref_squeeze %dma_wait3A_49 : memref<1x128xi32, #tpu.memory_space<vmem>> -> memref<128xi32, #tpu.memory_space<vmem>>
      %dma_wait3A_51 = arith.constant 0 : i32
      %dma_wait3A_52 = tpu.memref_slice %arg7[%dma_wait3A_51] : memref<10128xf32, #tpu.memory_space<vmem_shared>> -> memref<10128xf32, #tpu.memory_space<vmem_shared>>
      tpu.wait_indirect_dma semaphore(%arg8 : memref<!tpu.dma_semaphore, #tpu.memory_space<semaphore_mem>>) src(%arg4 : memref<128xf32, #tpu.memory_space<vmem>>) dst(%dma_wait3A_52 : memref<10128xf32, #tpu.memory_space<vmem_shared>>)
      %scan3A_53 = arith.constant 0 : i32
      scf.yield %scan3A_53 : i32
    }
    %scan3A_35 = arith.constant 80 : i32
    %barrier3A_36 = arith.constant 0 : index
    tpu.barrier barrier_id(%barrier3A_36)
    %lt3A_37 = arith.constant 15 : i32
    %lt3A_38 = arith.cmpi slt, %arg1, %lt3A_37 : i32
    %convert_element_type3A_39 = arith.extui %lt3A_38 : i1 to i32
    %cond3A_40 = arith.constant 0 : i32
    %cond3A_41 = arith.cmpi ne, %convert_element_type3A_39, %cond3A_40 : i32
    scf.if %cond3A_41 {
      %mul3A_47 = arith.constant 640 : i32
      %mul3A_48 = arith.muli %arg1, %mul3A_47 : i32
      "tpu.region"() ({
        %run_scoped3A_51 = tpu.sem_alloc : memref<!tpu.dma_semaphore, #tpu.memory_space<semaphore_mem>>
        %dma_start3A = tpu.memref_slice %arg7[%mul3A_48] : memref<10128xf32, #tpu.memory_space<vmem_shared>> -> memref<640xf32, #tpu.memory_space<vmem_shared>>
        %dma_start3A_52 = tpu.memref_slice %arg7[%mul3A_48] : memref<10128xf32, #tpu.memory_space<vmem_shared>> -> memref<640xf32, #tpu.memory_space<vmem_shared>>
        tpu.enqueue_dma source(%dma_start3A_52 : memref<640xf32, #tpu.memory_space<vmem_shared>>) target(%arg5 : memref<640xf32, #tpu.memory_space<vmem>>) target_semaphore(%run_scoped3A_51 : memref<!tpu.dma_semaphore, #tpu.memory_space<semaphore_mem>>)
        %dma_wait3A = tpu.memref_slice %arg7[%mul3A_48] : memref<10128xf32, #tpu.memory_space<vmem_shared>> -> memref<640xf32, #tpu.memory_space<vmem_shared>>
        %dma_wait3A_53 = tpu.memref_slice %arg7[%mul3A_48] : memref<10128xf32, #tpu.memory_space<vmem_shared>> -> memref<640xf32, #tpu.memory_space<vmem_shared>>
        tpu.wait_dma2 semaphore(%run_scoped3A_51 : memref<!tpu.dma_semaphore, #tpu.memory_space<semaphore_mem>>) src(%dma_wait3A_53 : memref<640xf32, #tpu.memory_space<vmem_shared>>) dst(%arg5 : memref<640xf32, #tpu.memory_space<vmem>>)
        tpu.yield
      }) : () -> ()
      %mul3A_49 = arith.constant 640 : i32
      %mul3A_50 = arith.muli %arg1, %mul3A_49 : i32
      %run_scoped3A = arith.constant 0 : i32
      "tpu.region"() ({
        %run_scoped3A_51 = tpu.sem_alloc : memref<!tpu.dma_semaphore, #tpu.memory_space<semaphore_mem>>
        %dma_start3A = tpu.memref_slice %arg3[%arg0, %run_scoped3A, %mul3A_50] : memref<2x1x10000xf32, #tpu.memory_space<hbm>> -> memref<1x1x640xf32, #tpu.memory_space<hbm>>
        %dma_start3A_52 = tpu.memref_squeeze %dma_start3A : memref<1x1x640xf32, #tpu.memory_space<hbm>> -> memref<640xf32, #tpu.memory_space<hbm>>
        %dma_start3A_53 = tpu.memref_slice %arg3[%arg0, %run_scoped3A, %mul3A_50] : memref<2x1x10000xf32, #tpu.memory_space<hbm>> -> memref<1x1x640xf32, #tpu.memory_space<hbm>>
        %dma_start3A_54 = tpu.memref_squeeze %dma_start3A_53 : memref<1x1x640xf32, #tpu.memory_space<hbm>> -> memref<640xf32, #tpu.memory_space<hbm>>
        tpu.enqueue_dma source(%arg5 : memref<640xf32, #tpu.memory_space<vmem>>) target(%dma_start3A_54 : memref<640xf32, #tpu.memory_space<hbm>>) target_semaphore(%run_scoped3A_51 : memref<!tpu.dma_semaphore, #tpu.memory_space<semaphore_mem>>)
        %dma_wait3A = tpu.memref_slice %arg3[%arg0, %run_scoped3A, %mul3A_50] : memref<2x1x10000xf32, #tpu.memory_space<hbm>> -> memref<1x1x640xf32, #tpu.memory_space<hbm>>
        %dma_wait3A_55 = tpu.memref_squeeze %dma_wait3A : memref<1x1x640xf32, #tpu.memory_space<hbm>> -> memref<640xf32, #tpu.memory_space<hbm>>
        %dma_wait3A_56 = tpu.memref_slice %arg3[%arg0, %run_scoped3A, %mul3A_50] : memref<2x1x10000xf32, #tpu.memory_space<hbm>> -> memref<1x1x640xf32, #tpu.memory_space<hbm>>
        %dma_wait3A_57 = tpu.memref_squeeze %dma_wait3A_56 : memref<1x1x640xf32, #tpu.memory_space<hbm>> -> memref<640xf32, #tpu.memory_space<hbm>>
        tpu.wait_dma2 semaphore(%run_scoped3A_51 : memref<!tpu.dma_semaphore, #tpu.memory_space<semaphore_mem>>) src(%arg5 : memref<640xf32, #tpu.memory_space<vmem>>) dst(%dma_wait3A_57 : memref<640xf32, #tpu.memory_space<hbm>>)
        tpu.yield
      }) : () -> ()
    } else {
    }
    %eq3A_42 = arith.constant 15 : i32
    %eq3A_43 = arith.cmpi eq, %arg1, %eq3A_42 : i32
    %convert_element_type3A_44 = arith.extui %eq3A_43 : i1 to i32
    %cond3A_45 = arith.constant 0 : i32
    %cond3A_46 = arith.cmpi ne, %convert_element_type3A_44, %cond3A_45 : i32
    scf.if %cond3A_46 {
      "tpu.region"() ({
        %run_scoped3A_47 = tpu.sem_alloc : memref<!tpu.dma_semaphore, #tpu.memory_space<semaphore_mem>>
        %dma_start3A = arith.constant 0 : i32
        %dma_start3A_48 = tpu.memref_slice %arg5[%dma_start3A] : memref<640xf32, #tpu.memory_space<vmem>> -> memref<400xf32, #tpu.memory_space<vmem>>
        %dma_start3A_49 = arith.constant 9600 : i32
        %dma_start3A_50 = tpu.memref_slice %arg7[%dma_start3A_49] : memref<10128xf32, #tpu.memory_space<vmem_shared>> -> memref<400xf32, #tpu.memory_space<vmem_shared>>
        %dma_start3A_51 = arith.constant 0 : i32
        %dma_start3A_52 = tpu.memref_slice %arg5[%dma_start3A_51] : memref<640xf32, #tpu.memory_space<vmem>> -> memref<400xf32, #tpu.memory_space<vmem>>
        %dma_start3A_53 = arith.constant 9600 : i32
        %dma_start3A_54 = tpu.memref_slice %arg7[%dma_start3A_53] : memref<10128xf32, #tpu.memory_space<vmem_shared>> -> memref<400xf32, #tpu.memory_space<vmem_shared>>
        tpu.enqueue_dma source(%dma_start3A_54 : memref<400xf32, #tpu.memory_space<vmem_shared>>) target(%dma_start3A_52 : memref<400xf32, #tpu.memory_space<vmem>>) target_semaphore(%run_scoped3A_47 : memref<!tpu.dma_semaphore, #tpu.memory_space<semaphore_mem>>)
        %dma_wait3A = arith.constant 0 : i32
        %dma_wait3A_55 = tpu.memref_slice %arg5[%dma_wait3A] : memref<640xf32, #tpu.memory_space<vmem>> -> memref<400xf32, #tpu.memory_space<vmem>>
        %dma_wait3A_56 = arith.constant 9600 : i32
        %dma_wait3A_57 = tpu.memref_slice %arg7[%dma_wait3A_56] : memref<10128xf32, #tpu.memory_space<vmem_shared>> -> memref<400xf32, #tpu.memory_space<vmem_shared>>
        %dma_wait3A_58 = arith.constant 0 : i32
        %dma_wait3A_59 = tpu.memref_slice %arg5[%dma_wait3A_58] : memref<640xf32, #tpu.memory_space<vmem>> -> memref<400xf32, #tpu.memory_space<vmem>>
        %dma_wait3A_60 = arith.constant 9600 : i32
        %dma_wait3A_61 = tpu.memref_slice %arg7[%dma_wait3A_60] : memref<10128xf32, #tpu.memory_space<vmem_shared>> -> memref<400xf32, #tpu.memory_space<vmem_shared>>
        tpu.wait_dma2 semaphore(%run_scoped3A_47 : memref<!tpu.dma_semaphore, #tpu.memory_space<semaphore_mem>>) src(%dma_wait3A_61 : memref<400xf32, #tpu.memory_space<vmem_shared>>) dst(%dma_wait3A_59 : memref<400xf32, #tpu.memory_space<vmem>>)
        tpu.yield
      }) : () -> ()
      %run_scoped3A = arith.constant 0 : i32
      "tpu.region"() ({
        %run_scoped3A_47 = tpu.sem_alloc : memref<!tpu.dma_semaphore, #tpu.memory_space<semaphore_mem>>
        %dma_start3A = arith.constant 0 : i32
        %dma_start3A_48 = tpu.memref_slice %arg5[%dma_start3A] : memref<640xf32, #tpu.memory_space<vmem>> -> memref<400xf32, #tpu.memory_space<vmem>>
        %dma_start3A_49 = arith.constant 9600 : i32
        %dma_start3A_50 = tpu.memref_slice %arg3[%arg0, %run_scoped3A, %dma_start3A_49] : memref<2x1x10000xf32, #tpu.memory_space<hbm>> -> memref<1x1x400xf32, #tpu.memory_space<hbm>>
        %dma_start3A_51 = tpu.memref_squeeze %dma_start3A_50 : memref<1x1x400xf32, #tpu.memory_space<hbm>> -> memref<400xf32, #tpu.memory_space<hbm>>
        %dma_start3A_52 = arith.constant 9600 : i32
        %dma_start3A_53 = tpu.memref_slice %arg3[%arg0, %run_scoped3A, %dma_start3A_52] : memref<2x1x10000xf32, #tpu.memory_space<hbm>> -> memref<1x1x400xf32, #tpu.memory_space<hbm>>
        %dma_start3A_54 = tpu.memref_squeeze %dma_start3A_53 : memref<1x1x400xf32, #tpu.memory_space<hbm>> -> memref<400xf32, #tpu.memory_space<hbm>>
        %dma_start3A_55 = arith.constant 0 : i32
        %dma_start3A_56 = tpu.memref_slice %arg5[%dma_start3A_55] : memref<640xf32, #tpu.memory_space<vmem>> -> memref<400xf32, #tpu.memory_space<vmem>>
        tpu.enqueue_dma source(%dma_start3A_56 : memref<400xf32, #tpu.memory_space<vmem>>) target(%dma_start3A_54 : memref<400xf32, #tpu.memory_space<hbm>>) target_semaphore(%run_scoped3A_47 : memref<!tpu.dma_semaphore, #tpu.memory_space<semaphore_mem>>)
        %dma_wait3A = arith.constant 0 : i32
        %dma_wait3A_57 = tpu.memref_slice %arg5[%dma_wait3A] : memref<640xf32, #tpu.memory_space<vmem>> -> memref<400xf32, #tpu.memory_space<vmem>>
        %dma_wait3A_58 = arith.constant 9600 : i32
        %dma_wait3A_59 = tpu.memref_slice %arg3[%arg0, %run_scoped3A, %dma_wait3A_58] : memref<2x1x10000xf32, #tpu.memory_space<hbm>> -> memref<1x1x400xf32, #tpu.memory_space<hbm>>
        %dma_wait3A_60 = tpu.memref_squeeze %dma_wait3A_59 : memref<1x1x400xf32, #tpu.memory_space<hbm>> -> memref<400xf32, #tpu.memory_space<hbm>>
        %dma_wait3A_61 = arith.constant 9600 : i32
        %dma_wait3A_62 = tpu.memref_slice %arg3[%arg0, %run_scoped3A, %dma_wait3A_61] : memref<2x1x10000xf32, #tpu.memory_space<hbm>> -> memref<1x1x400xf32, #tpu.memory_space<hbm>>
        %dma_wait3A_63 = tpu.memref_squeeze %dma_wait3A_62 : memref<1x1x400xf32, #tpu.memory_space<hbm>> -> memref<400xf32, #tpu.memory_space<hbm>>
        %dma_wait3A_64 = arith.constant 0 : i32
        %dma_wait3A_65 = tpu.memref_slice %arg5[%dma_wait3A_64] : memref<640xf32, #tpu.memory_space<vmem>> -> memref<400xf32, #tpu.memory_space<vmem>>
        tpu.wait_dma2 semaphore(%run_scoped3A_47 : memref<!tpu.dma_semaphore, #tpu.memory_space<semaphore_mem>>) src(%dma_wait3A_65 : memref<400xf32, #tpu.memory_space<vmem>>) dst(%dma_wait3A_63 : memref<400xf32, #tpu.memory_space<hbm>>)
        tpu.yield
      }) : () -> ()
    } else {
    }
    return
  }
}

#map = affine_map<(d0, d1) -> (0, 0)>
#map1 = affine_map<(d0, d1) -> (0, 0, 0)>
module attributes {stable_mosaic.version = 14 : i64} {
  func.func @_agg_kernel(%arg0: i32, %arg1: i32, %arg2: memref<10000x64xf32, #tpu.memory_space<hbm>>, %arg3: memref<2560x128xi32, #tpu.memory_space<hbm>>, %arg4: memref<2560x128xi32, #tpu.memory_space<hbm>>, %arg5: memref<2x10000x64xf32, #tpu.memory_space<hbm>>, %arg6: memref<80x128xi32, #tpu.memory_space<vmem>>, %arg7: memref<80x128xi32, #tpu.memory_space<vmem>>, %arg8: memref<128x64xf32, #tpu.memory_space<vmem>>, %arg9: memref<128x64xf32, #tpu.memory_space<vmem>>, %arg10: memref<128x64xf32, #tpu.memory_space<vmem>>, %arg11: memref<128x64xf32, #tpu.memory_space<vmem>>, %arg12: memref<80x64xf32, #tpu.memory_space<vmem>>, %arg13: memref<10128x64xf32, #tpu.memory_space<vmem_shared>>, %arg14: memref<!tpu.dma_semaphore, #tpu.memory_space<semaphore_mem>>, %arg15: memref<!tpu.dma_semaphore, #tpu.memory_space<semaphore_mem>>, %arg16: memref<!tpu.dma_semaphore, #tpu.memory_space<semaphore_mem>>, %arg17: memref<!tpu.dma_semaphore, #tpu.memory_space<semaphore_mem>>, %arg18: memref<!tpu.dma_semaphore, #tpu.memory_space<semaphore_mem>>, %arg19: memref<!tpu.dma_semaphore, #tpu.memory_space<semaphore_mem>>, %arg20: memref<!tpu.dma_semaphore, #tpu.memory_space<semaphore_mem>>, %arg21: memref<!tpu.dma_semaphore, #tpu.memory_space<semaphore_mem>>, %arg22: memref<!tpu.dma_semaphore, #tpu.memory_space<semaphore_mem>>) attributes {dimension_semantics = [#tpu.dimension_semantics<core_parallel>, #tpu.dimension_semantics<subcore_parallel>], iteration_bounds = array<i64: 2, 16>, scalar_prefetch = 0 : i64, scratch_operands = 17 : i64, tpu.core_type = #tpu.core_type<sc_vector_subcore>, window_params = [{transform_indices = #map}, {transform_indices = #map}, {transform_indices = #map}, {transform_indices = #map1}]} {
    %mul3A = arith.constant 16 : i32
    %mul3A_0 = arith.muli %arg0, %mul3A : i32
    %add3A = arith.addi %mul3A_0, %arg1 : i32
    %mul3A_1 = arith.constant 80 : i32
    %mul3A_2 = arith.muli %add3A, %mul3A_1 : i32
    %scan3A = arith.constant 0 : i32
    %scan3A_3 = arith.constant 0 : i32
    %scan3A_4 = arith.constant 80 : i32
    %scan3A_5 = arith.addi %scan3A_3, %scan3A_4 : i32
    %scan3A_6 = arith.constant 1 : i32
    %scan3A_7 = scf.for %scan3A_103 = %scan3A_3 to %scan3A_5 step %scan3A_6 iter_args(%scan3A_104 = %scan3A) -> (i32)  : i32 {
      %scan3A_105 = arith.constant 0 : i32
      %scan3A_106 = arith.constant 0 : i32
      %scan3A_107 = arith.constant 4 : i32
      %scan3A_108 = arith.addi %scan3A_106, %scan3A_107 : i32
      %scan3A_109 = arith.constant 1 : i32
      %scan3A_110 = scf.for %scan3A_113 = %scan3A_106 to %scan3A_108 step %scan3A_109 iter_args(%scan3A_114 = %scan3A_105) -> (i32)  : i32 {
        %broadcast_in_dim3A = arith.constant 0.000000e+00 : f32
        %broadcast_in_dim3A_115 = vector.broadcast %broadcast_in_dim3A : f32 to vector<16xf32>
        %mul3A_116 = arith.constant 16 : i32
        %mul3A_117 = arith.muli %scan3A_113, %mul3A_116 : i32
        %swap3A = arith.index_cast %scan3A_103 : i32 to index
        %swap3A_118 = arith.index_cast %mul3A_117 : i32 to index
        %swap3A_119 = tpu.vector_load %arg12[%swap3A, %swap3A_118] {strides = array<i32>} : memref<80x64xf32, #tpu.memory_space<vmem>>, vector<1x16xf32>,
        %swap3A_120 = vector.shape_cast %swap3A_119 : vector<1x16xf32> to vector<16xf32>
        %swap3A_121 = vector.shape_cast %broadcast_in_dim3A_115 : vector<16xf32> to vector<1x16xf32>
        tpu.vector_store %arg12[%swap3A, %swap3A_118], %swap3A_121 {strides = array<i32>} : memref<80x64xf32, #tpu.memory_space<vmem>>, vector<1x16xf32>,
        %scan3A_122 = arith.constant 0 : i32
        scf.yield %scan3A_122 : i32
      }
      %scan3A_111 = arith.constant 4 : i32
      %scan3A_112 = arith.constant 0 : i32
      scf.yield %scan3A_112 : i32
    }
    %scan3A_8 = arith.constant 80 : i32
    %dma_start3A = arith.constant 0 : i32
    %dma_start3A_9 = tpu.memref_slice %arg3[%mul3A_2, %dma_start3A] : memref<2560x128xi32, #tpu.memory_space<hbm>> -> memref<80x128xi32, #tpu.memory_space<hbm>>
    %dma_start3A_10 = arith.constant 0 : i32
    %dma_start3A_11 = tpu.memref_slice %arg3[%mul3A_2, %dma_start3A_10] : memref<2560x128xi32, #tpu.memory_space<hbm>> -> memref<80x128xi32, #tpu.memory_space<hbm>>
    tpu.enqueue_dma source(%dma_start3A_11 : memref<80x128xi32, #tpu.memory_space<hbm>>) target(%arg6 : memref<80x128xi32, #tpu.memory_space<vmem>>) target_semaphore(%arg22 : memref<!tpu.dma_semaphore, #tpu.memory_space<semaphore_mem>>)
    %dma_start3A_12 = arith.constant 0 : i32
    %dma_start3A_13 = tpu.memref_slice %arg4[%mul3A_2, %dma_start3A_12] : memref<2560x128xi32, #tpu.memory_space<hbm>> -> memref<80x128xi32, #tpu.memory_space<hbm>>
    %dma_start3A_14 = arith.constant 0 : i32
    %dma_start3A_15 = tpu.memref_slice %arg4[%mul3A_2, %dma_start3A_14] : memref<2560x128xi32, #tpu.memory_space<hbm>> -> memref<80x128xi32, #tpu.memory_space<hbm>>
    tpu.enqueue_dma source(%dma_start3A_15 : memref<80x128xi32, #tpu.memory_space<hbm>>) target(%arg7 : memref<80x128xi32, #tpu.memory_space<vmem>>) target_semaphore(%arg22 : memref<!tpu.dma_semaphore, #tpu.memory_space<semaphore_mem>>)
    %lt3A = arith.constant 15 : i32
    %lt3A_16 = arith.cmpi slt, %arg1, %lt3A : i32
    %convert_element_type3A = arith.extui %lt3A_16 : i1 to i32
    %cond3A = arith.constant 0 : i32
    %cond3A_17 = arith.cmpi ne, %convert_element_type3A, %cond3A : i32
    scf.if %cond3A_17 {
      %scan3A_103 = arith.constant 0 : i32
      %scan3A_104 = arith.constant 0 : i32
      %scan3A_105 = arith.constant 8 : i32
      %scan3A_106 = arith.addi %scan3A_104, %scan3A_105 : i32
      %scan3A_107 = arith.constant 1 : i32
      %scan3A_108 = scf.for %scan3A_110 = %scan3A_104 to %scan3A_106 step %scan3A_107 iter_args(%scan3A_111 = %scan3A_103) -> (i32)  : i32 {
        %mul3A_112 = arith.constant 640 : i32
        %mul3A_113 = arith.muli %arg1, %mul3A_112 : i32
        %mul3A_114 = arith.constant 80 : i32
        %mul3A_115 = arith.muli %scan3A_110, %mul3A_114 : i32
        %add3A_116 = arith.addi %mul3A_113, %mul3A_115 : i32
        "tpu.region"() ({
          %run_scoped3A = tpu.sem_alloc : memref<!tpu.dma_semaphore, #tpu.memory_space<semaphore_mem>>
          %dma_start3A_118 = arith.constant 0 : i32
          %dma_start3A_119 = tpu.memref_slice %arg13[%add3A_116, %dma_start3A_118] : memref<10128x64xf32, #tpu.memory_space<vmem_shared>> -> memref<80x64xf32, #tpu.memory_space<vmem_shared>>
          %dma_start3A_120 = arith.constant 0 : i32
          %dma_start3A_121 = tpu.memref_slice %arg13[%add3A_116, %dma_start3A_120] : memref<10128x64xf32, #tpu.memory_space<vmem_shared>> -> memref<80x64xf32, #tpu.memory_space<vmem_shared>>
          tpu.enqueue_dma source(%arg12 : memref<80x64xf32, #tpu.memory_space<vmem>>) target(%dma_start3A_121 : memref<80x64xf32, #tpu.memory_space<vmem_shared>>) target_semaphore(%run_scoped3A : memref<!tpu.dma_semaphore, #tpu.memory_space<semaphore_mem>>)
          %dma_wait3A_122 = arith.constant 0 : i32
          %dma_wait3A_123 = tpu.memref_slice %arg13[%add3A_116, %dma_wait3A_122] : memref<10128x64xf32, #tpu.memory_space<vmem_shared>> -> memref<80x64xf32, #tpu.memory_space<vmem_shared>>
          %dma_wait3A_124 = arith.constant 0 : i32
          %dma_wait3A_125 = tpu.memref_slice %arg13[%add3A_116, %dma_wait3A_124] : memref<10128x64xf32, #tpu.memory_space<vmem_shared>> -> memref<80x64xf32, #tpu.memory_space<vmem_shared>>
          tpu.wait_dma2 semaphore(%run_scoped3A : memref<!tpu.dma_semaphore, #tpu.memory_space<semaphore_mem>>) src(%arg12 : memref<80x64xf32, #tpu.memory_space<vmem>>) dst(%dma_wait3A_125 : memref<80x64xf32, #tpu.memory_space<vmem_shared>>)
          tpu.yield
        }) : () -> ()
        %scan3A_117 = arith.constant 0 : i32
        scf.yield %scan3A_117 : i32
      }
      %scan3A_109 = arith.constant 8 : i32
    } else {
    }
    %eq3A = arith.constant 15 : i32
    %eq3A_18 = arith.cmpi eq, %arg1, %eq3A : i32
    %convert_element_type3A_19 = arith.extui %eq3A_18 : i1 to i32
    %cond3A_20 = arith.constant 0 : i32
    %cond3A_21 = arith.cmpi ne, %convert_element_type3A_19, %cond3A_20 : i32
    scf.if %cond3A_21 {
      %scan3A_103 = arith.constant 0 : i32
      %scan3A_104 = arith.constant 0 : i32
      %scan3A_105 = arith.constant 5 : i32
      %scan3A_106 = arith.addi %scan3A_104, %scan3A_105 : i32
      %scan3A_107 = arith.constant 1 : i32
      %scan3A_108 = scf.for %scan3A_110 = %scan3A_104 to %scan3A_106 step %scan3A_107 iter_args(%scan3A_111 = %scan3A_103) -> (i32)  : i32 {
        %mul3A_112 = arith.constant 80 : i32
        %mul3A_113 = arith.muli %scan3A_110, %mul3A_112 : i32
        %add3A_114 = arith.constant 9600 : i32
        %add3A_115 = arith.addi %add3A_114, %mul3A_113 : i32
        "tpu.region"() ({
          %run_scoped3A = tpu.sem_alloc : memref<!tpu.dma_semaphore, #tpu.memory_space<semaphore_mem>>
          %dma_start3A_117 = arith.constant 0 : i32
          %dma_start3A_118 = tpu.memref_slice %arg13[%add3A_115, %dma_start3A_117] : memref<10128x64xf32, #tpu.memory_space<vmem_shared>> -> memref<80x64xf32, #tpu.memory_space<vmem_shared>>
          %dma_start3A_119 = arith.constant 0 : i32
          %dma_start3A_120 = tpu.memref_slice %arg13[%add3A_115, %dma_start3A_119] : memref<10128x64xf32, #tpu.memory_space<vmem_shared>> -> memref<80x64xf32, #tpu.memory_space<vmem_shared>>
          tpu.enqueue_dma source(%arg12 : memref<80x64xf32, #tpu.memory_space<vmem>>) target(%dma_start3A_120 : memref<80x64xf32, #tpu.memory_space<vmem_shared>>) target_semaphore(%run_scoped3A : memref<!tpu.dma_semaphore, #tpu.memory_space<semaphore_mem>>)
          %dma_wait3A_121 = arith.constant 0 : i32
          %dma_wait3A_122 = tpu.memref_slice %arg13[%add3A_115, %dma_wait3A_121] : memref<10128x64xf32, #tpu.memory_space<vmem_shared>> -> memref<80x64xf32, #tpu.memory_space<vmem_shared>>
          %dma_wait3A_123 = arith.constant 0 : i32
          %dma_wait3A_124 = tpu.memref_slice %arg13[%add3A_115, %dma_wait3A_123] : memref<10128x64xf32, #tpu.memory_space<vmem_shared>> -> memref<80x64xf32, #tpu.memory_space<vmem_shared>>
          tpu.wait_dma2 semaphore(%run_scoped3A : memref<!tpu.dma_semaphore, #tpu.memory_space<semaphore_mem>>) src(%arg12 : memref<80x64xf32, #tpu.memory_space<vmem>>) dst(%dma_wait3A_124 : memref<80x64xf32, #tpu.memory_space<vmem_shared>>)
          tpu.yield
        }) : () -> ()
        %scan3A_116 = arith.constant 0 : i32
        scf.yield %scan3A_116 : i32
      }
      %scan3A_109 = arith.constant 5 : i32
    } else {
    }
    %dma_wait3A = arith.constant 0 : i32
    %dma_wait3A_22 = tpu.memref_slice %arg3[%mul3A_2, %dma_wait3A] : memref<2560x128xi32, #tpu.memory_space<hbm>> -> memref<80x128xi32, #tpu.memory_space<hbm>>
    %dma_wait3A_23 = arith.constant 0 : i32
    %dma_wait3A_24 = tpu.memref_slice %arg3[%mul3A_2, %dma_wait3A_23] : memref<2560x128xi32, #tpu.memory_space<hbm>> -> memref<80x128xi32, #tpu.memory_space<hbm>>
    tpu.wait_dma2 semaphore(%arg22 : memref<!tpu.dma_semaphore, #tpu.memory_space<semaphore_mem>>) src(%dma_wait3A_24 : memref<80x128xi32, #tpu.memory_space<hbm>>) dst(%arg6 : memref<80x128xi32, #tpu.memory_space<vmem>>)
    %dma_wait3A_25 = arith.constant 0 : i32
    %dma_wait3A_26 = tpu.memref_slice %arg4[%mul3A_2, %dma_wait3A_25] : memref<2560x128xi32, #tpu.memory_space<hbm>> -> memref<80x128xi32, #tpu.memory_space<hbm>>
    %dma_wait3A_27 = arith.constant 0 : i32
    %dma_wait3A_28 = tpu.memref_slice %arg4[%mul3A_2, %dma_wait3A_27] : memref<2560x128xi32, #tpu.memory_space<hbm>> -> memref<80x128xi32, #tpu.memory_space<hbm>>
    tpu.wait_dma2 semaphore(%arg22 : memref<!tpu.dma_semaphore, #tpu.memory_space<semaphore_mem>>) src(%dma_wait3A_28 : memref<80x128xi32, #tpu.memory_space<hbm>>) dst(%arg7 : memref<80x128xi32, #tpu.memory_space<vmem>>)
    %barrier3A = arith.constant 0 : index
    tpu.barrier barrier_id(%barrier3A)
    %dma_start3A_29 = arith.constant 0 : i32
    %dma_start3A_30 = arith.constant 0 : i32
    %dma_start3A_31 = tpu.memref_slice %arg6[%dma_start3A_29, %dma_start3A_30] : memref<80x128xi32, #tpu.memory_space<vmem>> -> memref<1x128xi32, #tpu.memory_space<vmem>>
    %dma_start3A_32 = tpu.memref_squeeze %dma_start3A_31 : memref<1x128xi32, #tpu.memory_space<vmem>> -> memref<128xi32, #tpu.memory_space<vmem>>
    %dma_start3A_33 = arith.constant 0 : i32
    %dma_start3A_34 = arith.constant 0 : i32
    %dma_start3A_35 = tpu.memref_slice %arg2[%dma_start3A_33, %dma_start3A_34] : memref<10000x64xf32, #tpu.memory_space<hbm>> -> memref<10000x64xf32, #tpu.memory_space<hbm>>
    tpu.enqueue_indirect_dma source(%dma_start3A_35 : memref<10000x64xf32, #tpu.memory_space<hbm>>) target(%arg8 : memref<128x64xf32, #tpu.memory_space<vmem>>) offsets(%dma_start3A_32 : memref<128xi32, #tpu.memory_space<vmem>>) semaphore(%arg14 : memref<!tpu.dma_semaphore, #tpu.memory_space<semaphore_mem>>)
    %dma_start3A_36 = arith.constant 1 : i32
    %dma_start3A_37 = arith.constant 0 : i32
    %dma_start3A_38 = tpu.memref_slice %arg6[%dma_start3A_36, %dma_start3A_37] : memref<80x128xi32, #tpu.memory_space<vmem>> -> memref<1x128xi32, #tpu.memory_space<vmem>>
    %dma_start3A_39 = tpu.memref_squeeze %dma_start3A_38 : memref<1x128xi32, #tpu.memory_space<vmem>> -> memref<128xi32, #tpu.memory_space<vmem>>
    %dma_start3A_40 = arith.constant 0 : i32
    %dma_start3A_41 = arith.constant 0 : i32
    %dma_start3A_42 = tpu.memref_slice %arg2[%dma_start3A_40, %dma_start3A_41] : memref<10000x64xf32, #tpu.memory_space<hbm>> -> memref<10000x64xf32, #tpu.memory_space<hbm>>
    tpu.enqueue_indirect_dma source(%dma_start3A_42 : memref<10000x64xf32, #tpu.memory_space<hbm>>) target(%arg9 : memref<128x64xf32, #tpu.memory_space<vmem>>) offsets(%dma_start3A_39 : memref<128xi32, #tpu.memory_space<vmem>>) semaphore(%arg15 : memref<!tpu.dma_semaphore, #tpu.memory_space<semaphore_mem>>)
    %dma_start3A_43 = arith.constant 2 : i32
    %dma_start3A_44 = arith.constant 0 : i32
    %dma_start3A_45 = tpu.memref_slice %arg6[%dma_start3A_43, %dma_start3A_44] : memref<80x128xi32, #tpu.memory_space<vmem>> -> memref<1x128xi32, #tpu.memory_space<vmem>>
    %dma_start3A_46 = tpu.memref_squeeze %dma_start3A_45 : memref<1x128xi32, #tpu.memory_space<vmem>> -> memref<128xi32, #tpu.memory_space<vmem>>
    %dma_start3A_47 = arith.constant 0 : i32
    %dma_start3A_48 = arith.constant 0 : i32
    %dma_start3A_49 = tpu.memref_slice %arg2[%dma_start3A_47, %dma_start3A_48] : memref<10000x64xf32, #tpu.memory_space<hbm>> -> memref<10000x64xf32, #tpu.memory_space<hbm>>
    tpu.enqueue_indirect_dma source(%dma_start3A_49 : memref<10000x64xf32, #tpu.memory_space<hbm>>) target(%arg10 : memref<128x64xf32, #tpu.memory_space<vmem>>) offsets(%dma_start3A_46 : memref<128xi32, #tpu.memory_space<vmem>>) semaphore(%arg16 : memref<!tpu.dma_semaphore, #tpu.memory_space<semaphore_mem>>)
    %dma_start3A_50 = arith.constant 3 : i32
    %dma_start3A_51 = arith.constant 0 : i32
    %dma_start3A_52 = tpu.memref_slice %arg6[%dma_start3A_50, %dma_start3A_51] : memref<80x128xi32, #tpu.memory_space<vmem>> -> memref<1x128xi32, #tpu.memory_space<vmem>>
    %dma_start3A_53 = tpu.memref_squeeze %dma_start3A_52 : memref<1x128xi32, #tpu.memory_space<vmem>> -> memref<128xi32, #tpu.memory_space<vmem>>
    %dma_start3A_54 = arith.constant 0 : i32
    %dma_start3A_55 = arith.constant 0 : i32
    %dma_start3A_56 = tpu.memref_slice %arg2[%dma_start3A_54, %dma_start3A_55] : memref<10000x64xf32, #tpu.memory_space<hbm>> -> memref<10000x64xf32, #tpu.memory_space<hbm>>
    tpu.enqueue_indirect_dma source(%dma_start3A_56 : memref<10000x64xf32, #tpu.memory_space<hbm>>) target(%arg11 : memref<128x64xf32, #tpu.memory_space<vmem>>) offsets(%dma_start3A_53 : memref<128xi32, #tpu.memory_space<vmem>>) semaphore(%arg17 : memref<!tpu.dma_semaphore, #tpu.memory_space<semaphore_mem>>)
    %scan3A_57 = arith.constant 0 : i32
    %scan3A_58 = arith.constant 0 : i32
    %scan3A_59 = arith.constant 20 : i32
    %scan3A_60 = arith.addi %scan3A_58, %scan3A_59 : i32
    %scan3A_61 = arith.constant 1 : i32
    %scan3A_62 = scf.for %scan3A_103 = %scan3A_58 to %scan3A_60 step %scan3A_61 iter_args(%scan3A_104 = %scan3A_57) -> (i32)  : i32 {
      %mul3A_105 = arith.constant 4 : i32
      %mul3A_106 = arith.muli %mul3A_105, %scan3A_103 : i32
      %add3A_107 = arith.constant 0 : i32
      %add3A_108 = arith.addi %mul3A_106, %add3A_107 : i32
      %dma_wait3A_109 = arith.constant 0 : i32
      %dma_wait3A_110 = tpu.memref_slice %arg6[%add3A_108, %dma_wait3A_109] : memref<80x128xi32, #tpu.memory_space<vmem>> -> memref<1x128xi32, #tpu.memory_space<vmem>>
      %dma_wait3A_111 = tpu.memref_squeeze %dma_wait3A_110 : memref<1x128xi32, #tpu.memory_space<vmem>> -> memref<128xi32, #tpu.memory_space<vmem>>
      %dma_wait3A_112 = arith.constant 0 : i32
      %dma_wait3A_113 = arith.constant 0 : i32
      %dma_wait3A_114 = tpu.memref_slice %arg2[%dma_wait3A_112, %dma_wait3A_113] : memref<10000x64xf32, #tpu.memory_space<hbm>> -> memref<10000x64xf32, #tpu.memory_space<hbm>>
      tpu.wait_indirect_dma semaphore(%arg14 : memref<!tpu.dma_semaphore, #tpu.memory_space<semaphore_mem>>) src(%dma_wait3A_114 : memref<10000x64xf32, #tpu.memory_space<hbm>>) dst(%arg8 : memref<128x64xf32, #tpu.memory_space<vmem>>)
      %dma_start3A_115 = arith.constant 0 : i32
      %dma_start3A_116 = tpu.memref_slice %arg7[%add3A_108, %dma_start3A_115] : memref<80x128xi32, #tpu.memory_space<vmem>> -> memref<1x128xi32, #tpu.memory_space<vmem>>
      %dma_start3A_117 = tpu.memref_squeeze %dma_start3A_116 : memref<1x128xi32, #tpu.memory_space<vmem>> -> memref<128xi32, #tpu.memory_space<vmem>>
      %dma_start3A_118 = arith.constant 0 : i32
      %dma_start3A_119 = arith.constant 0 : i32
      %dma_start3A_120 = tpu.memref_slice %arg13[%dma_start3A_118, %dma_start3A_119] : memref<10128x64xf32, #tpu.memory_space<vmem_shared>> -> memref<10128x64xf32, #tpu.memory_space<vmem_shared>>
      tpu.enqueue_indirect_dma source(%arg8 : memref<128x64xf32, #tpu.memory_space<vmem>>) target(%dma_start3A_120 : memref<10128x64xf32, #tpu.memory_space<vmem_shared>>) offsets(%dma_start3A_117 : memref<128xi32, #tpu.memory_space<vmem>>) semaphore(%arg18 : memref<!tpu.dma_semaphore, #tpu.memory_space<semaphore_mem>>) {add = true}
      %add3A_121 = arith.constant 1 : i32
      %add3A_122 = arith.addi %mul3A_106, %add3A_121 : i32
      %dma_wait3A_123 = arith.constant 0 : i32
      %dma_wait3A_124 = tpu.memref_slice %arg6[%add3A_122, %dma_wait3A_123] : memref<80x128xi32, #tpu.memory_space<vmem>> -> memref<1x128xi32, #tpu.memory_space<vmem>>
      %dma_wait3A_125 = tpu.memref_squeeze %dma_wait3A_124 : memref<1x128xi32, #tpu.memory_space<vmem>> -> memref<128xi32, #tpu.memory_space<vmem>>
      %dma_wait3A_126 = arith.constant 0 : i32
      %dma_wait3A_127 = arith.constant 0 : i32
      %dma_wait3A_128 = tpu.memref_slice %arg2[%dma_wait3A_126, %dma_wait3A_127] : memref<10000x64xf32, #tpu.memory_space<hbm>> -> memref<10000x64xf32, #tpu.memory_space<hbm>>
      tpu.wait_indirect_dma semaphore(%arg15 : memref<!tpu.dma_semaphore, #tpu.memory_space<semaphore_mem>>) src(%dma_wait3A_128 : memref<10000x64xf32, #tpu.memory_space<hbm>>) dst(%arg9 : memref<128x64xf32, #tpu.memory_space<vmem>>)
      %dma_start3A_129 = arith.constant 0 : i32
      %dma_start3A_130 = tpu.memref_slice %arg7[%add3A_122, %dma_start3A_129] : memref<80x128xi32, #tpu.memory_space<vmem>> -> memref<1x128xi32, #tpu.memory_space<vmem>>
      %dma_start3A_131 = tpu.memref_squeeze %dma_start3A_130 : memref<1x128xi32, #tpu.memory_space<vmem>> -> memref<128xi32, #tpu.memory_space<vmem>>
      %dma_start3A_132 = arith.constant 0 : i32
      %dma_start3A_133 = arith.constant 0 : i32
      %dma_start3A_134 = tpu.memref_slice %arg13[%dma_start3A_132, %dma_start3A_133] : memref<10128x64xf32, #tpu.memory_space<vmem_shared>> -> memref<10128x64xf32, #tpu.memory_space<vmem_shared>>
      tpu.enqueue_indirect_dma source(%arg9 : memref<128x64xf32, #tpu.memory_space<vmem>>) target(%dma_start3A_134 : memref<10128x64xf32, #tpu.memory_space<vmem_shared>>) offsets(%dma_start3A_131 : memref<128xi32, #tpu.memory_space<vmem>>) semaphore(%arg19 : memref<!tpu.dma_semaphore, #tpu.memory_space<semaphore_mem>>) {add = true}
      %add3A_135 = arith.constant 2 : i32
      %add3A_136 = arith.addi %mul3A_106, %add3A_135 : i32
      %dma_wait3A_137 = arith.constant 0 : i32
      %dma_wait3A_138 = tpu.memref_slice %arg6[%add3A_136, %dma_wait3A_137] : memref<80x128xi32, #tpu.memory_space<vmem>> -> memref<1x128xi32, #tpu.memory_space<vmem>>
      %dma_wait3A_139 = tpu.memref_squeeze %dma_wait3A_138 : memref<1x128xi32, #tpu.memory_space<vmem>> -> memref<128xi32, #tpu.memory_space<vmem>>
      %dma_wait3A_140 = arith.constant 0 : i32
      %dma_wait3A_141 = arith.constant 0 : i32
      %dma_wait3A_142 = tpu.memref_slice %arg2[%dma_wait3A_140, %dma_wait3A_141] : memref<10000x64xf32, #tpu.memory_space<hbm>> -> memref<10000x64xf32, #tpu.memory_space<hbm>>
      tpu.wait_indirect_dma semaphore(%arg16 : memref<!tpu.dma_semaphore, #tpu.memory_space<semaphore_mem>>) src(%dma_wait3A_142 : memref<10000x64xf32, #tpu.memory_space<hbm>>) dst(%arg10 : memref<128x64xf32, #tpu.memory_space<vmem>>)
      %dma_start3A_143 = arith.constant 0 : i32
      %dma_start3A_144 = tpu.memref_slice %arg7[%add3A_136, %dma_start3A_143] : memref<80x128xi32, #tpu.memory_space<vmem>> -> memref<1x128xi32, #tpu.memory_space<vmem>>
      %dma_start3A_145 = tpu.memref_squeeze %dma_start3A_144 : memref<1x128xi32, #tpu.memory_space<vmem>> -> memref<128xi32, #tpu.memory_space<vmem>>
      %dma_start3A_146 = arith.constant 0 : i32
      %dma_start3A_147 = arith.constant 0 : i32
      %dma_start3A_148 = tpu.memref_slice %arg13[%dma_start3A_146, %dma_start3A_147] : memref<10128x64xf32, #tpu.memory_space<vmem_shared>> -> memref<10128x64xf32, #tpu.memory_space<vmem_shared>>
      tpu.enqueue_indirect_dma source(%arg10 : memref<128x64xf32, #tpu.memory_space<vmem>>) target(%dma_start3A_148 : memref<10128x64xf32, #tpu.memory_space<vmem_shared>>) offsets(%dma_start3A_145 : memref<128xi32, #tpu.memory_space<vmem>>) semaphore(%arg20 : memref<!tpu.dma_semaphore, #tpu.memory_space<semaphore_mem>>) {add = true}
      %add3A_149 = arith.constant 3 : i32
      %add3A_150 = arith.addi %mul3A_106, %add3A_149 : i32
      %dma_wait3A_151 = arith.constant 0 : i32
      %dma_wait3A_152 = tpu.memref_slice %arg6[%add3A_150, %dma_wait3A_151] : memref<80x128xi32, #tpu.memory_space<vmem>> -> memref<1x128xi32, #tpu.memory_space<vmem>>
      %dma_wait3A_153 = tpu.memref_squeeze %dma_wait3A_152 : memref<1x128xi32, #tpu.memory_space<vmem>> -> memref<128xi32, #tpu.memory_space<vmem>>
      %dma_wait3A_154 = arith.constant 0 : i32
      %dma_wait3A_155 = arith.constant 0 : i32
      %dma_wait3A_156 = tpu.memref_slice %arg2[%dma_wait3A_154, %dma_wait3A_155] : memref<10000x64xf32, #tpu.memory_space<hbm>> -> memref<10000x64xf32, #tpu.memory_space<hbm>>
      tpu.wait_indirect_dma semaphore(%arg17 : memref<!tpu.dma_semaphore, #tpu.memory_space<semaphore_mem>>) src(%dma_wait3A_156 : memref<10000x64xf32, #tpu.memory_space<hbm>>) dst(%arg11 : memref<128x64xf32, #tpu.memory_space<vmem>>)
      %dma_start3A_157 = arith.constant 0 : i32
      %dma_start3A_158 = tpu.memref_slice %arg7[%add3A_150, %dma_start3A_157] : memref<80x128xi32, #tpu.memory_space<vmem>> -> memref<1x128xi32, #tpu.memory_space<vmem>>
      %dma_start3A_159 = tpu.memref_squeeze %dma_start3A_158 : memref<1x128xi32, #tpu.memory_space<vmem>> -> memref<128xi32, #tpu.memory_space<vmem>>
      %dma_start3A_160 = arith.constant 0 : i32
      %dma_start3A_161 = arith.constant 0 : i32
      %dma_start3A_162 = tpu.memref_slice %arg13[%dma_start3A_160, %dma_start3A_161] : memref<10128x64xf32, #tpu.memory_space<vmem_shared>> -> memref<10128x64xf32, #tpu.memory_space<vmem_shared>>
      tpu.enqueue_indirect_dma source(%arg11 : memref<128x64xf32, #tpu.memory_space<vmem>>) target(%dma_start3A_162 : memref<10128x64xf32, #tpu.memory_space<vmem_shared>>) offsets(%dma_start3A_159 : memref<128xi32, #tpu.memory_space<vmem>>) semaphore(%arg21 : memref<!tpu.dma_semaphore, #tpu.memory_space<semaphore_mem>>) {add = true}
      %add3A_163 = arith.constant 0 : i32
      %add3A_164 = arith.addi %mul3A_106, %add3A_163 : i32
      %add3A_165 = arith.constant 4 : i32
      %add3A_166 = arith.addi %add3A_164, %add3A_165 : i32
      %lt3A_167 = arith.constant 80 : i32
      %lt3A_168 = arith.cmpi slt, %add3A_166, %lt3A_167 : i32
      %convert_element_type3A_169 = arith.extui %lt3A_168 : i1 to i32
      %cond3A_170 = arith.constant 0 : i32
      %cond3A_171 = arith.cmpi ne, %convert_element_type3A_169, %cond3A_170 : i32
      scf.if %cond3A_171 {
        %add3A_200 = arith.constant 0 : i32
        %add3A_201 = arith.addi %mul3A_106, %add3A_200 : i32
        %dma_wait3A_202 = arith.constant 0 : i32
        %dma_wait3A_203 = tpu.memref_slice %arg7[%add3A_201, %dma_wait3A_202] : memref<80x128xi32, #tpu.memory_space<vmem>> -> memref<1x128xi32, #tpu.memory_space<vmem>>
        %dma_wait3A_204 = tpu.memref_squeeze %dma_wait3A_203 : memref<1x128xi32, #tpu.memory_space<vmem>> -> memref<128xi32, #tpu.memory_space<vmem>>
        %dma_wait3A_205 = arith.constant 0 : i32
        %dma_wait3A_206 = arith.constant 0 : i32
        %dma_wait3A_207 = tpu.memref_slice %arg13[%dma_wait3A_205, %dma_wait3A_206] : memref<10128x64xf32, #tpu.memory_space<vmem_shared>> -> memref<10128x64xf32, #tpu.memory_space<vmem_shared>>
        tpu.wait_indirect_dma semaphore(%arg18 : memref<!tpu.dma_semaphore, #tpu.memory_space<semaphore_mem>>) src(%arg8 : memref<128x64xf32, #tpu.memory_space<vmem>>) dst(%dma_wait3A_207 : memref<10128x64xf32, #tpu.memory_space<vmem_shared>>)
        %dma_start3A_208 = arith.constant 0 : i32
        %dma_start3A_209 = tpu.memref_slice %arg6[%add3A_166, %dma_start3A_208] : memref<80x128xi32, #tpu.memory_space<vmem>> -> memref<1x128xi32, #tpu.memory_space<vmem>>
        %dma_start3A_210 = tpu.memref_squeeze %dma_start3A_209 : memref<1x128xi32, #tpu.memory_space<vmem>> -> memref<128xi32, #tpu.memory_space<vmem>>
        %dma_start3A_211 = arith.constant 0 : i32
        %dma_start3A_212 = arith.constant 0 : i32
        %dma_start3A_213 = tpu.memref_slice %arg2[%dma_start3A_211, %dma_start3A_212] : memref<10000x64xf32, #tpu.memory_space<hbm>> -> memref<10000x64xf32, #tpu.memory_space<hbm>>
        tpu.enqueue_indirect_dma source(%dma_start3A_213 : memref<10000x64xf32, #tpu.memory_space<hbm>>) target(%arg8 : memref<128x64xf32, #tpu.memory_space<vmem>>) offsets(%dma_start3A_210 : memref<128xi32, #tpu.memory_space<vmem>>) semaphore(%arg14 : memref<!tpu.dma_semaphore, #tpu.memory_space<semaphore_mem>>)
      } else {
      }
      %add3A_172 = arith.constant 1 : i32
      %add3A_173 = arith.addi %mul3A_106, %add3A_172 : i32
      %add3A_174 = arith.constant 4 : i32
      %add3A_175 = arith.addi %add3A_173, %add3A_174 : i32
      %lt3A_176 = arith.constant 80 : i32
      %lt3A_177 = arith.cmpi slt, %add3A_175, %lt3A_176 : i32
      %convert_element_type3A_178 = arith.extui %lt3A_177 : i1 to i32
      %cond3A_179 = arith.constant 0 : i32
      %cond3A_180 = arith.cmpi ne, %convert_element_type3A_178, %cond3A_179 : i32
      scf.if %cond3A_180 {
        %add3A_200 = arith.constant 1 : i32
        %add3A_201 = arith.addi %mul3A_106, %add3A_200 : i32
        %dma_wait3A_202 = arith.constant 0 : i32
        %dma_wait3A_203 = tpu.memref_slice %arg7[%add3A_201, %dma_wait3A_202] : memref<80x128xi32, #tpu.memory_space<vmem>> -> memref<1x128xi32, #tpu.memory_space<vmem>>
        %dma_wait3A_204 = tpu.memref_squeeze %dma_wait3A_203 : memref<1x128xi32, #tpu.memory_space<vmem>> -> memref<128xi32, #tpu.memory_space<vmem>>
        %dma_wait3A_205 = arith.constant 0 : i32
        %dma_wait3A_206 = arith.constant 0 : i32
        %dma_wait3A_207 = tpu.memref_slice %arg13[%dma_wait3A_205, %dma_wait3A_206] : memref<10128x64xf32, #tpu.memory_space<vmem_shared>> -> memref<10128x64xf32, #tpu.memory_space<vmem_shared>>
        tpu.wait_indirect_dma semaphore(%arg19 : memref<!tpu.dma_semaphore, #tpu.memory_space<semaphore_mem>>) src(%arg9 : memref<128x64xf32, #tpu.memory_space<vmem>>) dst(%dma_wait3A_207 : memref<10128x64xf32, #tpu.memory_space<vmem_shared>>)
        %dma_start3A_208 = arith.constant 0 : i32
        %dma_start3A_209 = tpu.memref_slice %arg6[%add3A_175, %dma_start3A_208] : memref<80x128xi32, #tpu.memory_space<vmem>> -> memref<1x128xi32, #tpu.memory_space<vmem>>
        %dma_start3A_210 = tpu.memref_squeeze %dma_start3A_209 : memref<1x128xi32, #tpu.memory_space<vmem>> -> memref<128xi32, #tpu.memory_space<vmem>>
        %dma_start3A_211 = arith.constant 0 : i32
        %dma_start3A_212 = arith.constant 0 : i32
        %dma_start3A_213 = tpu.memref_slice %arg2[%dma_start3A_211, %dma_start3A_212] : memref<10000x64xf32, #tpu.memory_space<hbm>> -> memref<10000x64xf32, #tpu.memory_space<hbm>>
        tpu.enqueue_indirect_dma source(%dma_start3A_213 : memref<10000x64xf32, #tpu.memory_space<hbm>>) target(%arg9 : memref<128x64xf32, #tpu.memory_space<vmem>>) offsets(%dma_start3A_210 : memref<128xi32, #tpu.memory_space<vmem>>) semaphore(%arg15 : memref<!tpu.dma_semaphore, #tpu.memory_space<semaphore_mem>>)
      } else {
      }
      %add3A_181 = arith.constant 2 : i32
      %add3A_182 = arith.addi %mul3A_106, %add3A_181 : i32
      %add3A_183 = arith.constant 4 : i32
      %add3A_184 = arith.addi %add3A_182, %add3A_183 : i32
      %lt3A_185 = arith.constant 80 : i32
      %lt3A_186 = arith.cmpi slt, %add3A_184, %lt3A_185 : i32
      %convert_element_type3A_187 = arith.extui %lt3A_186 : i1 to i32
      %cond3A_188 = arith.constant 0 : i32
      %cond3A_189 = arith.cmpi ne, %convert_element_type3A_187, %cond3A_188 : i32
      scf.if %cond3A_189 {
        %add3A_200 = arith.constant 2 : i32
        %add3A_201 = arith.addi %mul3A_106, %add3A_200 : i32
        %dma_wait3A_202 = arith.constant 0 : i32
        %dma_wait3A_203 = tpu.memref_slice %arg7[%add3A_201, %dma_wait3A_202] : memref<80x128xi32, #tpu.memory_space<vmem>> -> memref<1x128xi32, #tpu.memory_space<vmem>>
        %dma_wait3A_204 = tpu.memref_squeeze %dma_wait3A_203 : memref<1x128xi32, #tpu.memory_space<vmem>> -> memref<128xi32, #tpu.memory_space<vmem>>
        %dma_wait3A_205 = arith.constant 0 : i32
        %dma_wait3A_206 = arith.constant 0 : i32
        %dma_wait3A_207 = tpu.memref_slice %arg13[%dma_wait3A_205, %dma_wait3A_206] : memref<10128x64xf32, #tpu.memory_space<vmem_shared>> -> memref<10128x64xf32, #tpu.memory_space<vmem_shared>>
        tpu.wait_indirect_dma semaphore(%arg20 : memref<!tpu.dma_semaphore, #tpu.memory_space<semaphore_mem>>) src(%arg10 : memref<128x64xf32, #tpu.memory_space<vmem>>) dst(%dma_wait3A_207 : memref<10128x64xf32, #tpu.memory_space<vmem_shared>>)
        %dma_start3A_208 = arith.constant 0 : i32
        %dma_start3A_209 = tpu.memref_slice %arg6[%add3A_184, %dma_start3A_208] : memref<80x128xi32, #tpu.memory_space<vmem>> -> memref<1x128xi32, #tpu.memory_space<vmem>>
        %dma_start3A_210 = tpu.memref_squeeze %dma_start3A_209 : memref<1x128xi32, #tpu.memory_space<vmem>> -> memref<128xi32, #tpu.memory_space<vmem>>
        %dma_start3A_211 = arith.constant 0 : i32
        %dma_start3A_212 = arith.constant 0 : i32
        %dma_start3A_213 = tpu.memref_slice %arg2[%dma_start3A_211, %dma_start3A_212] : memref<10000x64xf32, #tpu.memory_space<hbm>> -> memref<10000x64xf32, #tpu.memory_space<hbm>>
        tpu.enqueue_indirect_dma source(%dma_start3A_213 : memref<10000x64xf32, #tpu.memory_space<hbm>>) target(%arg10 : memref<128x64xf32, #tpu.memory_space<vmem>>) offsets(%dma_start3A_210 : memref<128xi32, #tpu.memory_space<vmem>>) semaphore(%arg16 : memref<!tpu.dma_semaphore, #tpu.memory_space<semaphore_mem>>)
      } else {
      }
      %add3A_190 = arith.constant 3 : i32
      %add3A_191 = arith.addi %mul3A_106, %add3A_190 : i32
      %add3A_192 = arith.constant 4 : i32
      %add3A_193 = arith.addi %add3A_191, %add3A_192 : i32
      %lt3A_194 = arith.constant 80 : i32
      %lt3A_195 = arith.cmpi slt, %add3A_193, %lt3A_194 : i32
      %convert_element_type3A_196 = arith.extui %lt3A_195 : i1 to i32
      %cond3A_197 = arith.constant 0 : i32
      %cond3A_198 = arith.cmpi ne, %convert_element_type3A_196, %cond3A_197 : i32
      scf.if %cond3A_198 {
        %add3A_200 = arith.constant 3 : i32
        %add3A_201 = arith.addi %mul3A_106, %add3A_200 : i32
        %dma_wait3A_202 = arith.constant 0 : i32
        %dma_wait3A_203 = tpu.memref_slice %arg7[%add3A_201, %dma_wait3A_202] : memref<80x128xi32, #tpu.memory_space<vmem>> -> memref<1x128xi32, #tpu.memory_space<vmem>>
        %dma_wait3A_204 = tpu.memref_squeeze %dma_wait3A_203 : memref<1x128xi32, #tpu.memory_space<vmem>> -> memref<128xi32, #tpu.memory_space<vmem>>
        %dma_wait3A_205 = arith.constant 0 : i32
        %dma_wait3A_206 = arith.constant 0 : i32
        %dma_wait3A_207 = tpu.memref_slice %arg13[%dma_wait3A_205, %dma_wait3A_206] : memref<10128x64xf32, #tpu.memory_space<vmem_shared>> -> memref<10128x64xf32, #tpu.memory_space<vmem_shared>>
        tpu.wait_indirect_dma semaphore(%arg21 : memref<!tpu.dma_semaphore, #tpu.memory_space<semaphore_mem>>) src(%arg11 : memref<128x64xf32, #tpu.memory_space<vmem>>) dst(%dma_wait3A_207 : memref<10128x64xf32, #tpu.memory_space<vmem_shared>>)
        %dma_start3A_208 = arith.constant 0 : i32
        %dma_start3A_209 = tpu.memref_slice %arg6[%add3A_193, %dma_start3A_208] : memref<80x128xi32, #tpu.memory_space<vmem>> -> memref<1x128xi32, #tpu.memory_space<vmem>>
        %dma_start3A_210 = tpu.memref_squeeze %dma_start3A_209 : memref<1x128xi32, #tpu.memory_space<vmem>> -> memref<128xi32, #tpu.memory_space<vmem>>
        %dma_start3A_211 = arith.constant 0 : i32
        %dma_start3A_212 = arith.constant 0 : i32
        %dma_start3A_213 = tpu.memref_slice %arg2[%dma_start3A_211, %dma_start3A_212] : memref<10000x64xf32, #tpu.memory_space<hbm>> -> memref<10000x64xf32, #tpu.memory_space<hbm>>
        tpu.enqueue_indirect_dma source(%dma_start3A_213 : memref<10000x64xf32, #tpu.memory_space<hbm>>) target(%arg11 : memref<128x64xf32, #tpu.memory_space<vmem>>) offsets(%dma_start3A_210 : memref<128xi32, #tpu.memory_space<vmem>>) semaphore(%arg17 : memref<!tpu.dma_semaphore, #tpu.memory_space<semaphore_mem>>)
      } else {
      }
      %scan3A_199 = arith.constant 0 : i32
      scf.yield %scan3A_199 : i32
    }
    %scan3A_63 = arith.constant 20 : i32
    %dma_wait3A_64 = arith.constant 76 : i32
    %dma_wait3A_65 = arith.constant 0 : i32
    %dma_wait3A_66 = tpu.memref_slice %arg7[%dma_wait3A_64, %dma_wait3A_65] : memref<80x128xi32, #tpu.memory_space<vmem>> -> memref<1x128xi32, #tpu.memory_space<vmem>>
    %dma_wait3A_67 = tpu.memref_squeeze %dma_wait3A_66 : memref<1x128xi32, #tpu.memory_space<vmem>> -> memref<128xi32, #tpu.memory_space<vmem>>
    %dma_wait3A_68 = arith.constant 0 : i32
    %dma_wait3A_69 = arith.constant 0 : i32
    %dma_wait3A_70 = tpu.memref_slice %arg13[%dma_wait3A_68, %dma_wait3A_69] : memref<10128x64xf32, #tpu.memory_space<vmem_shared>> -> memref<10128x64xf32, #tpu.memory_space<vmem_shared>>
    tpu.wait_indirect_dma semaphore(%arg18 : memref<!tpu.dma_semaphore, #tpu.memory_space<semaphore_mem>>) src(%arg8 : memref<128x64xf32, #tpu.memory_space<vmem>>) dst(%dma_wait3A_70 : memref<10128x64xf32, #tpu.memory_space<vmem_shared>>)
    %dma_wait3A_71 = arith.constant 77 : i32
    %dma_wait3A_72 = arith.constant 0 : i32
    %dma_wait3A_73 = tpu.memref_slice %arg7[%dma_wait3A_71, %dma_wait3A_72] : memref<80x128xi32, #tpu.memory_space<vmem>> -> memref<1x128xi32, #tpu.memory_space<vmem>>
    %dma_wait3A_74 = tpu.memref_squeeze %dma_wait3A_73 : memref<1x128xi32, #tpu.memory_space<vmem>> -> memref<128xi32, #tpu.memory_space<vmem>>
    %dma_wait3A_75 = arith.constant 0 : i32
    %dma_wait3A_76 = arith.constant 0 : i32
    %dma_wait3A_77 = tpu.memref_slice %arg13[%dma_wait3A_75, %dma_wait3A_76] : memref<10128x64xf32, #tpu.memory_space<vmem_shared>> -> memref<10128x64xf32, #tpu.memory_space<vmem_shared>>
    tpu.wait_indirect_dma semaphore(%arg19 : memref<!tpu.dma_semaphore, #tpu.memory_space<semaphore_mem>>) src(%arg9 : memref<128x64xf32, #tpu.memory_space<vmem>>) dst(%dma_wait3A_77 : memref<10128x64xf32, #tpu.memory_space<vmem_shared>>)
    %dma_wait3A_78 = arith.constant 78 : i32
    %dma_wait3A_79 = arith.constant 0 : i32
    %dma_wait3A_80 = tpu.memref_slice %arg7[%dma_wait3A_78, %dma_wait3A_79] : memref<80x128xi32, #tpu.memory_space<vmem>> -> memref<1x128xi32, #tpu.memory_space<vmem>>
    %dma_wait3A_81 = tpu.memref_squeeze %dma_wait3A_80 : memref<1x128xi32, #tpu.memory_space<vmem>> -> memref<128xi32, #tpu.memory_space<vmem>>
    %dma_wait3A_82 = arith.constant 0 : i32
    %dma_wait3A_83 = arith.constant 0 : i32
    %dma_wait3A_84 = tpu.memref_slice %arg13[%dma_wait3A_82, %dma_wait3A_83] : memref<10128x64xf32, #tpu.memory_space<vmem_shared>> -> memref<10128x64xf32, #tpu.memory_space<vmem_shared>>
    tpu.wait_indirect_dma semaphore(%arg20 : memref<!tpu.dma_semaphore, #tpu.memory_space<semaphore_mem>>) src(%arg10 : memref<128x64xf32, #tpu.memory_space<vmem>>) dst(%dma_wait3A_84 : memref<10128x64xf32, #tpu.memory_space<vmem_shared>>)
    %dma_wait3A_85 = arith.constant 79 : i32
    %dma_wait3A_86 = arith.constant 0 : i32
    %dma_wait3A_87 = tpu.memref_slice %arg7[%dma_wait3A_85, %dma_wait3A_86] : memref<80x128xi32, #tpu.memory_space<vmem>> -> memref<1x128xi32, #tpu.memory_space<vmem>>
    %dma_wait3A_88 = tpu.memref_squeeze %dma_wait3A_87 : memref<1x128xi32, #tpu.memory_space<vmem>> -> memref<128xi32, #tpu.memory_space<vmem>>
    %dma_wait3A_89 = arith.constant 0 : i32
    %dma_wait3A_90 = arith.constant 0 : i32
    %dma_wait3A_91 = tpu.memref_slice %arg13[%dma_wait3A_89, %dma_wait3A_90] : memref<10128x64xf32, #tpu.memory_space<vmem_shared>> -> memref<10128x64xf32, #tpu.memory_space<vmem_shared>>
    tpu.wait_indirect_dma semaphore(%arg21 : memref<!tpu.dma_semaphore, #tpu.memory_space<semaphore_mem>>) src(%arg11 : memref<128x64xf32, #tpu.memory_space<vmem>>) dst(%dma_wait3A_91 : memref<10128x64xf32, #tpu.memory_space<vmem_shared>>)
    %barrier3A_92 = arith.constant 0 : index
    tpu.barrier barrier_id(%barrier3A_92)
    %lt3A_93 = arith.constant 15 : i32
    %lt3A_94 = arith.cmpi slt, %arg1, %lt3A_93 : i32
    %convert_element_type3A_95 = arith.extui %lt3A_94 : i1 to i32
    %cond3A_96 = arith.constant 0 : i32
    %cond3A_97 = arith.cmpi ne, %convert_element_type3A_95, %cond3A_96 : i32
    scf.if %cond3A_97 {
      %mul3A_103 = arith.constant 640 : i32
      %mul3A_104 = arith.muli %arg1, %mul3A_103 : i32
      %add3A_105 = arith.constant 0 : i32
      %add3A_106 = arith.addi %mul3A_104, %add3A_105 : i32
      "tpu.region"() ({
        %run_scoped3A = tpu.sem_alloc : memref<!tpu.dma_semaphore, #tpu.memory_space<semaphore_mem>>
        %dma_start3A_223 = arith.constant 0 : i32
        %dma_start3A_224 = tpu.memref_slice %arg13[%add3A_106, %dma_start3A_223] : memref<10128x64xf32, #tpu.memory_space<vmem_shared>> -> memref<128x64xf32, #tpu.memory_space<vmem_shared>>
        %dma_start3A_225 = arith.constant 0 : i32
        %dma_start3A_226 = tpu.memref_slice %arg13[%add3A_106, %dma_start3A_225] : memref<10128x64xf32, #tpu.memory_space<vmem_shared>> -> memref<128x64xf32, #tpu.memory_space<vmem_shared>>
        tpu.enqueue_dma source(%dma_start3A_226 : memref<128x64xf32, #tpu.memory_space<vmem_shared>>) target(%arg8 : memref<128x64xf32, #tpu.memory_space<vmem>>) target_semaphore(%run_scoped3A : memref<!tpu.dma_semaphore, #tpu.memory_space<semaphore_mem>>)
        %dma_wait3A_227 = arith.constant 0 : i32
        %dma_wait3A_228 = tpu.memref_slice %arg13[%add3A_106, %dma_wait3A_227] : memref<10128x64xf32, #tpu.memory_space<vmem_shared>> -> memref<128x64xf32, #tpu.memory_space<vmem_shared>>
        %dma_wait3A_229 = arith.constant 0 : i32
        %dma_wait3A_230 = tpu.memref_slice %arg13[%add3A_106, %dma_wait3A_229] : memref<10128x64xf32, #tpu.memory_space<vmem_shared>> -> memref<128x64xf32, #tpu.memory_space<vmem_shared>>
        tpu.wait_dma2 semaphore(%run_scoped3A : memref<!tpu.dma_semaphore, #tpu.memory_space<semaphore_mem>>) src(%dma_wait3A_230 : memref<128x64xf32, #tpu.memory_space<vmem_shared>>) dst(%arg8 : memref<128x64xf32, #tpu.memory_space<vmem>>)
        tpu.yield
      }) : () -> ()
      %mul3A_107 = arith.constant 640 : i32
      %mul3A_108 = arith.muli %arg1, %mul3A_107 : i32
      %add3A_109 = arith.constant 0 : i32
      %add3A_110 = arith.addi %mul3A_108, %add3A_109 : i32
      %dma_start3A_111 = arith.constant 0 : i32
      %dma_start3A_112 = tpu.memref_slice %arg5[%arg0, %add3A_110, %dma_start3A_111] : memref<2x10000x64xf32, #tpu.memory_space<hbm>> -> memref<1x128x64xf32, #tpu.memory_space<hbm>>
      %dma_start3A_113 = tpu.memref_squeeze %dma_start3A_112 : memref<1x128x64xf32, #tpu.memory_space<hbm>> -> memref<128x64xf32, #tpu.memory_space<hbm>>
      %dma_start3A_114 = arith.constant 0 : i32
      %dma_start3A_115 = tpu.memref_slice %arg5[%arg0, %add3A_110, %dma_start3A_114] : memref<2x10000x64xf32, #tpu.memory_space<hbm>> -> memref<1x128x64xf32, #tpu.memory_space<hbm>>
      %dma_start3A_116 = tpu.memref_squeeze %dma_start3A_115 : memref<1x128x64xf32, #tpu.memory_space<hbm>> -> memref<128x64xf32, #tpu.memory_space<hbm>>
      tpu.enqueue_dma source(%arg8 : memref<128x64xf32, #tpu.memory_space<vmem>>) target(%dma_start3A_116 : memref<128x64xf32, #tpu.memory_space<hbm>>) target_semaphore(%arg14 : memref<!tpu.dma_semaphore, #tpu.memory_space<semaphore_mem>>)
      %mul3A_117 = arith.constant 640 : i32
      %mul3A_118 = arith.muli %arg1, %mul3A_117 : i32
      %add3A_119 = arith.constant 128 : i32
      %add3A_120 = arith.addi %mul3A_118, %add3A_119 : i32
      "tpu.region"() ({
        %run_scoped3A = tpu.sem_alloc : memref<!tpu.dma_semaphore, #tpu.memory_space<semaphore_mem>>
        %dma_start3A_223 = arith.constant 0 : i32
        %dma_start3A_224 = tpu.memref_slice %arg13[%add3A_120, %dma_start3A_223] : memref<10128x64xf32, #tpu.memory_space<vmem_shared>> -> memref<128x64xf32, #tpu.memory_space<vmem_shared>>
        %dma_start3A_225 = arith.constant 0 : i32
        %dma_start3A_226 = tpu.memref_slice %arg13[%add3A_120, %dma_start3A_225] : memref<10128x64xf32, #tpu.memory_space<vmem_shared>> -> memref<128x64xf32, #tpu.memory_space<vmem_shared>>
        tpu.enqueue_dma source(%dma_start3A_226 : memref<128x64xf32, #tpu.memory_space<vmem_shared>>) target(%arg9 : memref<128x64xf32, #tpu.memory_space<vmem>>) target_semaphore(%run_scoped3A : memref<!tpu.dma_semaphore, #tpu.memory_space<semaphore_mem>>)
        %dma_wait3A_227 = arith.constant 0 : i32
        %dma_wait3A_228 = tpu.memref_slice %arg13[%add3A_120, %dma_wait3A_227] : memref<10128x64xf32, #tpu.memory_space<vmem_shared>> -> memref<128x64xf32, #tpu.memory_space<vmem_shared>>
        %dma_wait3A_229 = arith.constant 0 : i32
        %dma_wait3A_230 = tpu.memref_slice %arg13[%add3A_120, %dma_wait3A_229] : memref<10128x64xf32, #tpu.memory_space<vmem_shared>> -> memref<128x64xf32, #tpu.memory_space<vmem_shared>>
        tpu.wait_dma2 semaphore(%run_scoped3A : memref<!tpu.dma_semaphore, #tpu.memory_space<semaphore_mem>>) src(%dma_wait3A_230 : memref<128x64xf32, #tpu.memory_space<vmem_shared>>) dst(%arg9 : memref<128x64xf32, #tpu.memory_space<vmem>>)
        tpu.yield
      }) : () -> ()
      %mul3A_121 = arith.constant 640 : i32
      %mul3A_122 = arith.muli %arg1, %mul3A_121 : i32
      %add3A_123 = arith.constant 128 : i32
      %add3A_124 = arith.addi %mul3A_122, %add3A_123 : i32
      %dma_start3A_125 = arith.constant 0 : i32
      %dma_start3A_126 = tpu.memref_slice %arg5[%arg0, %add3A_124, %dma_start3A_125] : memref<2x10000x64xf32, #tpu.memory_space<hbm>> -> memref<1x128x64xf32, #tpu.memory_space<hbm>>
      %dma_start3A_127 = tpu.memref_squeeze %dma_start3A_126 : memref<1x128x64xf32, #tpu.memory_space<hbm>> -> memref<128x64xf32, #tpu.memory_space<hbm>>
      %dma_start3A_128 = arith.constant 0 : i32
      %dma_start3A_129 = tpu.memref_slice %arg5[%arg0, %add3A_124, %dma_start3A_128] : memref<2x10000x64xf32, #tpu.memory_space<hbm>> -> memref<1x128x64xf32, #tpu.memory_space<hbm>>
      %dma_start3A_130 = tpu.memref_squeeze %dma_start3A_129 : memref<1x128x64xf32, #tpu.memory_space<hbm>> -> memref<128x64xf32, #tpu.memory_space<hbm>>
      tpu.enqueue_dma source(%arg9 : memref<128x64xf32, #tpu.memory_space<vmem>>) target(%dma_start3A_130 : memref<128x64xf32, #tpu.memory_space<hbm>>) target_semaphore(%arg15 : memref<!tpu.dma_semaphore, #tpu.memory_space<semaphore_mem>>)
      %mul3A_131 = arith.constant 640 : i32
      %mul3A_132 = arith.muli %arg1, %mul3A_131 : i32
      %add3A_133 = arith.constant 0 : i32
      %add3A_134 = arith.addi %mul3A_132, %add3A_133 : i32
      %dma_wait3A_135 = arith.constant 0 : i32
      %dma_wait3A_136 = tpu.memref_slice %arg5[%arg0, %add3A_134, %dma_wait3A_135] : memref<2x10000x64xf32, #tpu.memory_space<hbm>> -> memref<1x128x64xf32, #tpu.memory_space<hbm>>
      %dma_wait3A_137 = tpu.memref_squeeze %dma_wait3A_136 : memref<1x128x64xf32, #tpu.memory_space<hbm>> -> memref<128x64xf32, #tpu.memory_space<hbm>>
      %dma_wait3A_138 = arith.constant 0 : i32
      %dma_wait3A_139 = tpu.memref_slice %arg5[%arg0, %add3A_134, %dma_wait3A_138] : memref<2x10000x64xf32, #tpu.memory_space<hbm>> -> memref<1x128x64xf32, #tpu.memory_space<hbm>>
      %dma_wait3A_140 = tpu.memref_squeeze %dma_wait3A_139 : memref<1x128x64xf32, #tpu.memory_space<hbm>> -> memref<128x64xf32, #tpu.memory_space<hbm>>
      tpu.wait_dma2 semaphore(%arg14 : memref<!tpu.dma_semaphore, #tpu.memory_space<semaphore_mem>>) src(%arg8 : memref<128x64xf32, #tpu.memory_space<vmem>>) dst(%dma_wait3A_140 : memref<128x64xf32, #tpu.memory_space<hbm>>)
      %mul3A_141 = arith.constant 640 : i32
      %mul3A_142 = arith.muli %arg1, %mul3A_141 : i32
      %add3A_143 = arith.constant 256 : i32
      %add3A_144 = arith.addi %mul3A_142, %add3A_143 : i32
      "tpu.region"() ({
        %run_scoped3A = tpu.sem_alloc : memref<!tpu.dma_semaphore, #tpu.memory_space<semaphore_mem>>
        %dma_start3A_223 = arith.constant 0 : i32
        %dma_start3A_224 = tpu.memref_slice %arg13[%add3A_144, %dma_start3A_223] : memref<10128x64xf32, #tpu.memory_space<vmem_shared>> -> memref<128x64xf32, #tpu.memory_space<vmem_shared>>
        %dma_start3A_225 = arith.constant 0 : i32
        %dma_start3A_226 = tpu.memref_slice %arg13[%add3A_144, %dma_start3A_225] : memref<10128x64xf32, #tpu.memory_space<vmem_shared>> -> memref<128x64xf32, #tpu.memory_space<vmem_shared>>
        tpu.enqueue_dma source(%dma_start3A_226 : memref<128x64xf32, #tpu.memory_space<vmem_shared>>) target(%arg8 : memref<128x64xf32, #tpu.memory_space<vmem>>) target_semaphore(%run_scoped3A : memref<!tpu.dma_semaphore, #tpu.memory_space<semaphore_mem>>)
        %dma_wait3A_227 = arith.constant 0 : i32
        %dma_wait3A_228 = tpu.memref_slice %arg13[%add3A_144, %dma_wait3A_227] : memref<10128x64xf32, #tpu.memory_space<vmem_shared>> -> memref<128x64xf32, #tpu.memory_space<vmem_shared>>
        %dma_wait3A_229 = arith.constant 0 : i32
        %dma_wait3A_230 = tpu.memref_slice %arg13[%add3A_144, %dma_wait3A_229] : memref<10128x64xf32, #tpu.memory_space<vmem_shared>> -> memref<128x64xf32, #tpu.memory_space<vmem_shared>>
        tpu.wait_dma2 semaphore(%run_scoped3A : memref<!tpu.dma_semaphore, #tpu.memory_space<semaphore_mem>>) src(%dma_wait3A_230 : memref<128x64xf32, #tpu.memory_space<vmem_shared>>) dst(%arg8 : memref<128x64xf32, #tpu.memory_space<vmem>>)
        tpu.yield
      }) : () -> ()
      %mul3A_145 = arith.constant 640 : i32
      %mul3A_146 = arith.muli %arg1, %mul3A_145 : i32
      %add3A_147 = arith.constant 256 : i32
      %add3A_148 = arith.addi %mul3A_146, %add3A_147 : i32
      %dma_start3A_149 = arith.constant 0 : i32
      %dma_start3A_150 = tpu.memref_slice %arg5[%arg0, %add3A_148, %dma_start3A_149] : memref<2x10000x64xf32, #tpu.memory_space<hbm>> -> memref<1x128x64xf32, #tpu.memory_space<hbm>>
      %dma_start3A_151 = tpu.memref_squeeze %dma_start3A_150 : memref<1x128x64xf32, #tpu.memory_space<hbm>> -> memref<128x64xf32, #tpu.memory_space<hbm>>
      %dma_start3A_152 = arith.constant 0 : i32
      %dma_start3A_153 = tpu.memref_slice %arg5[%arg0, %add3A_148, %dma_start3A_152] : memref<2x10000x64xf32, #tpu.memory_space<hbm>> -> memref<1x128x64xf32, #tpu.memory_space<hbm>>
      %dma_start3A_154 = tpu.memref_squeeze %dma_start3A_153 : memref<1x128x64xf32, #tpu.memory_space<hbm>> -> memref<128x64xf32, #tpu.memory_space<hbm>>
      tpu.enqueue_dma source(%arg8 : memref<128x64xf32, #tpu.memory_space<vmem>>) target(%dma_start3A_154 : memref<128x64xf32, #tpu.memory_space<hbm>>) target_semaphore(%arg14 : memref<!tpu.dma_semaphore, #tpu.memory_space<semaphore_mem>>)
      %mul3A_155 = arith.constant 640 : i32
      %mul3A_156 = arith.muli %arg1, %mul3A_155 : i32
      %add3A_157 = arith.constant 128 : i32
      %add3A_158 = arith.addi %mul3A_156, %add3A_157 : i32
      %dma_wait3A_159 = arith.constant 0 : i32
      %dma_wait3A_160 = tpu.memref_slice %arg5[%arg0, %add3A_158, %dma_wait3A_159] : memref<2x10000x64xf32, #tpu.memory_space<hbm>> -> memref<1x128x64xf32, #tpu.memory_space<hbm>>
      %dma_wait3A_161 = tpu.memref_squeeze %dma_wait3A_160 : memref<1x128x64xf32, #tpu.memory_space<hbm>> -> memref<128x64xf32, #tpu.memory_space<hbm>>
      %dma_wait3A_162 = arith.constant 0 : i32
      %dma_wait3A_163 = tpu.memref_slice %arg5[%arg0, %add3A_158, %dma_wait3A_162] : memref<2x10000x64xf32, #tpu.memory_space<hbm>> -> memref<1x128x64xf32, #tpu.memory_space<hbm>>
      %dma_wait3A_164 = tpu.memref_squeeze %dma_wait3A_163 : memref<1x128x64xf32, #tpu.memory_space<hbm>> -> memref<128x64xf32, #tpu.memory_space<hbm>>
      tpu.wait_dma2 semaphore(%arg15 : memref<!tpu.dma_semaphore, #tpu.memory_space<semaphore_mem>>) src(%arg9 : memref<128x64xf32, #tpu.memory_space<vmem>>) dst(%dma_wait3A_164 : memref<128x64xf32, #tpu.memory_space<hbm>>)
      %mul3A_165 = arith.constant 640 : i32
      %mul3A_166 = arith.muli %arg1, %mul3A_165 : i32
      %add3A_167 = arith.constant 384 : i32
      %add3A_168 = arith.addi %mul3A_166, %add3A_167 : i32
      "tpu.region"() ({
        %run_scoped3A = tpu.sem_alloc : memref<!tpu.dma_semaphore, #tpu.memory_space<semaphore_mem>>
        %dma_start3A_223 = arith.constant 0 : i32
        %dma_start3A_224 = tpu.memref_slice %arg13[%add3A_168, %dma_start3A_223] : memref<10128x64xf32, #tpu.memory_space<vmem_shared>> -> memref<128x64xf32, #tpu.memory_space<vmem_shared>>
        %dma_start3A_225 = arith.constant 0 : i32
        %dma_start3A_226 = tpu.memref_slice %arg13[%add3A_168, %dma_start3A_225] : memref<10128x64xf32, #tpu.memory_space<vmem_shared>> -> memref<128x64xf32, #tpu.memory_space<vmem_shared>>
        tpu.enqueue_dma source(%dma_start3A_226 : memref<128x64xf32, #tpu.memory_space<vmem_shared>>) target(%arg9 : memref<128x64xf32, #tpu.memory_space<vmem>>) target_semaphore(%run_scoped3A : memref<!tpu.dma_semaphore, #tpu.memory_space<semaphore_mem>>)
        %dma_wait3A_227 = arith.constant 0 : i32
        %dma_wait3A_228 = tpu.memref_slice %arg13[%add3A_168, %dma_wait3A_227] : memref<10128x64xf32, #tpu.memory_space<vmem_shared>> -> memref<128x64xf32, #tpu.memory_space<vmem_shared>>
        %dma_wait3A_229 = arith.constant 0 : i32
        %dma_wait3A_230 = tpu.memref_slice %arg13[%add3A_168, %dma_wait3A_229] : memref<10128x64xf32, #tpu.memory_space<vmem_shared>> -> memref<128x64xf32, #tpu.memory_space<vmem_shared>>
        tpu.wait_dma2 semaphore(%run_scoped3A : memref<!tpu.dma_semaphore, #tpu.memory_space<semaphore_mem>>) src(%dma_wait3A_230 : memref<128x64xf32, #tpu.memory_space<vmem_shared>>) dst(%arg9 : memref<128x64xf32, #tpu.memory_space<vmem>>)
        tpu.yield
      }) : () -> ()
      %mul3A_169 = arith.constant 640 : i32
      %mul3A_170 = arith.muli %arg1, %mul3A_169 : i32
      %add3A_171 = arith.constant 384 : i32
      %add3A_172 = arith.addi %mul3A_170, %add3A_171 : i32
      %dma_start3A_173 = arith.constant 0 : i32
      %dma_start3A_174 = tpu.memref_slice %arg5[%arg0, %add3A_172, %dma_start3A_173] : memref<2x10000x64xf32, #tpu.memory_space<hbm>> -> memref<1x128x64xf32, #tpu.memory_space<hbm>>
      %dma_start3A_175 = tpu.memref_squeeze %dma_start3A_174 : memref<1x128x64xf32, #tpu.memory_space<hbm>> -> memref<128x64xf32, #tpu.memory_space<hbm>>
      %dma_start3A_176 = arith.constant 0 : i32
      %dma_start3A_177 = tpu.memref_slice %arg5[%arg0, %add3A_172, %dma_start3A_176] : memref<2x10000x64xf32, #tpu.memory_space<hbm>> -> memref<1x128x64xf32, #tpu.memory_space<hbm>>
      %dma_start3A_178 = tpu.memref_squeeze %dma_start3A_177 : memref<1x128x64xf32, #tpu.memory_space<hbm>> -> memref<128x64xf32, #tpu.memory_space<hbm>>
      tpu.enqueue_dma source(%arg9 : memref<128x64xf32, #tpu.memory_space<vmem>>) target(%dma_start3A_178 : memref<128x64xf32, #tpu.memory_space<hbm>>) target_semaphore(%arg15 : memref<!tpu.dma_semaphore, #tpu.memory_space<semaphore_mem>>)
      %mul3A_179 = arith.constant 640 : i32
      %mul3A_180 = arith.muli %arg1, %mul3A_179 : i32
      %add3A_181 = arith.constant 256 : i32
      %add3A_182 = arith.addi %mul3A_180, %add3A_181 : i32
      %dma_wait3A_183 = arith.constant 0 : i32
      %dma_wait3A_184 = tpu.memref_slice %arg5[%arg0, %add3A_182, %dma_wait3A_183] : memref<2x10000x64xf32, #tpu.memory_space<hbm>> -> memref<1x128x64xf32, #tpu.memory_space<hbm>>
      %dma_wait3A_185 = tpu.memref_squeeze %dma_wait3A_184 : memref<1x128x64xf32, #tpu.memory_space<hbm>> -> memref<128x64xf32, #tpu.memory_space<hbm>>
      %dma_wait3A_186 = arith.constant 0 : i32
      %dma_wait3A_187 = tpu.memref_slice %arg5[%arg0, %add3A_182, %dma_wait3A_186] : memref<2x10000x64xf32, #tpu.memory_space<hbm>> -> memref<1x128x64xf32, #tpu.memory_space<hbm>>
      %dma_wait3A_188 = tpu.memref_squeeze %dma_wait3A_187 : memref<1x128x64xf32, #tpu.memory_space<hbm>> -> memref<128x64xf32, #tpu.memory_space<hbm>>
      tpu.wait_dma2 semaphore(%arg14 : memref<!tpu.dma_semaphore, #tpu.memory_space<semaphore_mem>>) src(%arg8 : memref<128x64xf32, #tpu.memory_space<vmem>>) dst(%dma_wait3A_188 : memref<128x64xf32, #tpu.memory_space<hbm>>)
      %mul3A_189 = arith.constant 640 : i32
      %mul3A_190 = arith.muli %arg1, %mul3A_189 : i32
      %add3A_191 = arith.constant 512 : i32
      %add3A_192 = arith.addi %mul3A_190, %add3A_191 : i32
      "tpu.region"() ({
        %run_scoped3A = tpu.sem_alloc : memref<!tpu.dma_semaphore, #tpu.memory_space<semaphore_mem>>
        %dma_start3A_223 = arith.constant 0 : i32
        %dma_start3A_224 = tpu.memref_slice %arg13[%add3A_192, %dma_start3A_223] : memref<10128x64xf32, #tpu.memory_space<vmem_shared>> -> memref<128x64xf32, #tpu.memory_space<vmem_shared>>
        %dma_start3A_225 = arith.constant 0 : i32
        %dma_start3A_226 = tpu.memref_slice %arg13[%add3A_192, %dma_start3A_225] : memref<10128x64xf32, #tpu.memory_space<vmem_shared>> -> memref<128x64xf32, #tpu.memory_space<vmem_shared>>
        tpu.enqueue_dma source(%dma_start3A_226 : memref<128x64xf32, #tpu.memory_space<vmem_shared>>) target(%arg8 : memref<128x64xf32, #tpu.memory_space<vmem>>) target_semaphore(%run_scoped3A : memref<!tpu.dma_semaphore, #tpu.memory_space<semaphore_mem>>)
        %dma_wait3A_227 = arith.constant 0 : i32
        %dma_wait3A_228 = tpu.memref_slice %arg13[%add3A_192, %dma_wait3A_227] : memref<10128x64xf32, #tpu.memory_space<vmem_shared>> -> memref<128x64xf32, #tpu.memory_space<vmem_shared>>
        %dma_wait3A_229 = arith.constant 0 : i32
        %dma_wait3A_230 = tpu.memref_slice %arg13[%add3A_192, %dma_wait3A_229] : memref<10128x64xf32, #tpu.memory_space<vmem_shared>> -> memref<128x64xf32, #tpu.memory_space<vmem_shared>>
        tpu.wait_dma2 semaphore(%run_scoped3A : memref<!tpu.dma_semaphore, #tpu.memory_space<semaphore_mem>>) src(%dma_wait3A_230 : memref<128x64xf32, #tpu.memory_space<vmem_shared>>) dst(%arg8 : memref<128x64xf32, #tpu.memory_space<vmem>>)
        tpu.yield
      }) : () -> ()
      %mul3A_193 = arith.constant 640 : i32
      %mul3A_194 = arith.muli %arg1, %mul3A_193 : i32
      %add3A_195 = arith.constant 512 : i32
      %add3A_196 = arith.addi %mul3A_194, %add3A_195 : i32
      %dma_start3A_197 = arith.constant 0 : i32
      %dma_start3A_198 = tpu.memref_slice %arg5[%arg0, %add3A_196, %dma_start3A_197] : memref<2x10000x64xf32, #tpu.memory_space<hbm>> -> memref<1x128x64xf32, #tpu.memory_space<hbm>>
      %dma_start3A_199 = tpu.memref_squeeze %dma_start3A_198 : memref<1x128x64xf32, #tpu.memory_space<hbm>> -> memref<128x64xf32, #tpu.memory_space<hbm>>
      %dma_start3A_200 = arith.constant 0 : i32
      %dma_start3A_201 = tpu.memref_slice %arg5[%arg0, %add3A_196, %dma_start3A_200] : memref<2x10000x64xf32, #tpu.memory_space<hbm>> -> memref<1x128x64xf32, #tpu.memory_space<hbm>>
      %dma_start3A_202 = tpu.memref_squeeze %dma_start3A_201 : memref<1x128x64xf32, #tpu.memory_space<hbm>> -> memref<128x64xf32, #tpu.memory_space<hbm>>
      tpu.enqueue_dma source(%arg8 : memref<128x64xf32, #tpu.memory_space<vmem>>) target(%dma_start3A_202 : memref<128x64xf32, #tpu.memory_space<hbm>>) target_semaphore(%arg14 : memref<!tpu.dma_semaphore, #tpu.memory_space<semaphore_mem>>)
      %mul3A_203 = arith.constant 640 : i32
      %mul3A_204 = arith.muli %arg1, %mul3A_203 : i32
      %add3A_205 = arith.constant 384 : i32
      %add3A_206 = arith.addi %mul3A_204, %add3A_205 : i32
      %dma_wait3A_207 = arith.constant 0 : i32
      %dma_wait3A_208 = tpu.memref_slice %arg5[%arg0, %add3A_206, %dma_wait3A_207] : memref<2x10000x64xf32, #tpu.memory_space<hbm>> -> memref<1x128x64xf32, #tpu.memory_space<hbm>>
      %dma_wait3A_209 = tpu.memref_squeeze %dma_wait3A_208 : memref<1x128x64xf32, #tpu.memory_space<hbm>> -> memref<128x64xf32, #tpu.memory_space<hbm>>
      %dma_wait3A_210 = arith.constant 0 : i32
      %dma_wait3A_211 = tpu.memref_slice %arg5[%arg0, %add3A_206, %dma_wait3A_210] : memref<2x10000x64xf32, #tpu.memory_space<hbm>> -> memref<1x128x64xf32, #tpu.memory_space<hbm>>
      %dma_wait3A_212 = tpu.memref_squeeze %dma_wait3A_211 : memref<1x128x64xf32, #tpu.memory_space<hbm>> -> memref<128x64xf32, #tpu.memory_space<hbm>>
      tpu.wait_dma2 semaphore(%arg15 : memref<!tpu.dma_semaphore, #tpu.memory_space<semaphore_mem>>) src(%arg9 : memref<128x64xf32, #tpu.memory_space<vmem>>) dst(%dma_wait3A_212 : memref<128x64xf32, #tpu.memory_space<hbm>>)
      %mul3A_213 = arith.constant 640 : i32
      %mul3A_214 = arith.muli %arg1, %mul3A_213 : i32
      %add3A_215 = arith.constant 512 : i32
      %add3A_216 = arith.addi %mul3A_214, %add3A_215 : i32
      %dma_wait3A_217 = arith.constant 0 : i32
      %dma_wait3A_218 = tpu.memref_slice %arg5[%arg0, %add3A_216, %dma_wait3A_217] : memref<2x10000x64xf32, #tpu.memory_space<hbm>> -> memref<1x128x64xf32, #tpu.memory_space<hbm>>
      %dma_wait3A_219 = tpu.memref_squeeze %dma_wait3A_218 : memref<1x128x64xf32, #tpu.memory_space<hbm>> -> memref<128x64xf32, #tpu.memory_space<hbm>>
      %dma_wait3A_220 = arith.constant 0 : i32
      %dma_wait3A_221 = tpu.memref_slice %arg5[%arg0, %add3A_216, %dma_wait3A_220] : memref<2x10000x64xf32, #tpu.memory_space<hbm>> -> memref<1x128x64xf32, #tpu.memory_space<hbm>>
      %dma_wait3A_222 = tpu.memref_squeeze %dma_wait3A_221 : memref<1x128x64xf32, #tpu.memory_space<hbm>> -> memref<128x64xf32, #tpu.memory_space<hbm>>
      tpu.wait_dma2 semaphore(%arg14 : memref<!tpu.dma_semaphore, #tpu.memory_space<semaphore_mem>>) src(%arg8 : memref<128x64xf32, #tpu.memory_space<vmem>>) dst(%dma_wait3A_222 : memref<128x64xf32, #tpu.memory_space<hbm>>)
    } else {
    }
    %eq3A_98 = arith.constant 15 : i32
    %eq3A_99 = arith.cmpi eq, %arg1, %eq3A_98 : i32
    %convert_element_type3A_100 = arith.extui %eq3A_99 : i1 to i32
    %cond3A_101 = arith.constant 0 : i32
    %cond3A_102 = arith.cmpi ne, %convert_element_type3A_100, %cond3A_101 : i32
    scf.if %cond3A_102 {
      "tpu.region"() ({
        %run_scoped3A = tpu.sem_alloc : memref<!tpu.dma_semaphore, #tpu.memory_space<semaphore_mem>>
        %dma_start3A_179 = arith.constant 9600 : i32
        %dma_start3A_180 = arith.constant 0 : i32
        %dma_start3A_181 = tpu.memref_slice %arg13[%dma_start3A_179, %dma_start3A_180] : memref<10128x64xf32, #tpu.memory_space<vmem_shared>> -> memref<128x64xf32, #tpu.memory_space<vmem_shared>>
        %dma_start3A_182 = arith.constant 9600 : i32
        %dma_start3A_183 = arith.constant 0 : i32
        %dma_start3A_184 = tpu.memref_slice %arg13[%dma_start3A_182, %dma_start3A_183] : memref<10128x64xf32, #tpu.memory_space<vmem_shared>> -> memref<128x64xf32, #tpu.memory_space<vmem_shared>>
        tpu.enqueue_dma source(%dma_start3A_184 : memref<128x64xf32, #tpu.memory_space<vmem_shared>>) target(%arg8 : memref<128x64xf32, #tpu.memory_space<vmem>>) target_semaphore(%run_scoped3A : memref<!tpu.dma_semaphore, #tpu.memory_space<semaphore_mem>>)
        %dma_wait3A_185 = arith.constant 9600 : i32
        %dma_wait3A_186 = arith.constant 0 : i32
        %dma_wait3A_187 = tpu.memref_slice %arg13[%dma_wait3A_185, %dma_wait3A_186] : memref<10128x64xf32, #tpu.memory_space<vmem_shared>> -> memref<128x64xf32, #tpu.memory_space<vmem_shared>>
        %dma_wait3A_188 = arith.constant 9600 : i32
        %dma_wait3A_189 = arith.constant 0 : i32
        %dma_wait3A_190 = tpu.memref_slice %arg13[%dma_wait3A_188, %dma_wait3A_189] : memref<10128x64xf32, #tpu.memory_space<vmem_shared>> -> memref<128x64xf32, #tpu.memory_space<vmem_shared>>
        tpu.wait_dma2 semaphore(%run_scoped3A : memref<!tpu.dma_semaphore, #tpu.memory_space<semaphore_mem>>) src(%dma_wait3A_190 : memref<128x64xf32, #tpu.memory_space<vmem_shared>>) dst(%arg8 : memref<128x64xf32, #tpu.memory_space<vmem>>)
        tpu.yield
      }) : () -> ()
      %dma_start3A_103 = arith.constant 9600 : i32
      %dma_start3A_104 = arith.constant 0 : i32
      %dma_start3A_105 = tpu.memref_slice %arg5[%arg0, %dma_start3A_103, %dma_start3A_104] : memref<2x10000x64xf32, #tpu.memory_space<hbm>> -> memref<1x128x64xf32, #tpu.memory_space<hbm>>
      %dma_start3A_106 = tpu.memref_squeeze %dma_start3A_105 : memref<1x128x64xf32, #tpu.memory_space<hbm>> -> memref<128x64xf32, #tpu.memory_space<hbm>>
      %dma_start3A_107 = arith.constant 9600 : i32
      %dma_start3A_108 = arith.constant 0 : i32
      %dma_start3A_109 = tpu.memref_slice %arg5[%arg0, %dma_start3A_107, %dma_start3A_108] : memref<2x10000x64xf32, #tpu.memory_space<hbm>> -> memref<1x128x64xf32, #tpu.memory_space<hbm>>
      %dma_start3A_110 = tpu.memref_squeeze %dma_start3A_109 : memref<1x128x64xf32, #tpu.memory_space<hbm>> -> memref<128x64xf32, #tpu.memory_space<hbm>>
      tpu.enqueue_dma source(%arg8 : memref<128x64xf32, #tpu.memory_space<vmem>>) target(%dma_start3A_110 : memref<128x64xf32, #tpu.memory_space<hbm>>) target_semaphore(%arg14 : memref<!tpu.dma_semaphore, #tpu.memory_space<semaphore_mem>>)
      "tpu.region"() ({
        %run_scoped3A = tpu.sem_alloc : memref<!tpu.dma_semaphore, #tpu.memory_space<semaphore_mem>>
        %dma_start3A_179 = arith.constant 9728 : i32
        %dma_start3A_180 = arith.constant 0 : i32
        %dma_start3A_181 = tpu.memref_slice %arg13[%dma_start3A_179, %dma_start3A_180] : memref<10128x64xf32, #tpu.memory_space<vmem_shared>> -> memref<128x64xf32, #tpu.memory_space<vmem_shared>>
        %dma_start3A_182 = arith.constant 9728 : i32
        %dma_start3A_183 = arith.constant 0 : i32
        %dma_start3A_184 = tpu.memref_slice %arg13[%dma_start3A_182, %dma_start3A_183] : memref<10128x64xf32, #tpu.memory_space<vmem_shared>> -> memref<128x64xf32, #tpu.memory_space<vmem_shared>>
        tpu.enqueue_dma source(%dma_start3A_184 : memref<128x64xf32, #tpu.memory_space<vmem_shared>>) target(%arg9 : memref<128x64xf32, #tpu.memory_space<vmem>>) target_semaphore(%run_scoped3A : memref<!tpu.dma_semaphore, #tpu.memory_space<semaphore_mem>>)
        %dma_wait3A_185 = arith.constant 9728 : i32
        %dma_wait3A_186 = arith.constant 0 : i32
        %dma_wait3A_187 = tpu.memref_slice %arg13[%dma_wait3A_185, %dma_wait3A_186] : memref<10128x64xf32, #tpu.memory_space<vmem_shared>> -> memref<128x64xf32, #tpu.memory_space<vmem_shared>>
        %dma_wait3A_188 = arith.constant 9728 : i32
        %dma_wait3A_189 = arith.constant 0 : i32
        %dma_wait3A_190 = tpu.memref_slice %arg13[%dma_wait3A_188, %dma_wait3A_189] : memref<10128x64xf32, #tpu.memory_space<vmem_shared>> -> memref<128x64xf32, #tpu.memory_space<vmem_shared>>
        tpu.wait_dma2 semaphore(%run_scoped3A : memref<!tpu.dma_semaphore, #tpu.memory_space<semaphore_mem>>) src(%dma_wait3A_190 : memref<128x64xf32, #tpu.memory_space<vmem_shared>>) dst(%arg9 : memref<128x64xf32, #tpu.memory_space<vmem>>)
        tpu.yield
      }) : () -> ()
      %dma_start3A_111 = arith.constant 9728 : i32
      %dma_start3A_112 = arith.constant 0 : i32
      %dma_start3A_113 = tpu.memref_slice %arg5[%arg0, %dma_start3A_111, %dma_start3A_112] : memref<2x10000x64xf32, #tpu.memory_space<hbm>> -> memref<1x128x64xf32, #tpu.memory_space<hbm>>
      %dma_start3A_114 = tpu.memref_squeeze %dma_start3A_113 : memref<1x128x64xf32, #tpu.memory_space<hbm>> -> memref<128x64xf32, #tpu.memory_space<hbm>>
      %dma_start3A_115 = arith.constant 9728 : i32
      %dma_start3A_116 = arith.constant 0 : i32
      %dma_start3A_117 = tpu.memref_slice %arg5[%arg0, %dma_start3A_115, %dma_start3A_116] : memref<2x10000x64xf32, #tpu.memory_space<hbm>> -> memref<1x128x64xf32, #tpu.memory_space<hbm>>
      %dma_start3A_118 = tpu.memref_squeeze %dma_start3A_117 : memref<1x128x64xf32, #tpu.memory_space<hbm>> -> memref<128x64xf32, #tpu.memory_space<hbm>>
      tpu.enqueue_dma source(%arg9 : memref<128x64xf32, #tpu.memory_space<vmem>>) target(%dma_start3A_118 : memref<128x64xf32, #tpu.memory_space<hbm>>) target_semaphore(%arg15 : memref<!tpu.dma_semaphore, #tpu.memory_space<semaphore_mem>>)
      %dma_wait3A_119 = arith.constant 9600 : i32
      %dma_wait3A_120 = arith.constant 0 : i32
      %dma_wait3A_121 = tpu.memref_slice %arg5[%arg0, %dma_wait3A_119, %dma_wait3A_120] : memref<2x10000x64xf32, #tpu.memory_space<hbm>> -> memref<1x128x64xf32, #tpu.memory_space<hbm>>
      %dma_wait3A_122 = tpu.memref_squeeze %dma_wait3A_121 : memref<1x128x64xf32, #tpu.memory_space<hbm>> -> memref<128x64xf32, #tpu.memory_space<hbm>>
      %dma_wait3A_123 = arith.constant 9600 : i32
      %dma_wait3A_124 = arith.constant 0 : i32
      %dma_wait3A_125 = tpu.memref_slice %arg5[%arg0, %dma_wait3A_123, %dma_wait3A_124] : memref<2x10000x64xf32, #tpu.memory_space<hbm>> -> memref<1x128x64xf32, #tpu.memory_space<hbm>>
      %dma_wait3A_126 = tpu.memref_squeeze %dma_wait3A_125 : memref<1x128x64xf32, #tpu.memory_space<hbm>> -> memref<128x64xf32, #tpu.memory_space<hbm>>
      tpu.wait_dma2 semaphore(%arg14 : memref<!tpu.dma_semaphore, #tpu.memory_space<semaphore_mem>>) src(%arg8 : memref<128x64xf32, #tpu.memory_space<vmem>>) dst(%dma_wait3A_126 : memref<128x64xf32, #tpu.memory_space<hbm>>)
      "tpu.region"() ({
        %run_scoped3A = tpu.sem_alloc : memref<!tpu.dma_semaphore, #tpu.memory_space<semaphore_mem>>
        %dma_start3A_179 = arith.constant 9856 : i32
        %dma_start3A_180 = arith.constant 0 : i32
        %dma_start3A_181 = tpu.memref_slice %arg13[%dma_start3A_179, %dma_start3A_180] : memref<10128x64xf32, #tpu.memory_space<vmem_shared>> -> memref<128x64xf32, #tpu.memory_space<vmem_shared>>
        %dma_start3A_182 = arith.constant 9856 : i32
        %dma_start3A_183 = arith.constant 0 : i32
        %dma_start3A_184 = tpu.memref_slice %arg13[%dma_start3A_182, %dma_start3A_183] : memref<10128x64xf32, #tpu.memory_space<vmem_shared>> -> memref<128x64xf32, #tpu.memory_space<vmem_shared>>
        tpu.enqueue_dma source(%dma_start3A_184 : memref<128x64xf32, #tpu.memory_space<vmem_shared>>) target(%arg8 : memref<128x64xf32, #tpu.memory_space<vmem>>) target_semaphore(%run_scoped3A : memref<!tpu.dma_semaphore, #tpu.memory_space<semaphore_mem>>)
        %dma_wait3A_185 = arith.constant 9856 : i32
        %dma_wait3A_186 = arith.constant 0 : i32
        %dma_wait3A_187 = tpu.memref_slice %arg13[%dma_wait3A_185, %dma_wait3A_186] : memref<10128x64xf32, #tpu.memory_space<vmem_shared>> -> memref<128x64xf32, #tpu.memory_space<vmem_shared>>
        %dma_wait3A_188 = arith.constant 9856 : i32
        %dma_wait3A_189 = arith.constant 0 : i32
        %dma_wait3A_190 = tpu.memref_slice %arg13[%dma_wait3A_188, %dma_wait3A_189] : memref<10128x64xf32, #tpu.memory_space<vmem_shared>> -> memref<128x64xf32, #tpu.memory_space<vmem_shared>>
        tpu.wait_dma2 semaphore(%run_scoped3A : memref<!tpu.dma_semaphore, #tpu.memory_space<semaphore_mem>>) src(%dma_wait3A_190 : memref<128x64xf32, #tpu.memory_space<vmem_shared>>) dst(%arg8 : memref<128x64xf32, #tpu.memory_space<vmem>>)
        tpu.yield
      }) : () -> ()
      %dma_start3A_127 = arith.constant 9856 : i32
      %dma_start3A_128 = arith.constant 0 : i32
      %dma_start3A_129 = tpu.memref_slice %arg5[%arg0, %dma_start3A_127, %dma_start3A_128] : memref<2x10000x64xf32, #tpu.memory_space<hbm>> -> memref<1x128x64xf32, #tpu.memory_space<hbm>>
      %dma_start3A_130 = tpu.memref_squeeze %dma_start3A_129 : memref<1x128x64xf32, #tpu.memory_space<hbm>> -> memref<128x64xf32, #tpu.memory_space<hbm>>
      %dma_start3A_131 = arith.constant 9856 : i32
      %dma_start3A_132 = arith.constant 0 : i32
      %dma_start3A_133 = tpu.memref_slice %arg5[%arg0, %dma_start3A_131, %dma_start3A_132] : memref<2x10000x64xf32, #tpu.memory_space<hbm>> -> memref<1x128x64xf32, #tpu.memory_space<hbm>>
      %dma_start3A_134 = tpu.memref_squeeze %dma_start3A_133 : memref<1x128x64xf32, #tpu.memory_space<hbm>> -> memref<128x64xf32, #tpu.memory_space<hbm>>
      tpu.enqueue_dma source(%arg8 : memref<128x64xf32, #tpu.memory_space<vmem>>) target(%dma_start3A_134 : memref<128x64xf32, #tpu.memory_space<hbm>>) target_semaphore(%arg14 : memref<!tpu.dma_semaphore, #tpu.memory_space<semaphore_mem>>)
      "tpu.region"() ({
        %run_scoped3A = tpu.sem_alloc : memref<!tpu.dma_semaphore, #tpu.memory_space<semaphore_mem>>
        %dma_start3A_179 = arith.constant 0 : i32
        %dma_start3A_180 = arith.constant 0 : i32
        %dma_start3A_181 = tpu.memref_slice %arg10[%dma_start3A_179, %dma_start3A_180] : memref<128x64xf32, #tpu.memory_space<vmem>> -> memref<16x64xf32, #tpu.memory_space<vmem>>
        %dma_start3A_182 = arith.constant 9984 : i32
        %dma_start3A_183 = arith.constant 0 : i32
        %dma_start3A_184 = tpu.memref_slice %arg13[%dma_start3A_182, %dma_start3A_183] : memref<10128x64xf32, #tpu.memory_space<vmem_shared>> -> memref<16x64xf32, #tpu.memory_space<vmem_shared>>
        %dma_start3A_185 = arith.constant 0 : i32
        %dma_start3A_186 = arith.constant 0 : i32
        %dma_start3A_187 = tpu.memref_slice %arg10[%dma_start3A_185, %dma_start3A_186] : memref<128x64xf32, #tpu.memory_space<vmem>> -> memref<16x64xf32, #tpu.memory_space<vmem>>
        %dma_start3A_188 = arith.constant 9984 : i32
        %dma_start3A_189 = arith.constant 0 : i32
        %dma_start3A_190 = tpu.memref_slice %arg13[%dma_start3A_188, %dma_start3A_189] : memref<10128x64xf32, #tpu.memory_space<vmem_shared>> -> memref<16x64xf32, #tpu.memory_space<vmem_shared>>
        tpu.enqueue_dma source(%dma_start3A_190 : memref<16x64xf32, #tpu.memory_space<vmem_shared>>) target(%dma_start3A_187 : memref<16x64xf32, #tpu.memory_space<vmem>>) target_semaphore(%run_scoped3A : memref<!tpu.dma_semaphore, #tpu.memory_space<semaphore_mem>>)
        %dma_wait3A_191 = arith.constant 0 : i32
        %dma_wait3A_192 = arith.constant 0 : i32
        %dma_wait3A_193 = tpu.memref_slice %arg10[%dma_wait3A_191, %dma_wait3A_192] : memref<128x64xf32, #tpu.memory_space<vmem>> -> memref<16x64xf32, #tpu.memory_space<vmem>>
        %dma_wait3A_194 = arith.constant 9984 : i32
        %dma_wait3A_195 = arith.constant 0 : i32
        %dma_wait3A_196 = tpu.memref_slice %arg13[%dma_wait3A_194, %dma_wait3A_195] : memref<10128x64xf32, #tpu.memory_space<vmem_shared>> -> memref<16x64xf32, #tpu.memory_space<vmem_shared>>
        %dma_wait3A_197 = arith.constant 0 : i32
        %dma_wait3A_198 = arith.constant 0 : i32
        %dma_wait3A_199 = tpu.memref_slice %arg10[%dma_wait3A_197, %dma_wait3A_198] : memref<128x64xf32, #tpu.memory_space<vmem>> -> memref<16x64xf32, #tpu.memory_space<vmem>>
        %dma_wait3A_200 = arith.constant 9984 : i32
        %dma_wait3A_201 = arith.constant 0 : i32
        %dma_wait3A_202 = tpu.memref_slice %arg13[%dma_wait3A_200, %dma_wait3A_201] : memref<10128x64xf32, #tpu.memory_space<vmem_shared>> -> memref<16x64xf32, #tpu.memory_space<vmem_shared>>
        tpu.wait_dma2 semaphore(%run_scoped3A : memref<!tpu.dma_semaphore, #tpu.memory_space<semaphore_mem>>) src(%dma_wait3A_202 : memref<16x64xf32, #tpu.memory_space<vmem_shared>>) dst(%dma_wait3A_199 : memref<16x64xf32, #tpu.memory_space<vmem>>)
        tpu.yield
      }) : () -> ()
      %dma_start3A_135 = arith.constant 0 : i32
      %dma_start3A_136 = arith.constant 0 : i32
      %dma_start3A_137 = tpu.memref_slice %arg10[%dma_start3A_135, %dma_start3A_136] : memref<128x64xf32, #tpu.memory_space<vmem>> -> memref<16x64xf32, #tpu.memory_space<vmem>>
      %dma_start3A_138 = arith.constant 9984 : i32
      %dma_start3A_139 = arith.constant 0 : i32
      %dma_start3A_140 = tpu.memref_slice %arg5[%arg0, %dma_start3A_138, %dma_start3A_139] : memref<2x10000x64xf32, #tpu.memory_space<hbm>> -> memref<1x16x64xf32, #tpu.memory_space<hbm>>
      %dma_start3A_141 = tpu.memref_squeeze %dma_start3A_140 : memref<1x16x64xf32, #tpu.memory_space<hbm>> -> memref<16x64xf32, #tpu.memory_space<hbm>>
      %dma_start3A_142 = arith.constant 9984 : i32
      %dma_start3A_143 = arith.constant 0 : i32
      %dma_start3A_144 = tpu.memref_slice %arg5[%arg0, %dma_start3A_142, %dma_start3A_143] : memref<2x10000x64xf32, #tpu.memory_space<hbm>> -> memref<1x16x64xf32, #tpu.memory_space<hbm>>
      %dma_start3A_145 = tpu.memref_squeeze %dma_start3A_144 : memref<1x16x64xf32, #tpu.memory_space<hbm>> -> memref<16x64xf32, #tpu.memory_space<hbm>>
      %dma_start3A_146 = arith.constant 0 : i32
      %dma_start3A_147 = arith.constant 0 : i32
      %dma_start3A_148 = tpu.memref_slice %arg10[%dma_start3A_146, %dma_start3A_147] : memref<128x64xf32, #tpu.memory_space<vmem>> -> memref<16x64xf32, #tpu.memory_space<vmem>>
      tpu.enqueue_dma source(%dma_start3A_148 : memref<16x64xf32, #tpu.memory_space<vmem>>) target(%dma_start3A_145 : memref<16x64xf32, #tpu.memory_space<hbm>>) target_semaphore(%arg16 : memref<!tpu.dma_semaphore, #tpu.memory_space<semaphore_mem>>)
      %dma_wait3A_149 = arith.constant 9728 : i32
      %dma_wait3A_150 = arith.constant 0 : i32
      %dma_wait3A_151 = tpu.memref_slice %arg5[%arg0, %dma_wait3A_149, %dma_wait3A_150] : memref<2x10000x64xf32, #tpu.memory_space<hbm>> -> memref<1x128x64xf32, #tpu.memory_space<hbm>>
      %dma_wait3A_152 = tpu.memref_squeeze %dma_wait3A_151 : memref<1x128x64xf32, #tpu.memory_space<hbm>> -> memref<128x64xf32, #tpu.memory_space<hbm>>
      %dma_wait3A_153 = arith.constant 9728 : i32
      %dma_wait3A_154 = arith.constant 0 : i32
      %dma_wait3A_155 = tpu.memref_slice %arg5[%arg0, %dma_wait3A_153, %dma_wait3A_154] : memref<2x10000x64xf32, #tpu.memory_space<hbm>> -> memref<1x128x64xf32, #tpu.memory_space<hbm>>
      %dma_wait3A_156 = tpu.memref_squeeze %dma_wait3A_155 : memref<1x128x64xf32, #tpu.memory_space<hbm>> -> memref<128x64xf32, #tpu.memory_space<hbm>>
      tpu.wait_dma2 semaphore(%arg15 : memref<!tpu.dma_semaphore, #tpu.memory_space<semaphore_mem>>) src(%arg9 : memref<128x64xf32, #tpu.memory_space<vmem>>) dst(%dma_wait3A_156 : memref<128x64xf32, #tpu.memory_space<hbm>>)
      %dma_wait3A_157 = arith.constant 9856 : i32
      %dma_wait3A_158 = arith.constant 0 : i32
      %dma_wait3A_159 = tpu.memref_slice %arg5[%arg0, %dma_wait3A_157, %dma_wait3A_158] : memref<2x10000x64xf32, #tpu.memory_space<hbm>> -> memref<1x128x64xf32, #tpu.memory_space<hbm>>
      %dma_wait3A_160 = tpu.memref_squeeze %dma_wait3A_159 : memref<1x128x64xf32, #tpu.memory_space<hbm>> -> memref<128x64xf32, #tpu.memory_space<hbm>>
      %dma_wait3A_161 = arith.constant 9856 : i32
      %dma_wait3A_162 = arith.constant 0 : i32
      %dma_wait3A_163 = tpu.memref_slice %arg5[%arg0, %dma_wait3A_161, %dma_wait3A_162] : memref<2x10000x64xf32, #tpu.memory_space<hbm>> -> memref<1x128x64xf32, #tpu.memory_space<hbm>>
      %dma_wait3A_164 = tpu.memref_squeeze %dma_wait3A_163 : memref<1x128x64xf32, #tpu.memory_space<hbm>> -> memref<128x64xf32, #tpu.memory_space<hbm>>
      tpu.wait_dma2 semaphore(%arg14 : memref<!tpu.dma_semaphore, #tpu.memory_space<semaphore_mem>>) src(%arg8 : memref<128x64xf32, #tpu.memory_space<vmem>>) dst(%dma_wait3A_164 : memref<128x64xf32, #tpu.memory_space<hbm>>)
      %dma_wait3A_165 = arith.constant 0 : i32
      %dma_wait3A_166 = arith.constant 0 : i32
      %dma_wait3A_167 = tpu.memref_slice %arg10[%dma_wait3A_165, %dma_wait3A_166] : memref<128x64xf32, #tpu.memory_space<vmem>> -> memref<16x64xf32, #tpu.memory_space<vmem>>
      %dma_wait3A_168 = arith.constant 9984 : i32
      %dma_wait3A_169 = arith.constant 0 : i32
      %dma_wait3A_170 = tpu.memref_slice %arg5[%arg0, %dma_wait3A_168, %dma_wait3A_169] : memref<2x10000x64xf32, #tpu.memory_space<hbm>> -> memref<1x16x64xf32, #tpu.memory_space<hbm>>
      %dma_wait3A_171 = tpu.memref_squeeze %dma_wait3A_170 : memref<1x16x64xf32, #tpu.memory_space<hbm>> -> memref<16x64xf32, #tpu.memory_space<hbm>>
      %dma_wait3A_172 = arith.constant 9984 : i32
      %dma_wait3A_173 = arith.constant 0 : i32
      %dma_wait3A_174 = tpu.memref_slice %arg5[%arg0, %dma_wait3A_172, %dma_wait3A_173] : memref<2x10000x64xf32, #tpu.memory_space<hbm>> -> memref<1x16x64xf32, #tpu.memory_space<hbm>>
      %dma_wait3A_175 = tpu.memref_squeeze %dma_wait3A_174 : memref<1x16x64xf32, #tpu.memory_space<hbm>> -> memref<16x64xf32, #tpu.memory_space<hbm>>
      %dma_wait3A_176 = arith.constant 0 : i32
      %dma_wait3A_177 = arith.constant 0 : i32
      %dma_wait3A_178 = tpu.memref_slice %arg10[%dma_wait3A_176, %dma_wait3A_177] : memref<128x64xf32, #tpu.memory_space<vmem>> -> memref<16x64xf32, #tpu.memory_space<vmem>>
      tpu.wait_dma2 semaphore(%arg16 : memref<!tpu.dma_semaphore, #tpu.memory_space<semaphore_mem>>) src(%dma_wait3A_178 : memref<16x64xf32, #tpu.memory_space<vmem>>) dst(%dma_wait3A_175 : memref<16x64xf32, #tpu.memory_space<hbm>>)
    } else {
    }
    return
  }
}

module attributes {stable_mosaic.version = 14 : i64} {
  func.func @_tc1_body(%arg0: memref<10000x128xf32, #tpu.memory_space<vmem>>, %arg1: memref<128x64xf32, #tpu.memory_space<vmem>>, %arg2: memref<2x1x10000xf32, #tpu.memory_space<vmem>>, %arg3: memref<10000x64xf32, #tpu.memory_space<vmem>>, %arg4: memref<10000x64xf32, #tpu.memory_space<vmem>>) attributes {dimension_semantics = [], scalar_prefetch = 0 : i64, scratch_operands = 0 : i64, tpu.core_type = #tpu.core_type<tc>} {
    %get3A = arith.constant 0 : index
    %get3A_0 = arith.constant 0 : index
    %get3A_1 = arith.constant 0 : index
    %get3A_2 = vector.load %arg2[%get3A, %get3A_0, %get3A_1] : memref<2x1x10000xf32, #tpu.memory_space<vmem>>, vector<1x1x10000xf32>
    %get3A_3 = vector.shape_cast %get3A_2 : vector<1x1x10000xf32> to vector<10000xf32>
    %get3A_4 = arith.constant 1 : index
    %get3A_5 = arith.constant 0 : index
    %get3A_6 = arith.constant 0 : index
    %get3A_7 = vector.load %arg2[%get3A_4, %get3A_5, %get3A_6] : memref<2x1x10000xf32, #tpu.memory_space<vmem>>, vector<1x1x10000xf32>
    %get3A_8 = vector.shape_cast %get3A_7 : vector<1x1x10000xf32> to vector<10000xf32>
    %add3A = arith.addf %get3A_3, %get3A_8 : vector<10000xf32>
    %add3A_9 = arith.constant 1.000000e+00 : f32
    %add3A_10 = vector.broadcast %add3A_9 : f32 to vector<10000xf32>
    %add3A_11 = arith.addf %add3A, %add3A_10 : vector<10000xf32>
    %rsqrt3A = math.rsqrt %add3A_11 : vector<10000xf32>
    %broadcast_in_dim3A = vector.shape_cast %rsqrt3A : vector<10000xf32> to vector<10000x1xf32>
    %broadcast_in_dim3A_12 = vector.shape_cast %broadcast_in_dim3A : vector<10000x1xf32> to vector<10000x1xf32>
    %broadcast_in_dim3A_13 = vector.broadcast %broadcast_in_dim3A_12 : vector<10000x1xf32> to vector<10000x64xf32>
    %get3A_14 = arith.constant 0 : index
    %get3A_15 = arith.constant 0 : index
    %get3A_16 = vector.load %arg0[%get3A_14, %get3A_15] : memref<10000x128xf32, #tpu.memory_space<vmem>>, vector<10000x128xf32>
    %get3A_17 = arith.constant 0 : index
    %get3A_18 = arith.constant 0 : index
    %get3A_19 = vector.load %arg1[%get3A_17, %get3A_18] : memref<128x64xf32, #tpu.memory_space<vmem>>, vector<128x64xf32>
    %dot_general3A = arith.constant dense<0.000000e+00> : vector<10000x64xf32>
    %dot_general3A_20 = tpu.matmul %get3A_16, %get3A_19, %dot_general3A {dimension_numbers = #tpu.dot_dimension_numbers<[1], [0], [0], [1], [0, 0, 1, 1], [], []>, transpose_lhs_hint = false} : vector<10000x128xf32>, vector<128x64xf32>, vector<10000x64xf32> -> vector<10000x64xf32>
    %swap3A = arith.constant 0 : index
    %swap3A_21 = arith.constant 0 : index
    %swap3A_22 = vector.load %arg4[%swap3A, %swap3A_21] : memref<10000x64xf32, #tpu.memory_space<vmem>>, vector<10000x64xf32>
    tpu.vector_store %arg4[%swap3A, %swap3A_21], %broadcast_in_dim3A_13 {strides = array<i32>} : memref<10000x64xf32, #tpu.memory_space<vmem>>, vector<10000x64xf32>,
    %mul3A = arith.mulf %broadcast_in_dim3A_13, %dot_general3A_20 : vector<10000x64xf32>
    %swap3A_23 = arith.constant 0 : index
    %swap3A_24 = arith.constant 0 : index
    %swap3A_25 = vector.load %arg3[%swap3A_23, %swap3A_24] : memref<10000x64xf32, #tpu.memory_space<vmem>>, vector<10000x64xf32>
    tpu.vector_store %arg3[%swap3A_23, %swap3A_24], %mul3A {strides = array<i32>} : memref<10000x64xf32, #tpu.memory_space<vmem>>, vector<10000x64xf32>,
    return
  }
}

module attributes {stable_mosaic.version = 14 : i64} {
  func.func @_tc2_body(%arg0: memref<2x10000x64xf32, #tpu.memory_space<vmem>>, %arg1: memref<10000x64xf32, #tpu.memory_space<vmem>>, %arg2: memref<10000x64xf32, #tpu.memory_space<vmem>>, %arg3: memref<1x64xf32, #tpu.memory_space<vmem>>, %arg4: memref<64x64xf32, #tpu.memory_space<vmem>>, %arg5: memref<10000x64xf32, #tpu.memory_space<vmem>>) attributes {dimension_semantics = [], scalar_prefetch = 0 : i64, scratch_operands = 0 : i64, tpu.core_type = #tpu.core_type<tc>} {
    %get3A = arith.constant 0 : index
    %get3A_0 = arith.constant 0 : index
    %get3A_1 = vector.load %arg2[%get3A, %get3A_0] : memref<10000x64xf32, #tpu.memory_space<vmem>>, vector<10000x64xf32>
    %get3A_2 = arith.constant 0 : index
    %get3A_3 = arith.constant 0 : index
    %get3A_4 = arith.constant 0 : index
    %get3A_5 = vector.load %arg0[%get3A_2, %get3A_3, %get3A_4] : memref<2x10000x64xf32, #tpu.memory_space<vmem>>, vector<1x10000x64xf32>
    %get3A_6 = vector.shape_cast %get3A_5 : vector<1x10000x64xf32> to vector<10000x64xf32>
    %get3A_7 = arith.constant 1 : index
    %get3A_8 = arith.constant 0 : index
    %get3A_9 = arith.constant 0 : index
    %get3A_10 = vector.load %arg0[%get3A_7, %get3A_8, %get3A_9] : memref<2x10000x64xf32, #tpu.memory_space<vmem>>, vector<1x10000x64xf32>
    %get3A_11 = vector.shape_cast %get3A_10 : vector<1x10000x64xf32> to vector<10000x64xf32>
    %add3A = arith.addf %get3A_6, %get3A_11 : vector<10000x64xf32>
    %get3A_12 = arith.constant 0 : index
    %get3A_13 = arith.constant 0 : index
    %get3A_14 = vector.load %arg1[%get3A_12, %get3A_13] : memref<10000x64xf32, #tpu.memory_space<vmem>>, vector<10000x64xf32>
    %add3A_15 = arith.addf %add3A, %get3A_14 : vector<10000x64xf32>
    %mul3A = arith.mulf %get3A_1, %add3A_15 : vector<10000x64xf32>
    %get3A_16 = arith.constant 0 : index
    %get3A_17 = arith.constant 0 : index
    %get3A_18 = vector.load %arg3[%get3A_16, %get3A_17] : memref<1x64xf32, #tpu.memory_space<vmem>>, vector<1x64xf32>
    %add3A_19 = vector.broadcast %get3A_18 : vector<1x64xf32> to vector<10000x64xf32>
    %add3A_20 = arith.addf %mul3A, %add3A_19 : vector<10000x64xf32>
    %max3A = arith.constant 0.000000e+00 : f32
    %max3A_21 = vector.broadcast %max3A : f32 to vector<10000x64xf32>
    %max3A_22 = arith.maximumf %add3A_20, %max3A_21 : vector<10000x64xf32>
    %get3A_23 = arith.constant 0 : index
    %get3A_24 = arith.constant 0 : index
    %get3A_25 = vector.load %arg4[%get3A_23, %get3A_24] : memref<64x64xf32, #tpu.memory_space<vmem>>, vector<64x64xf32>
    %dot_general3A = arith.constant dense<0.000000e+00> : vector<10000x64xf32>
    %dot_general3A_26 = tpu.matmul %max3A_22, %get3A_25, %dot_general3A {dimension_numbers = #tpu.dot_dimension_numbers<[1], [0], [0], [1], [0, 0, 1, 1], [], []>, transpose_lhs_hint = false} : vector<10000x64xf32>, vector<64x64xf32>, vector<10000x64xf32> -> vector<10000x64xf32>
    %mul3A_27 = arith.mulf %get3A_1, %dot_general3A_26 : vector<10000x64xf32>
    %swap3A = arith.constant 0 : index
    %swap3A_28 = arith.constant 0 : index
    %swap3A_29 = vector.load %arg5[%swap3A, %swap3A_28] : memref<10000x64xf32, #tpu.memory_space<vmem>>, vector<10000x64xf32>
    tpu.vector_store %arg5[%swap3A, %swap3A_28], %mul3A_27 {strides = array<i32>} : memref<10000x64xf32, #tpu.memory_space<vmem>>, vector<10000x64xf32>,
    return
  }
}

module attributes {stable_mosaic.version = 14 : i64} {
  func.func @_tc3_body(%arg0: memref<2x10000x64xf32, #tpu.memory_space<vmem>>, %arg1: memref<10000x64xf32, #tpu.memory_space<vmem>>, %arg2: memref<10000x64xf32, #tpu.memory_space<vmem>>, %arg3: memref<1x64xf32, #tpu.memory_space<vmem>>, %arg4: memref<64x1xf32, #tpu.memory_space<vmem>>, %arg5: memref<1x1xf32, #tpu.memory_space<vmem>>, %arg6: memref<10000x1xf32, #tpu.memory_space<vmem>>) attributes {dimension_semantics = [], scalar_prefetch = 0 : i64, scratch_operands = 0 : i64, tpu.core_type = #tpu.core_type<tc>} {
    %get3A = arith.constant 0 : index
    %get3A_0 = arith.constant 0 : index
    %get3A_1 = vector.load %arg2[%get3A, %get3A_0] : memref<10000x64xf32, #tpu.memory_space<vmem>>, vector<10000x64xf32>
    %get3A_2 = arith.constant 0 : index
    %get3A_3 = arith.constant 0 : index
    %get3A_4 = arith.constant 0 : index
    %get3A_5 = vector.load %arg0[%get3A_2, %get3A_3, %get3A_4] : memref<2x10000x64xf32, #tpu.memory_space<vmem>>, vector<1x10000x64xf32>
    %get3A_6 = vector.shape_cast %get3A_5 : vector<1x10000x64xf32> to vector<10000x64xf32>
    %get3A_7 = arith.constant 1 : index
    %get3A_8 = arith.constant 0 : index
    %get3A_9 = arith.constant 0 : index
    %get3A_10 = vector.load %arg0[%get3A_7, %get3A_8, %get3A_9] : memref<2x10000x64xf32, #tpu.memory_space<vmem>>, vector<1x10000x64xf32>
    %get3A_11 = vector.shape_cast %get3A_10 : vector<1x10000x64xf32> to vector<10000x64xf32>
    %add3A = arith.addf %get3A_6, %get3A_11 : vector<10000x64xf32>
    %get3A_12 = arith.constant 0 : index
    %get3A_13 = arith.constant 0 : index
    %get3A_14 = vector.load %arg1[%get3A_12, %get3A_13] : memref<10000x64xf32, #tpu.memory_space<vmem>>, vector<10000x64xf32>
    %add3A_15 = arith.addf %add3A, %get3A_14 : vector<10000x64xf32>
    %mul3A = arith.mulf %get3A_1, %add3A_15 : vector<10000x64xf32>
    %get3A_16 = arith.constant 0 : index
    %get3A_17 = arith.constant 0 : index
    %get3A_18 = vector.load %arg3[%get3A_16, %get3A_17] : memref<1x64xf32, #tpu.memory_space<vmem>>, vector<1x64xf32>
    %add3A_19 = vector.broadcast %get3A_18 : vector<1x64xf32> to vector<10000x64xf32>
    %add3A_20 = arith.addf %mul3A, %add3A_19 : vector<10000x64xf32>
    %max3A = arith.constant 0.000000e+00 : f32
    %max3A_21 = vector.broadcast %max3A : f32 to vector<10000x64xf32>
    %max3A_22 = arith.maximumf %add3A_20, %max3A_21 : vector<10000x64xf32>
    %get3A_23 = arith.constant 0 : index
    %get3A_24 = arith.constant 0 : index
    %get3A_25 = vector.load %arg4[%get3A_23, %get3A_24] : memref<64x1xf32, #tpu.memory_space<vmem>>, vector<64x1xf32>
    %dot_general3A = arith.constant dense<0.000000e+00> : vector<10000x1xf32>
    %dot_general3A_26 = tpu.matmul %max3A_22, %get3A_25, %dot_general3A {dimension_numbers = #tpu.dot_dimension_numbers<[1], [0], [0], [1], [0, 0, 1, 1], [], []>, transpose_lhs_hint = false} : vector<10000x64xf32>, vector<64x1xf32>, vector<10000x1xf32> -> vector<10000x1xf32>
    %get3A_27 = arith.constant 0 : index
    %get3A_28 = arith.constant 0 : index
    %get3A_29 = vector.load %arg5[%get3A_27, %get3A_28] : memref<1x1xf32, #tpu.memory_space<vmem>>, vector<1x1xf32>
    %add3A_30 = vector.broadcast %get3A_29 : vector<1x1xf32> to vector<10000x1xf32>
    %add3A_31 = arith.addf %dot_general3A_26, %add3A_30 : vector<10000x1xf32>
    %swap3A = arith.constant 0 : index
    %swap3A_32 = arith.constant 0 : index
    %swap3A_33 = vector.load %arg6[%swap3A, %swap3A_32] : memref<10000x1xf32, #tpu.memory_space<vmem>>, vector<10000x1xf32>
    tpu.vector_store %arg6[%swap3A, %swap3A_32], %add3A_31 {strides = array<i32>} : memref<10000x1xf32, #tpu.memory_space<vmem>>, vector<10000x1xf32>,
    return
  }
}

</mosaic_0001>

<sc_bundles>
// kernel: kernel.11.cloned.1.call-start
scs
__scs_entry_jumppad:
0x0: {  	(pc) =	sbr.rel $0x88, $3  }
0x1: {  	(tag) =	ssettag $0x0;
	lr =	simm.s32 $0x1  }
0x2: {  	[smem:$0x3F99] =	sst lr;
	_ =	strace $0xD0000000  }
0x3: {  	_ = 	snop  }
0x4: {  	_ = 	snop  }
0x5: {  	_ = 	snop  }
0x6: {  	_ = 	snop  }
0x7: {  	_ = 	snop  }
__scs_overlays_trampoline_lowered:
0x8: {  	[smem:$0x3FA8] =	sst s0  }
0x9: {  	[smem:$0x3FA9] =	sst s1  }
0xa: {  	[smem:$0x3FAA] =	sst s2  }
0xb: {  	[smem:$0x3FAB] =	sst s3  }
0xc: {  	[smem:$0x3FAC] =	sst s4  }
0xd: {  	[smem:$0x3FAD] =	sst s5  }
0xe: {  	[smem:$0x3FAE] =	sst s6  }
0xf: {  	[smem:$0x3FAF] =	sst s7  }
0x10: {  	[smem:$0x3FB0] =	sst s8  }
0x11: {  	[smem:$0x3FB1] =	sst s9;
	s0 =	simm.s32 @!p0 $0x0  }
0x12: {  	s1 =	sld [smem:$0x3F97];
	s0 =	simm.s32 @p0 $0x1  }
0x13: {  	[smem:$0x3FB2] =	sst s0;
	s0 =	simm.s32 @!p1 $0x0  }
0x14: {  	s2 =	sld [smem:$0x3F96];
	s0 =	simm.s32 @p1 $0x1  }
0x15: {  	[smem:$0x3FB3] =	sst s0;
	s0 =	simm.s32 @!p2 $0x0  }
0x16: {  	s3 =	sld [smem:$0x3FDB];
	s0 =	simm.s32 @p2 $0x1  }
0x17: {  	s4 =	simm.s32 $0x1BF5;
	[smem:$0x3FB5] =	sst s0  }
0x18: {  	s0 =	sld [smem:$0x3F98];
	_ =	swait.ge [sflag:s4], $0x0  }
0x19: {  	s7 =	sld [smem:$0x3F99]  }
0x1a: {  	s8 =	sadd.s32 $0xFFFFE003, lr  }
0x1b: {  	s9 =	sadd.s32 $0xFFFFFEF7, lr;
	s5 =	simm.s32 $0xFFFFFFFF;
	p2 =	slt.u32 s8, $0xFFFFF086  }
0x1c: {  	p1 =	slt.u32 s9, $0xF7A;
	s5 =	simm.s32 @!p2 $0x0  }
0x1d: {  	s5 =	simm.s32 @p1 $0x1;
	p0 =	seq.s32 s7, s2  }
0x1e: {  	s7 =	smul.u32 @!p0 $0xF7A, s2;
	p2 =	seq.s32 @!p0 s5, $0x0  }
0x1f: {  	s9 =	smul.u32 $0xF7A, s1;
	s8 =	simm.s32 @!p0 $0x1BF5;
	p2 =	por !p2, p0  }
0x20: {  	[sflag:s8] =	ssyncset.s32 @!p0 $0xFFFFF086;
	s6 =	sadd.s32 @!p0 s3, s7;
	s7 =	simm.s32 @!p0 $0x108  }
0x21: {  	s3 =	sadd.s32 s3, s9;
	s6 =	sadd.s32 @!p0 $0x88, s6;
	s7 =	simm.s32 @p2 $0x1082  }
0x22: {  	[simem:s7], [sflag:s8] =	dma.local @!p0 [hbm:s6], $0xF7A  }
0x23: {  	s9 =	sor.u32 $0xD0000000, s2;
	s6 =	simm.s32 $0x108;
	_ =	swait.ge @!p0 [sflag:s8], $0x0  }
0x24: {  	s3 =	sadd.s32 $0x88, s3;
	s6 =	simm.s32 @!p1 $0x1082;
	[sflag:s4] =	ssyncset.s32 $0xFFFFF086  }
0x25: {  	[simem:s6], [sflag:s4] =	dma.local [hbm:s3], $0xF7A  }
0x26: {  	[smem:$0x3F99] =	sst s1;
	(tag) =	ssettag s2;
	_ =	strace s9  }
0x27: {  	s1 =	sld [smem:$0x3FA9]  }
0x28: {  	s2 =	sld [smem:$0x3FAA]  }
0x29: {  	s4 =	sld [smem:$0x3FAC]  }
0x2a: {  	p0 =	seq.s32 s5, $0x0;
	s5 =	sld [smem:$0x3FAD]  }
0x2b: {  	s6 =	sld [smem:$0x3FAE]  }
0x2c: {  	s7 =	sld [smem:$0x3FAF]  }
0x2d: {  	s3 =	simm.s32 $0x108;
	s8 =	sld [smem:$0x3FB0]  }
0x2e: {  	s3 =	simm.s32 @!p0 $0x1082;
	s9 =	sld [smem:$0x3FB1]  }
0x2f: {  	lr =	sadd.s32 s0, s3;
	s0 =	sld [smem:$0x3FA8]  }
0x30: {  	s3 =	sld [smem:$0x3FAB]  }
0x31: {  	[smem:$0x3FB4] =	sst s10  }
0x32: {  	s10 =	sld [smem:$0x3FB2];
	_ =	sdelay $0x3  }
0x33: {  	p0 =	seq.s32 s10, $0x1;
	s10 =	sld [smem:$0x3FB4];
	_ =	sdelay $0x3  }
0x34: {  	[smem:$0x3FB4] =	sst s10  }
0x35: {  	s10 =	sld [smem:$0x3FB3];
	_ =	sdelay $0x3  }
0x36: {  	p1 =	seq.s32 s10, $0x1;
	s10 =	sld [smem:$0x3FB4];
	_ =	sdelay $0x3  }
0x37: {  	[smem:$0x3FB4] =	sst s10  }
0x38: {  	s10 =	sld [smem:$0x3FB5]  }
0x39: {  	_ = 	snop;
	(pc) =	sbr.ind lr, $3  }
0x3a: {  	_ = 	snop  }
0x3b: {  	_ = 	snop  }
0x3c: {  	p2 =	seq.s32 s10, $0x1;
	s10 =	sld [smem:$0x3FB4]  }
0x3d: {  	_ =	shalt  }
0x3e: {  	_ =	shalt  }
0x3f: {  	_ =	shalt  }
0x40: {  	_ =	shalt  }
0x41: {  	_ =	shalt  }
0x42: {  	_ =	shalt  }
0x43: {  	_ =	shalt  }
0x44: {  	_ =	shalt  }
0x45: {  	_ =	shalt  }
0x46: {  	_ =	shalt  }
0x47: {  	_ =	shalt  }
0x48: {  	_ =	shalt  }
0x49: {  	_ =	shalt  }
0x4a: {  	_ =	shalt  }
0x4b: {  	_ =	shalt  }
0x4c: {  	_ =	shalt  }
0x4d: {  	_ =	shalt  }
0x4e: {  	_ =	shalt  }
0x4f: {  	_ =	shalt  }
0x50: {  	_ =	shalt  }
0x51: {  	_ =	shalt  }
0x52: {  	_ =	shalt  }
0x53: {  	_ =	shalt  }
0x54: {  	_ =	shalt  }
0x55: {  	_ =	shalt  }
0x56: {  	_ =	shalt  }
0x57: {  	_ =	shalt  }
0x58: {  	_ =	shalt  }
0x59: {  	_ =	shalt  }
0x5a: {  	_ =	shalt  }
0x5b: {  	_ =	shalt  }
0x5c: {  	_ =	shalt  }
0x5d: {  	_ =	shalt  }
0x5e: {  	_ =	shalt  }
0x5f: {  	_ =	shalt  }
0x60: {  	_ =	shalt  }
0x61: {  	_ =	shalt  }
0x62: {  	_ =	shalt  }
0x63: {  	_ =	shalt  }
0x64: {  	_ =	shalt  }
0x65: {  	_ =	shalt  }
0x66: {  	_ =	shalt  }
0x67: {  	_ =	shalt  }
0x68: {  	_ =	shalt  }
0x69: {  	_ =	shalt  }
0x6a: {  	_ =	shalt  }
0x6b: {  	_ =	shalt  }
0x6c: {  	_ =	shalt  }
0x6d: {  	_ =	shalt  }
0x6e: {  	_ =	shalt  }
0x6f: {  	_ =	shalt  }
0x70: {  	_ =	shalt  }
0x71: {  	_ =	shalt  }
0x72: {  	_ =	shalt  }
0x73: {  	_ =	shalt  }
0x74: {  	_ =	shalt  }
0x75: {  	_ =	shalt  }
0x76: {  	_ =	shalt  }
0x77: {  	_ =	shalt  }
0x78: {  	_ =	shalt  }
0x79: {  	_ =	shalt  }
0x7a: {  	_ =	shalt  }
0x7b: {  	_ =	shalt  }
0x7c: {  	_ =	shalt  }
0x7d: {  	_ =	shalt  }
0x7e: {  	_ =	shalt  }
0x7f: {  	_ =	shalt  }
0x80: {  	_ =	shalt  }
0x81: {  	_ =	shalt  }
0x82: {  	_ =	shalt  }
0x83: {  	_ =	shalt  }
0x84: {  	_ =	shalt  }
0x85: {  	_ =	shalt  }
0x86: {  	_ =	shalt  }
0x87: {  	_ =	shalt  }
.Lfunc_end0:
.L_simem_size_0:
called_computation.1_lowered:
.L_overlay_start_0:
0x88: {  	s2 =	sld [smem:$0x3FD9]  }
0x89: {  	s3 =	sld [smem:$0x3FFE];
	_ =	sdelay $0x1  }
0x8a: {  	s1 =	srdreg.scid  }
0x8b: {  	s0 =	sand.u32 $0x1, s1  }
0x8c: {  	s16 =	sshll.u32 s0, $0xA;
	s2 =	sadd.s32 s3, s2  }
0x8d: {  	s2 =	sadd.s32 s2, s16  }
0x8e: {  	[smem:$0x3FC0] =	sst s2  }
0x8f: {  	_ = 	snop  }
0x90: {  	(tm) =	ssettm $0x1  }
0x91: {  	s17 =	sld [smem:$0x3FFB];
	_ =	sdelay $0x3  }
0x92: {  	_ =	strace s17  }
0x93: {  	s2 =	sld [smem:$0x3FFC];
	_ =	sdelay $0x3  }
0x94: {  	_ =	strace s2  }
0x95: {  	s2 =	sld [smem:$0x3FFD];
	_ =	sdelay $0x3  }
0x96: {  	_ =	strace s2  }
0x97: {  	_ =	strace $0x8FFFFFFF  }
0x98: {  	s18 =	sld [smem:$0x3FDB];
	_ =	sdelay $0x1  }
0x99: {  	s19 =	simm.s32 $_scs_section_size  }
0x9a: {  	s4 =	simm.s32 $_size__tile_overlayer_lowered;
	s5 =	simm.s32 $_tile_overlayer_lowered  }
0x9b: {  	s22 =	simm.s32 $0x1BFF;
	s21 =	sshll.u32 s5, $0x1;
	s2 =	sadd.s32 s19, s18  }
0x9c: {  	s6 =	simm.s32 $0x0;
	s20 =	sshll.u32 s4, $0x1;
	s4 =	sadd.s32 s21, s2  }
0x9d: {  	[timem:s6], [sflag:s22] =	dma.local [hbm:s4], s20  }
0x9e: {  	_ =	swait.ge [sflag:s22], s20  }
0x9f: {  	s3 =	ssub.s32 $0x0, s20;
	[sflag:s22] =	ssyncset.done $0x0  }
0xa0: {  	[sflag:s22] =	ssyncadd.s32 s3;
	_ =	sdelay $0x1  }
0xa1: {  	s23 =	simm.s32 $0x1B8B  }
0xa2: {  	_ =	swait.ge [sflag:s23], $0x1  }
0xa3: {  	[sflag:s23] =	ssyncset.done $0x0  }
0xa4: {  	s25 =	simm.s32 $0x1B8E;
	s24 =	sld [smem:$0x3FFE];
	[sflag:s23] =	ssyncadd.s32 $0xFFFFFFFF  }
0xa5: {  	s26 =	simm.s32 $execute0_lowered;
	[smem:$0x3FD2] =	sst s25  }
0xa6: {  	s4 =	sshll.u32 s26, $0x1;
	_ =	strace $0x80000049;
	[dreg:$0x1] =	wrdreg $0xFFFFFFFF  }
0xa7: {  	s28 =	simm.s32 $_size_execute0_lowered;
	s2 =	sadd.s32 s2, s4;
	[dreg:$0x0] =	wrdreg $0x0  }
0xa8: {  	s4 =	sshll.u32 s28, $0x1;
	[dreg:$0x2] =	wrdreg s2  }
0xa9: {  	[dreg:$0x3] =	wrdreg s4  }
0xaa: {  	[dreg:$0x4] =	wrdreg $0xC0  }
0xab: {  	_ =	task [dreg:s6], $0x5FFFF  }
0xac: {  	[dreg:$0x1] =	wrdreg $0xFFFFFFFF  }
0xad: {  	[dreg:$0x0] =	wrdreg $0x60  }
0xae: {  	[dreg:$0x2] =	wrdreg s24  }
0xaf: {  	[dreg:$0x3] =	wrdreg $0xE4000  }
0xb0: {  	[dreg:$0x4] =	wrdreg $0x9  }
0xb1: {  	_ =	task.clear_ibuf [dreg:s6], $0x5FFFF;
	_ =	strace $0x90000049  }
0xb2: {  	s29 =	simm.s32 $0x9;
	_ =	strace $0x8000004B  }
0xb3: {  	_ =	swait.ge [sflag:s29], $0x1  }
0xb4: {  	[sflag:s29] =	ssyncadd.s32 $0xFFFFFFFF  }
0xb5: {  	_ =	strace $0x9000004B  }
0xb6: {  	_ =	sfence  }
0xb7: {  	s30 =	sld [smem:$0x0];
	_ =	sdelay $0x2  }
0xb8: {  	s31 =	sshll.u32 s1, $0xD;
	s1 =	sshrl.u32 s1, $0x2  }
0xb9: {  	s3 =	sand.u32 $0x4000, s31;
	s1 =	sadd.s32 s1, s30  }
0xba: {  	s0 =	sor.u32 s3, s0;
	s1 =	sshll.u32 s1, $0x11  }
0xbb: {  	s0 =	sor.u32 s1, s0  }
0xbc: {  	s0 =	sadd.s32 $0x8F2B, s0  }
0xbd: {  	[sflag:s0] =	ssyncadd.remote.s32 $0x1  }
0xbe: {  	_ =	sfence.sel $0xFFFF  }
0xbf: {  	[dreg:$0x0] =	wrdreg $0xFFFFFFFF;
	(pc) =	sbr.abs _section_cstart, $3  }
0xc0: {  	[dreg:$0x1] =	wrdreg $0xFFFFFFFF  }
0xc1: {  	_ =	task.clear_ibuf [dreg:s6], $0x2FFFF;
	_ =	strace $0x9FFFFFFF  }
0xc2: {  	(tm) =	ssettm $0x7FFFFFFF  }
0xc3: {  	_ =	shalt  }
tec
execute0_lowered:
.L_overlay_start_1:
0x0: {  	(tag) =	ssettag $0x1  }
0x1: {  	s1 =	rddreg [dreg:$0x0]  }
0x2: {  	s0 =	srdreg.scid;
	s2 =	rddreg [dreg:$0x1]  }
0x3: {  	s9 =	stileid.u32;
	s4 =	simm.s32 $0x0;
	s0 =	sand.u32 $0x1, s0  }
0x4: {  	[smem:$0x7FF] =	sst s4;
	s6 =	smul.u32 $0xA000, s9;
	s4 =	sadd.s32 $0x15C00, s1  }
0x5: {  	s17 =	smul.u32 $0x28000, s9;
	p0 =	seq.s32 s9, $0xF;
	s28 =	sadd.s32 $0x96000, s2  }
0x6: {  	s25 =	sadd.s32 $0x98000, s2;
	s26 =	sadd.s32 $0x9A000, s2;
	s30 =	sadd.s32 $0x9C000, s2  }
0x7: {  	s3 =	sshll.u32 s0, $0x4;
	_ =	strace $0x8000004A;
	[dreg:$0x17] =	wrdreg s25  }
0x8: {  	s5 =	ssub.s32 $0x2, s0;
	s0 =	smul.u32 $0x9C400, s0;
	[dreg:$0x18] =	wrdreg s26  }
0x9: {  	[dreg:$0x19] =	wrdreg s30;
	s25 =	simm.s32 $0x8;
	s26 =	simm.s32 $0x0  }
0xa: {  	s3 =	sor.u32 s9, s3;
	s7 =	sshrl.u32 s5, $0x1;
	s10 =	sadd.s32 s6, s2  }
0xb: {  	s11 =	sadd.s32 $0x2000, s6;
	s15 =	sadd.s32 $0x6000, s6;
	s19 =	sshrl.u32 s17, $0x2  }
0xc: {  	s9 =	simm.s32 $0x5000;
	s3 =	smul.u32 $0x500, s3;
	s5 =	ssub.s32 s5, s7  }
0xd: {  	s8 =	sadd.s32 s6, s0;
	[dreg:$0x5] =	wrdreg s10;
	s12 =	sadd.s32 s0, s11  }
0xe: {  	s7 =	sadd.s32 s11, s2;
	s16 =	sadd.s32 s0, s15;
	s17 =	sadd.s32 s19, s2  }
0xf: {  	s10 =	simm.s32 $0x7000;
	s11 =	simm.s32 $0x9000;
	[dreg:$0x7] =	wrdreg s7  }
0x10: {  	s7 =	sadd.s32 s15, s2;
	s21 =	sadd.s32 $0x8C00, s17;
	s24 =	smax.u32 s5, $0x1  }
0x11: {  	s29 =	sadd.s32 $0x3C00, s17;
	s5 =	simm.s32 $0xD000;
	s15 =	simm.s32 $0x3  }
0x12: {  	s3 =	sadd.s32 s3, s1;
	s1 =	sadd.s32 $0x29600, s1;
	[dreg:$0xb] =	wrdreg s7  }
0x13: {  	s7 =	sadd.s32 $0x6400, s17;
	[dreg:$0x16] =	wrdreg s24;
	s31 =	sadd.s32 $0xBC00, s3  }
0x14: {  	s29 =	smov.u32 @p0 s28;
	s3 =	sadd.s32 $0x1C00, s3;
	[dreg:$0x3] =	wrdreg s31  }
0x15: {  	[dreg:$0x4] =	wrdreg s3;
	s3 =	sshrl.u32 s8, $0x3;
	s8 =	sadd.s32 $0x4000, s6  }
0x16: {  	s6 =	sadd.s32 $0x8000, s6;
	s31 =	sadd.s32 $0x1400, s17;
	s3 =	sadd.s32 s1, s3  }
0x17: {  	s13 =	sadd.s32 s0, s8;
	s8 =	sadd.s32 s8, s2;
	[dreg:$0x1a] =	wrdreg s31  }
0x18: {  	s18 =	sadd.s32 s0, s6;
	s6 =	sadd.s32 s6, s2;
	[dreg:$0x6] =	wrdreg s3  }
0x19: {  	s0 =	sshrl.u32 s0, $0x3;
	s3 =	sshrl.u32 s12, $0x3;
	[dreg:$0x9] =	wrdreg s8  }
0x1a: {  	[dreg:$0xd] =	wrdreg s6;
	s0 =	sadd.s32 s1, s0;
	s3 =	sadd.s32 s1, s3  }
0x1b: {  	s24 =	simm.s32 $0x7;
	s20 =	sadd.s32 $0x12C00, s0;
	[dreg:$0x8] =	wrdreg s3  }
0x1c: {  	s14 =	sshrl.u32 s13, $0x3;
	s22 =	sadd.s32 $0x13000, s0;
	[dreg:$0x12] =	wrdreg s20  }
0x1d: {  	s6 =	sadd.s32 $0x5000, s17;
	s23 =	sadd.s32 $0x13400, s0;
	[dreg:$0x13] =	wrdreg s22  }
0x1e: {  	s8 =	sadd.s32 $0x7800, s17;
	s0 =	sadd.s32 $0x13800, s0;
	[dreg:$0x14] =	wrdreg s23  }
0x1f: {  	s12 =	simm.s32 $0xB000;
	s3 =	sadd.s32 s1, s14;
	[dreg:$0x15] =	wrdreg s0  }
0x20: {  	s13 =	simm.s32 $0x1;
	[dreg:$0xa] =	wrdreg s3;
	s3 =	sshrl.u32 s16, $0x3  }
0x21: {  	s14 =	simm.s32 $0x2;
	s22 =	simm.s32 $0x5;
	s3 =	sadd.s32 s1, s3  }
0x22: {  	s23 =	simm.s32 $0x6;
	[dreg:$0xc] =	wrdreg s3;
	s3 =	sshrl.u32 s18, $0x3  }
0x23: {  	s16 =	simm.s32 $0x4;
	s3 =	sadd.s32 s1, s3;
	s1 =	sadd.s32 $0x97400, s2  }
0x24: {  	[dreg:$0xe] =	wrdreg s3;
	s3 =	sadd.s32 $0x98800, s2;
	s6 =	smov.u32 @p0 s1  }
0x25: {  	s1 =	sadd.s32 $0x99C00, s2;
	[dreg:$0xf] =	wrdreg s6;
	s7 =	smov.u32 @p0 s3  }
0x26: {  	s3 =	sadd.s32 $0x9B000, s2;
	s8 =	smov.u32 @p0 s1;
	[dreg:$0x10] =	wrdreg s7  }
0x27: {  	s6 =	simm.s32 $0xA;
	[dreg:$0x11] =	wrdreg s8;
	s21 =	smov.u32 @p0 s3  }
0x28: {  	v0 =	vimm.f32 $0.0e+00;
	s3 =	sadd.s32 $0x2800, s17;
	s7 =	simm.s32 $0x9;
	s8 =	simm.s32 $0x80  }
.LBB2_1:
0x29: {  	s31 =	simm.s32 $0x100;
	s30 =	simm.s32 $0x0  }
.LBB2_2:
0x2a: {  	p1 =	sne.s32 s31, $0x4F00;
	[tilespmem:s30+$0xD030] =	vst v0;
	s18 =	smov.u32 s31;
	s31 =	sadd.s32 $0x100, s31  }
.Ltmp0:
0x2b: {  	[tilespmem:s30+$0xD020] =	vst v0;
	(pc) =	sbr.rel @p1 .LBB2_2-.Ltmp0, $3  }
0x2c: {  	[tilespmem:s30+$0xD000] =	vst v0  }
0x2d: {  	[tilespmem:s30+$0xD010] =	vst v0;
	_ =	sdelay $0x1  }
0x2e: {  	s30 =	sshra.s32 s18, $0x2  }
0x2f: {  	[tilespmem:s30+$0xD030] =	vst v0  }
0x30: {  	[tilespmem:s30+$0xD020] =	vst v0  }
0x31: {  	[tilespmem:s30+$0xD000] =	vst v0  }
0x32: {  	[tilespmem:s30+$0xD010] =	vst v0;
	s0 =	simm.s32 $0x0;
	s1 =	rddreg [dreg:$0x3]  }
0x33: {  	[tilespmem:s0], [sflag:$0x9] =	stream.linear.gather [hbm4b:s1+s0], $0x2800, $0x38;
	[tilespmem:$0x18240] =	vst v63  }
0x34: {  	s20 =	rddreg [dreg:$0x4];
	s18 =	simm.s32 $0x2800  }
0x35: {  	[tilespmem:s18], [sflag:$0x9] =	stream.linear.gather [hbm4b:s20+s0], $0x2800, $0x38;
	[tilespmem:$0x18240] =	vst v63  }
0x36: {  	s30 =	simm.s32 @!p0 $0xA;
	s18 =	simm.s32 @!p0 $0xD000  }
0x37: {  	[spmem:s17] =	stream.linear.scatter @!p0 [tilespmem:s18], [sflag:$0xA], $0x1400, $0x38;
	[tilespmem:$0x18240] =	vst v63  }
0x38: {  	_ =	swait.ge @!p0 [sflag:s30], $0x1400  }
0x39: {  	[sflag:s30] =	ssyncset.done @!p0 $0x0  }
0x3a: {  	s0 =	rddreg [dreg:$0x1a];
	[sflag:s30] =	ssyncadd.s32 @!p0 $0xFFFFEC00  }
0x3b: {  	[spmem:s0] =	stream.linear.scatter @!p0 [tilespmem:s18], [sflag:$0xA], $0x1400, $0x38;
	[tilespmem:$0x18240] =	vst v63  }
0x3c: {  	_ =	swait.ge @!p0 [sflag:s30], $0x1400  }
0x3d: {  	[sflag:s30] =	ssyncset.done @!p0 $0x0  }
0x3e: {  	[sflag:s30] =	ssyncadd.s32 @!p0 $0xFFFFEC00  }
0x3f: {  	[spmem:s3] =	stream.linear.scatter @!p0 [tilespmem:s18], [sflag:$0xA], $0x1400, $0x38;
	[tilespmem:$0x18240] =	vst v63  }
0x40: {  	_ =	swait.ge @!p0 [sflag:s30], $0x1400  }
0x41: {  	[sflag:s30] =	ssyncset.done @!p0 $0x0  }
0x42: {  	[sflag:s30] =	ssyncadd.s32 @!p0 $0xFFFFEC00  }
0x43: {  	[spmem:s29] =	stream.linear.scatter [tilespmem:s5], [sflag:$0xA], $0x1400, $0x38;
	[tilespmem:$0x18240] =	vst v63  }
0x44: {  	_ =	swait.ge [sflag:s6], $0x1400  }
0x45: {  	[sflag:s6] =	ssyncset.done $0x0  }
0x46: {  	s18 =	rddreg [dreg:$0xf];
	[sflag:s6] =	ssyncadd.s32 $0xFFFFEC00  }
0x47: {  	[spmem:s18] =	stream.linear.scatter [tilespmem:s5], [sflag:$0xA], $0x1400, $0x38;
	[tilespmem:$0x18240] =	vst v63  }
0x48: {  	_ =	swait.ge [sflag:s6], $0x1400  }
0x49: {  	[sflag:s6] =	ssyncset.done $0x0  }
0x4a: {  	s19 =	rddreg [dreg:$0x10];
	[sflag:s6] =	ssyncadd.s32 $0xFFFFEC00  }
0x4b: {  	[spmem:s19] =	stream.linear.scatter [tilespmem:s5], [sflag:$0xA], $0x1400, $0x38;
	[tilespmem:$0x18240] =	vst v63  }
0x4c: {  	_ =	swait.ge [sflag:s6], $0x1400  }
0x4d: {  	[sflag:s6] =	ssyncset.done $0x0  }
0x4e: {  	s20 =	rddreg [dreg:$0x11];
	[sflag:s6] =	ssyncadd.s32 $0xFFFFEC00  }
0x4f: {  	[spmem:s20] =	stream.linear.scatter [tilespmem:s5], [sflag:$0xA], $0x1400, $0x38;
	[tilespmem:$0x18240] =	vst v63  }
0x50: {  	_ =	swait.ge [sflag:s6], $0x1400  }
0x51: {  	[sflag:s6] =	ssyncset.done $0x0  }
0x52: {  	[sflag:s6] =	ssyncadd.s32 $0xFFFFEC00  }
0x53: {  	[spmem:s21] =	stream.linear.scatter [tilespmem:s5], [sflag:$0xA], $0x1400, $0x38;
	[tilespmem:$0x18240] =	vst v63  }
0x54: {  	_ =	swait.ge [sflag:s6], $0x1400  }
0x55: {  	[sflag:s6] =	ssyncset.done $0x0  }
0x56: {  	[sflag:s6] =	ssyncadd.s32 $0xFFFFEC00  }
0x57: {  	_ =	swait.ge [sflag:s7], $0x2800  }
0x58: {  	[sflag:s7] =	ssyncset.done $0x0  }
0x59: {  	[sflag:s7] =	ssyncadd.s32 $0xFFFFD800  }
0x5a: {  	_ =	swait.ge [sflag:s7], $0x2800  }
0x5b: {  	[sflag:s7] =	ssyncset.done $0x0  }
0x5c: {  	[sflag:s7] =	ssyncadd.s32 $0xFFFFD800  }
0x5d: {  	s1 =	simm.s32 $0x0;
	[bflag:$0x0] =	sbarrier.arrive $0xFFFF  }
0x5e: {  	[tilespmem:s9], [sflag:$0x1] =	stream.indirect.gather [hbm4b:s4+s8], $0x40, s1, s8, $0xb8;
	[tilespmem:$0x18240] =	vst v63  }
0x5f: {  	_ = 	snop  }
0x60: {  	[tilespmem:s10], [sflag:$0x2] =	stream.indirect.gather [hbm4b:s4+s8], $0x40, s8, s8, $0xb8;
	[tilespmem:$0x18240] =	vst v63  }
0x61: {  	s19 =	simm.s32 $0x100  }
0x62: {  	[tilespmem:s11], [sflag:$0x3] =	stream.indirect.gather [hbm4b:s4+s8], $0x40, s19, s8, $0xb8;
	[tilespmem:$0x18240] =	vst v63  }
0x63: {  	s20 =	simm.s32 $0x180  }
0x64: {  	[tilespmem:s12], [sflag:$0x4] =	stream.indirect.gather [hbm4b:s4+s8], $0x40, s20, s8, $0xb8;
	[tilespmem:$0x18240] =	vst v63  }
0x65: {  	_ =	swait.ge [sflag:s13], $0x2000  }
0x66: {  	[sflag:s13] =	ssyncset.done $0x0  }
0x67: {  	s1 =	simm.s32 $0x2800;
	[sflag:s13] =	ssyncadd.s32 $0xFFFFE000  }
0x68: {  	[spmem:s2] =	stream.indirect.scatter.add.f32 [tilespmem:s9], [sflag:$0x5], $0x40, s1, s8, $0xb8;
	[tilespmem:$0x18240] =	vst v63  }
0x69: {  	_ =	swait.ge [sflag:s14], $0x2000  }
0x6a: {  	[sflag:s14] =	ssyncset.done $0x0  }
0x6b: {  	s19 =	simm.s32 $0x2880;
	[sflag:s14] =	ssyncadd.s32 $0xFFFFE000  }
0x6c: {  	[spmem:s2] =	stream.indirect.scatter.add.f32 [tilespmem:s10], [sflag:$0x6], $0x40, s19, s8, $0xb8;
	[tilespmem:$0x18240] =	vst v63  }
0x6d: {  	_ =	swait.ge [sflag:s15], $0x2000  }
0x6e: {  	[sflag:s15] =	ssyncset.done $0x0  }
0x6f: {  	s20 =	simm.s32 $0x2900;
	[sflag:s15] =	ssyncadd.s32 $0xFFFFE000  }
0x70: {  	[spmem:s2] =	stream.indirect.scatter.add.f32 [tilespmem:s11], [sflag:$0x7], $0x40, s20, s8, $0xb8;
	[tilespmem:$0x18240] =	vst v63  }
0x71: {  	_ =	swait.ge [sflag:s16], $0x2000  }
0x72: {  	[sflag:s16] =	ssyncset.done $0x0  }
0x73: {  	s0 =	simm.s32 $0x2980;
	[sflag:s16] =	ssyncadd.s32 $0xFFFFE000  }
0x74: {  	[spmem:s2] =	stream.indirect.scatter.add.f32 [tilespmem:s12], [sflag:$0x8], $0x40, s0, s8, $0xb8;
	[tilespmem:$0x18240] =	vst v63  }
0x75: {  	_ =	swait.ge [sflag:s22], $0x2000  }
0x76: {  	[sflag:s22] =	ssyncset.done $0x0  }
0x77: {  	s1 =	simm.s32 $0x200;
	[sflag:s22] =	ssyncadd.s32 $0xFFFFE000  }
0x78: {  	[tilespmem:s9], [sflag:$0x1] =	stream.indirect.gather [hbm4b:s4+s8], $0x40, s1, s8, $0xb8;
	[tilespmem:$0x18240] =	vst v63  }
0x79: {  	_ =	swait.ge [sflag:s23], $0x2000  }
0x7a: {  	[sflag:s23] =	ssyncset.done $0x0  }
0x7b: {  	s19 =	simm.s32 $0x280;
	[sflag:s23] =	ssyncadd.s32 $0xFFFFE000  }
0x7c: {  	[tilespmem:s10], [sflag:$0x2] =	stream.indirect.gather [hbm4b:s4+s8], $0x40, s19, s8, $0xb8;
	[tilespmem:$0x18240] =	vst v63  }
0x7d: {  	_ =	swait.ge [sflag:s24], $0x2000  }
0x7e: {  	[sflag:s24] =	ssyncset.done $0x0  }
0x7f: {  	s20 =	simm.s32 $0x300;
	[sflag:s24] =	ssyncadd.s32 $0xFFFFE000  }
0x80: {  	[tilespmem:s11], [sflag:$0x3] =	stream.indirect.gather [hbm4b:s4+s8], $0x40, s20, s8, $0xb8;
	[tilespmem:$0x18240] =	vst v63  }
0x81: {  	_ =	swait.ge [sflag:s25], $0x2000  }
0x82: {  	[sflag:s25] =	ssyncset.done $0x0  }
0x83: {  	s31 =	simm.s32 $0x380;
	s30 =	simm.s32 $0x800;
	[sflag:s25] =	ssyncadd.s32 $0xFFFFE000  }
.LBB2_4:
0x84: {  	[tilespmem:s12], [sflag:$0x4] =	stream.indirect.gather [hbm4b:s4+s8], $0x40, s31, s8, $0xb8;
	[tilespmem:$0x18240] =	vst v63  }
0x85: {  	s18 =	smov.u32 s30  }
0x86: {  	p1 =	sne.s32 s30, $0x9000;
	s30 =	sadd.s32 $0x800, s30;
	_ =	swait.ge [sflag:s13], $0x2000  }
0x87: {  	s31 =	sshra.s32 s18, $0x2;
	[sflag:s13] =	ssyncset.done $0x0  }
0x88: {  	s18 =	sadd.s32 $0x2800, s31;
	[sflag:s13] =	ssyncadd.s32 $0xFFFFE000  }
0x89: {  	[spmem:s2] =	stream.indirect.scatter.add.f32 [tilespmem:s9], [sflag:$0x5], $0x40, s18, s8, $0xb8;
	[tilespmem:$0x18240] =	vst v63  }
0x8a: {  	_ =	swait.ge [sflag:s14], $0x2000  }
0x8b: {  	[sflag:s14] =	ssyncset.done $0x0  }
0x8c: {  	s18 =	sadd.s32 $0x2880, s31;
	[sflag:s14] =	ssyncadd.s32 $0xFFFFE000  }
0x8d: {  	[spmem:s2] =	stream.indirect.scatter.add.f32 [tilespmem:s10], [sflag:$0x6], $0x40, s18, s8, $0xb8;
	[tilespmem:$0x18240] =	vst v63  }
0x8e: {  	_ =	swait.ge [sflag:s15], $0x2000  }
0x8f: {  	[sflag:s15] =	ssyncset.done $0x0  }
0x90: {  	s18 =	sadd.s32 $0x2900, s31;
	[sflag:s15] =	ssyncadd.s32 $0xFFFFE000  }
0x91: {  	[spmem:s2] =	stream.indirect.scatter.add.f32 [tilespmem:s11], [sflag:$0x7], $0x40, s18, s8, $0xb8;
	[tilespmem:$0x18240] =	vst v63  }
0x92: {  	_ =	swait.ge [sflag:s16], $0x2000  }
0x93: {  	[sflag:s16] =	ssyncset.done $0x0  }
0x94: {  	s18 =	sadd.s32 $0x2980, s31;
	[sflag:s16] =	ssyncadd.s32 $0xFFFFE000  }
0x95: {  	[spmem:s2] =	stream.indirect.scatter.add.f32 [tilespmem:s12], [sflag:$0x8], $0x40, s18, s8, $0xb8;
	[tilespmem:$0x18240] =	vst v63  }
0x96: {  	_ =	swait.ge [sflag:s22], $0x2000  }
0x97: {  	[sflag:s22] =	ssyncset.done $0x0  }
0x98: {  	s18 =	sadd.s32 $0x200, s31;
	[sflag:s22] =	ssyncadd.s32 $0xFFFFE000  }
0x99: {  	[tilespmem:s9], [sflag:$0x1] =	stream.indirect.gather [hbm4b:s4+s8], $0x40, s18, s8, $0xb8;
	[tilespmem:$0x18240] =	vst v63  }
0x9a: {  	_ =	swait.ge [sflag:s23], $0x2000  }
0x9b: {  	[sflag:s23] =	ssyncset.done $0x0  }
0x9c: {  	s18 =	sadd.s32 $0x280, s31;
	[sflag:s23] =	ssyncadd.s32 $0xFFFFE000  }
0x9d: {  	[tilespmem:s10], [sflag:$0x2] =	stream.indirect.gather [hbm4b:s4+s8], $0x40, s18, s8, $0xb8;
	[tilespmem:$0x18240] =	vst v63  }
0x9e: {  	_ =	swait.ge [sflag:s24], $0x2000  }
0x9f: {  	[sflag:s24] =	ssyncset.done $0x0  }
.Ltmp1:
0xa0: {  	s18 =	sadd.s32 $0x300, s31;
	[sflag:s24] =	ssyncadd.s32 $0xFFFFE000;
	(pc) =	sbr.rel @p1 .LBB2_4-.Ltmp1, $4  }
0xa1: {  	[tilespmem:s11], [sflag:$0x3] =	stream.indirect.gather [hbm4b:s4+s8], $0x40, s18, s8, $0xb8;
	[tilespmem:$0x18240] =	vst v63  }
0xa2: {  	_ =	swait.ge [sflag:s25], $0x2000  }
0xa3: {  	[sflag:s25] =	ssyncset.done $0x0  }
0xa4: {  	s31 =	sadd.s32 $0x380, s31;
	[sflag:s25] =	ssyncadd.s32 $0xFFFFE000  }
0xa5: {  	[tilespmem:s12], [sflag:$0x4] =	stream.indirect.gather [hbm4b:s4+s8], $0x40, s31, s8, $0xb8;
	[tilespmem:$0x18240] =	vst v63  }
0xa6: {  	_ =	swait.ge [sflag:s13], $0x2000  }
0xa7: {  	[sflag:s13] =	ssyncset.done $0x0  }
0xa8: {  	s0 =	simm.s32 $0x4E00;
	[sflag:s13] =	ssyncadd.s32 $0xFFFFE000  }
0xa9: {  	[spmem:s2] =	stream.indirect.scatter.add.f32 [tilespmem:s9], [sflag:$0x5], $0x40, s0, s8, $0xb8;
	[tilespmem:$0x18240] =	vst v63  }
0xaa: {  	_ =	swait.ge [sflag:s14], $0x2000  }
0xab: {  	[sflag:s14] =	ssyncset.done $0x0  }
0xac: {  	s19 =	simm.s32 $0x4E80;
	[sflag:s14] =	ssyncadd.s32 $0xFFFFE000  }
0xad: {  	[spmem:s2] =	stream.indirect.scatter.add.f32 [tilespmem:s10], [sflag:$0x6], $0x40, s19, s8, $0xb8;
	[tilespmem:$0x18240] =	vst v63  }
0xae: {  	_ =	swait.ge [sflag:s15], $0x2000  }
0xaf: {  	[sflag:s15] =	ssyncset.done $0x0  }
0xb0: {  	s20 =	simm.s32 $0x4F00;
	[sflag:s15] =	ssyncadd.s32 $0xFFFFE000  }
0xb1: {  	[spmem:s2] =	stream.indirect.scatter.add.f32 [tilespmem:s11], [sflag:$0x7], $0x40, s20, s8, $0xb8;
	[tilespmem:$0x18240] =	vst v63  }
0xb2: {  	_ =	swait.ge [sflag:s16], $0x2000  }
0xb3: {  	[sflag:s16] =	ssyncset.done $0x0  }
0xb4: {  	s30 =	simm.s32 $0x4F80;
	[sflag:s16] =	ssyncadd.s32 $0xFFFFE000  }
0xb5: {  	[spmem:s2] =	stream.indirect.scatter.add.f32 [tilespmem:s12], [sflag:$0x8], $0x40, s30, s8, $0xb8;
	[tilespmem:$0x18240] =	vst v63  }
0xb6: {  	_ =	swait.ge [sflag:s22], $0x2000  }
0xb7: {  	[sflag:s22] =	ssyncset.done $0x0  }
0xb8: {  	[sflag:s22] =	ssyncadd.s32 $0xFFFFE000  }
0xb9: {  	_ =	swait.ge [sflag:s23], $0x2000  }
0xba: {  	[sflag:s23] =	ssyncset.done $0x0  }
0xbb: {  	[sflag:s23] =	ssyncadd.s32 $0xFFFFE000  }
0xbc: {  	_ =	swait.ge [sflag:s24], $0x2000  }
0xbd: {  	[sflag:s24] =	ssyncset.done $0x0  }
0xbe: {  	[sflag:s24] =	ssyncadd.s32 $0xFFFFE000  }
0xbf: {  	_ =	swait.ge [sflag:s25], $0x2000  }
0xc0: {  	[sflag:s25] =	ssyncset.done $0x0  }
0xc1: {  	[sflag:s25] =	ssyncadd.s32 $0xFFFFE000  }
0xc2: {  	s18 =	simm.s32 @p0 $0x5000;
	s30 =	simm.s32 @p0 $0xA;
	[bflag:$0x0] =	sbarrier.arrive $0xFFFF  }
0xc3: {  	[tilespmem:s18], [sflag:$0xA] =	stream.linear.gather @p0 [spmem:s28], $0x2000, $0x38;
	[tilespmem:$0x18240] =	vst v63  }
0xc4: {  	_ =	swait.ge @p0 [sflag:s30], $0x2000  }
0xc5: {  	[sflag:s30] =	ssyncset.done @p0 $0x0  }
0xc6: {  	s31 =	simm.s32 @p0 $0x0;
	s0 =	rddreg [dreg:$0x12];
	[sflag:s30] =	ssyncadd.s32 @p0 $0xFFFFE000  }
0xc7: {  	[hbm4b:s0+s31] =	stream.linear.scatter @p0 [tilespmem:s18], [sflag:$0x1], $0x2000, $0x38;
	[tilespmem:$0x18240] =	vst v63  }
0xc8: {  	s1 =	rddreg [dreg:$0x17];
	s0 =	simm.s32 @p0 $0x7000  }
0xc9: {  	[tilespmem:s0], [sflag:$0xA] =	stream.linear.gather @p0 [spmem:s1], $0x2000, $0x38;
	[tilespmem:$0x18240] =	vst v63  }
0xca: {  	_ =	swait.ge @p0 [sflag:s30], $0x2000  }
0xcb: {  	[sflag:s30] =	ssyncset.done @p0 $0x0  }
0xcc: {  	s1 =	rddreg [dreg:$0x13];
	[sflag:s30] =	ssyncadd.s32 @p0 $0xFFFFE000  }
0xcd: {  	[hbm4b:s1+s31] =	stream.linear.scatter @p0 [tilespmem:s0], [sflag:$0x2], $0x2000, $0x38;
	[tilespmem:$0x18240] =	vst v63  }
0xce: {  	s0 =	simm.s32 @p0 $0x1  }
0xcf: {  	_ =	swait.ge @p0 [sflag:s0], $0x2000  }
0xd0: {  	[sflag:s0] =	ssyncset.done @p0 $0x0  }
0xd1: {  	s1 =	rddreg [dreg:$0x18];
	[sflag:s0] =	ssyncadd.s32 @p0 $0xFFFFE000  }
0xd2: {  	[tilespmem:s18], [sflag:$0xA] =	stream.linear.gather @p0 [spmem:s1], $0x2000, $0x38;
	[tilespmem:$0x18240] =	vst v63  }
0xd3: {  	_ =	swait.ge @p0 [sflag:s30], $0x2000  }
0xd4: {  	[sflag:s30] =	ssyncset.done @p0 $0x0  }
0xd5: {  	s1 =	rddreg [dreg:$0x14];
	[sflag:s30] =	ssyncadd.s32 @p0 $0xFFFFE000  }
0xd6: {  	[hbm4b:s1+s31] =	stream.linear.scatter @p0 [tilespmem:s18], [sflag:$0x1], $0x2000, $0x38;
	[tilespmem:$0x18240] =	vst v63  }
0xd7: {  	s18 =	simm.s32 @p0 $0x9000;
	s1 =	rddreg [dreg:$0x19]  }
0xd8: {  	[tilespmem:s18], [sflag:$0xA] =	stream.linear.gather @p0 [spmem:s1], $0x400, $0x38;
	[tilespmem:$0x18240] =	vst v63  }
0xd9: {  	_ =	swait.ge @p0 [sflag:s30], $0x400  }
0xda: {  	[sflag:s30] =	ssyncset.done @p0 $0x0  }
0xdb: {  	s1 =	rddreg [dreg:$0x15];
	[sflag:s30] =	ssyncadd.s32 @p0 $0xFFFFFC00  }
0xdc: {  	[hbm4b:s1+s31] =	stream.linear.scatter @p0 [tilespmem:s18], [sflag:$0x3], $0x400, $0x38;
	[tilespmem:$0x18240] =	vst v63  }
0xdd: {  	s18 =	simm.s32 @p0 $0x2  }
0xde: {  	_ =	swait.ge @p0 [sflag:s18], $0x2000  }
0xdf: {  	[sflag:s18] =	ssyncset.done @p0 $0x0  }
0xe0: {  	[sflag:s18] =	ssyncadd.s32 @p0 $0xFFFFE000  }
0xe1: {  	_ =	swait.ge @p0 [sflag:s0], $0x2000  }
0xe2: {  	[sflag:s0] =	ssyncset.done @p0 $0x0  }
0xe3: {  	[sflag:s0] =	ssyncadd.s32 @p0 $0xFFFFE000;
	s0 =	simm.s32 @p0 $0x3  }
0xe4: {  	_ =	swait.ge @p0 [sflag:s0], $0x400  }
0xe5: {  	s18 =	simm.s32 @!p0 $0xA;
	[sflag:s0] =	ssyncset.done @p0 $0x0  }
0xe6: {  	s1 =	rddreg [dreg:$0x5];
	[sflag:s0] =	ssyncadd.s32 @p0 $0xFFFFFC00;
	s0 =	simm.s32 @!p0 $0x5000  }
0xe7: {  	[tilespmem:s0], [sflag:$0xA] =	stream.linear.gather @!p0 [spmem:s1], $0x2000, $0x38;
	[tilespmem:$0x18240] =	vst v63  }
0xe8: {  	_ =	swait.ge @!p0 [sflag:s18], $0x2000  }
0xe9: {  	[sflag:s18] =	ssyncset.done @!p0 $0x0  }
0xea: {  	s30 =	simm.s32 @!p0 $0x0;
	s1 =	rddreg [dreg:$0x6];
	[sflag:s18] =	ssyncadd.s32 @!p0 $0xFFFFE000  }
0xeb: {  	[hbm4b:s1+s30] =	stream.linear.scatter @!p0 [tilespmem:s0], [sflag:$0x1], $0x2000, $0x38;
	[tilespmem:$0x18240] =	vst v63  }
0xec: {  	s31 =	simm.s32 @!p0 $0x7000;
	s1 =	rddreg [dreg:$0x7]  }
0xed: {  	[tilespmem:s31], [sflag:$0xA] =	stream.linear.gather @!p0 [spmem:s1], $0x2000, $0x38;
	[tilespmem:$0x18240] =	vst v63  }
0xee: {  	_ =	swait.ge @!p0 [sflag:s18], $0x2000  }
0xef: {  	[sflag:s18] =	ssyncset.done @!p0 $0x0  }
0xf0: {  	s19 =	simm.s32 @!p0 $0x1;
	s1 =	rddreg [dreg:$0x8];
	[sflag:s18] =	ssyncadd.s32 @!p0 $0xFFFFE000  }
0xf1: {  	[hbm4b:s1+s30] =	stream.linear.scatter @!p0 [tilespmem:s31], [sflag:$0x2], $0x2000, $0x38;
	[tilespmem:$0x18240] =	vst v63  }
0xf2: {  	_ =	swait.ge @!p0 [sflag:s19], $0x2000  }
0xf3: {  	[sflag:s19] =	ssyncset.done @!p0 $0x0  }
0xf4: {  	s1 =	rddreg [dreg:$0x9];
	[sflag:s19] =	ssyncadd.s32 @!p0 $0xFFFFE000  }
0xf5: {  	[tilespmem:s0], [sflag:$0xA] =	stream.linear.gather @!p0 [spmem:s1], $0x2000, $0x38;
	[tilespmem:$0x18240] =	vst v63  }
0xf6: {  	_ =	swait.ge @!p0 [sflag:s18], $0x2000  }
0xf7: {  	[sflag:s18] =	ssyncset.done @!p0 $0x0  }
0xf8: {  	s1 =	rddreg [dreg:$0xa];
	[sflag:s18] =	ssyncadd.s32 @!p0 $0xFFFFE000  }
0xf9: {  	[hbm4b:s1+s30] =	stream.linear.scatter @!p0 [tilespmem:s0], [sflag:$0x1], $0x2000, $0x38;
	[tilespmem:$0x18240] =	vst v63  }
0xfa: {  	s1 =	simm.s32 @!p0 $0x2  }
0xfb: {  	_ =	swait.ge @!p0 [sflag:s1], $0x2000  }
0xfc: {  	[sflag:s1] =	ssyncset.done @!p0 $0x0  }
0xfd: {  	s20 =	rddreg [dreg:$0xb];
	[sflag:s1] =	ssyncadd.s32 @!p0 $0xFFFFE000  }
0xfe: {  	[tilespmem:s31], [sflag:$0xA] =	stream.linear.gather @!p0 [spmem:s20], $0x2000, $0x38;
	[tilespmem:$0x18240] =	vst v63  }
0xff: {  	_ =	swait.ge @!p0 [sflag:s18], $0x2000  }
0x100: {  	[sflag:s18] =	ssyncset.done @!p0 $0x0  }
0x101: {  	s20 =	rddreg [dreg:$0xc];
	[sflag:s18] =	ssyncadd.s32 @!p0 $0xFFFFE000  }
0x102: {  	[hbm4b:s20+s30] =	stream.linear.scatter @!p0 [tilespmem:s31], [sflag:$0x2], $0x2000, $0x38;
	[tilespmem:$0x18240] =	vst v63  }
0x103: {  	_ =	swait.ge @!p0 [sflag:s19], $0x2000  }
0x104: {  	[sflag:s19] =	ssyncset.done @!p0 $0x0  }
0x105: {  	s20 =	rddreg [dreg:$0xd];
	[sflag:s19] =	ssyncadd.s32 @!p0 $0xFFFFE000  }
0x106: {  	[tilespmem:s0], [sflag:$0xA] =	stream.linear.gather @!p0 [spmem:s20], $0x2000, $0x38;
	[tilespmem:$0x18240] =	vst v63  }
0x107: {  	_ =	swait.ge @!p0 [sflag:s18], $0x2000  }
0x108: {  	[sflag:s18] =	ssyncset.done @!p0 $0x0  }
0x109: {  	[sflag:s18] =	ssyncadd.s32 @!p0 $0xFFFFE000;
	s18 =	rddreg [dreg:$0xe]  }
0x10a: {  	[hbm4b:s18+s30] =	stream.linear.scatter @!p0 [tilespmem:s0], [sflag:$0x1], $0x2000, $0x38;
	[tilespmem:$0x18240] =	vst v63  }
0x10b: {  	_ =	swait.ge @!p0 [sflag:s1], $0x2000  }
0x10c: {  	[sflag:s1] =	ssyncset.done @!p0 $0x0  }
0x10d: {  	[sflag:s1] =	ssyncadd.s32 @!p0 $0xFFFFE000  }
0x10e: {  	_ =	swait.ge @!p0 [sflag:s19], $0x2000  }
0x10f: {  	s26 =	sadd.s32 $0x1, s26;
	s31 =	rddreg [dreg:$0x16]  }
0x110: {  	p1 =	sne.s32 s26, s31  }
.Ltmp2:
0x111: {  	_ = 	snop;
	(pc) =	sbr.rel @p1 .LBB2_1-.Ltmp2, $3  }
0x112: {  	_ =	sdelay $0x1  }
0x113: {  	[sflag:s19] =	ssyncset.done @!p0 $0x0  }
0x114: {  	[sflag:s19] =	ssyncadd.s32 @!p0 $0xFFFFE000  }
0x115: {  	_ =	sfence.sel $0x180000  }
0x116: {  	[bflag:$0x0] =	sbarrier.arrive $0xFFFF  }
0x117: {  	_ =	strace $0x9000004A  }
0x118: {  	s0 =	stileid.u32;
	[bflag:$0x2] =	sbarrier.arrive $0xFFFF  }
0x119: {  	p0 =	sne.s32 s0, $0x0;
	s0 =	rddreg [dreg:$0x2]  }
0x11a: {  	s0 =	sadd.s32 @!p0 $0x100000, s0  }
0x11b: {  	[sflag:s0] =	ssyncadd.tile.s32 @!p0 $0x1;
	_ =	shalt  }
.Lfunc_end2:
_tile_overlayer_lowered:
.L_overlay_start_2:
0x11c: {  	(tag) =	ssettag $0x2  }
0x11d: {  	s0 =	rddreg [dreg:$0x0];
	s2 =	stileid.u32  }
0x11e: {  	s1 =	rddreg [dreg:$0x1];
	p0 =	sne.s32 s2, $0x0  }
0x11f: {  	s3 =	rddreg [dreg:$0x2];
	[bflag:$0x3] =	sbarrier.arrive $0xFFFF;
	s2 =	simm.s32 @!p0 $0x1C0A  }
0x120: {  	[timem:s3], [sflag:s2] =	dma.local @!p0 [hbm:s0], s1  }
0x121: {  	s0 =	simm.s32 @!p0 $0xA  }
0x122: {  	_ =	swait.ge @!p0 [sflag:s0], s1  }
0x123: {  	s1 =	ssub.s32 @!p0 $0x0, s1;
	[sflag:s0] =	ssyncset.done @!p0 $0x0  }
0x124: {  	[sflag:s0] =	ssyncadd.s32 @!p0 s1  }
0x125: {  	[bflag:$0x3] =	sbarrier.arrive $0xFFFF  }
0x126: {  	_ =	shalt  }

// kernel: kernel.14.cloned.1.call-start
scs
__scs_entry_jumppad:
0x0: {  	(pc) =	sbr.rel $0x88, $3  }
0x1: {  	(tag) =	ssettag $0x0;
	lr =	simm.s32 $0x1  }
0x2: {  	[smem:$0x3F99] =	sst lr;
	_ =	strace $0xD0000000  }
0x3: {  	_ = 	snop  }
0x4: {  	_ = 	snop  }
0x5: {  	_ = 	snop  }
0x6: {  	_ = 	snop  }
0x7: {  	_ = 	snop  }
__scs_overlays_trampoline_lowered:
0x8: {  	[smem:$0x3FA8] =	sst s0  }
0x9: {  	[smem:$0x3FA9] =	sst s1  }
0xa: {  	[smem:$0x3FAA] =	sst s2  }
0xb: {  	[smem:$0x3FAB] =	sst s3  }
0xc: {  	[smem:$0x3FAC] =	sst s4  }
0xd: {  	[smem:$0x3FAD] =	sst s5  }
0xe: {  	[smem:$0x3FAE] =	sst s6  }
0xf: {  	[smem:$0x3FAF] =	sst s7  }
0x10: {  	[smem:$0x3FB0] =	sst s8  }
0x11: {  	[smem:$0x3FB1] =	sst s9;
	s0 =	simm.s32 @!p0 $0x0  }
0x12: {  	s1 =	sld [smem:$0x3F97];
	s0 =	simm.s32 @p0 $0x1  }
0x13: {  	[smem:$0x3FB2] =	sst s0;
	s0 =	simm.s32 @!p1 $0x0  }
0x14: {  	s2 =	sld [smem:$0x3F96];
	s0 =	simm.s32 @p1 $0x1  }
0x15: {  	[smem:$0x3FB3] =	sst s0;
	s0 =	simm.s32 @!p2 $0x0  }
0x16: {  	s3 =	sld [smem:$0x3FDB];
	s0 =	simm.s32 @p2 $0x1  }
0x17: {  	s4 =	simm.s32 $0x1BF5;
	[smem:$0x3FB5] =	sst s0  }
0x18: {  	s0 =	sld [smem:$0x3F98];
	_ =	swait.ge [sflag:s4], $0x0  }
0x19: {  	s7 =	sld [smem:$0x3F99]  }
0x1a: {  	s8 =	sadd.s32 $0xFFFFE003, lr  }
0x1b: {  	s9 =	sadd.s32 $0xFFFFFEF7, lr;
	s5 =	simm.s32 $0xFFFFFFFF;
	p2 =	slt.u32 s8, $0xFFFFF086  }
0x1c: {  	p1 =	slt.u32 s9, $0xF7A;
	s5 =	simm.s32 @!p2 $0x0  }
0x1d: {  	s5 =	simm.s32 @p1 $0x1;
	p0 =	seq.s32 s7, s2  }
0x1e: {  	s7 =	smul.u32 @!p0 $0xF7A, s2;
	p2 =	seq.s32 @!p0 s5, $0x0  }
0x1f: {  	s9 =	smul.u32 $0xF7A, s1;
	s8 =	simm.s32 @!p0 $0x1BF5;
	p2 =	por !p2, p0  }
0x20: {  	[sflag:s8] =	ssyncset.s32 @!p0 $0xFFFFF086;
	s6 =	sadd.s32 @!p0 s3, s7;
	s7 =	simm.s32 @!p0 $0x108  }
0x21: {  	s3 =	sadd.s32 s3, s9;
	s6 =	sadd.s32 @!p0 $0x88, s6;
	s7 =	simm.s32 @p2 $0x1082  }
0x22: {  	[simem:s7], [sflag:s8] =	dma.local @!p0 [hbm:s6], $0xF7A  }
0x23: {  	s9 =	sor.u32 $0xD0000000, s2;
	s6 =	simm.s32 $0x108;
	_ =	swait.ge @!p0 [sflag:s8], $0x0  }
0x24: {  	s3 =	sadd.s32 $0x88, s3;
	s6 =	simm.s32 @!p1 $0x1082;
	[sflag:s4] =	ssyncset.s32 $0xFFFFF086  }
0x25: {  	[simem:s6], [sflag:s4] =	dma.local [hbm:s3], $0xF7A  }
0x26: {  	[smem:$0x3F99] =	sst s1;
	(tag) =	ssettag s2;
	_ =	strace s9  }
0x27: {  	s1 =	sld [smem:$0x3FA9]  }
0x28: {  	s2 =	sld [smem:$0x3FAA]  }
0x29: {  	s4 =	sld [smem:$0x3FAC]  }
0x2a: {  	p0 =	seq.s32 s5, $0x0;
	s5 =	sld [smem:$0x3FAD]  }
0x2b: {  	s6 =	sld [smem:$0x3FAE]  }
0x2c: {  	s7 =	sld [smem:$0x3FAF]  }
0x2d: {  	s3 =	simm.s32 $0x108;
	s8 =	sld [smem:$0x3FB0]  }
0x2e: {  	s3 =	simm.s32 @!p0 $0x1082;
	s9 =	sld [smem:$0x3FB1]  }
0x2f: {  	lr =	sadd.s32 s0, s3;
	s0 =	sld [smem:$0x3FA8]  }
0x30: {  	s3 =	sld [smem:$0x3FAB]  }
0x31: {  	[smem:$0x3FB4] =	sst s10  }
0x32: {  	s10 =	sld [smem:$0x3FB2];
	_ =	sdelay $0x3  }
0x33: {  	p0 =	seq.s32 s10, $0x1;
	s10 =	sld [smem:$0x3FB4];
	_ =	sdelay $0x3  }
0x34: {  	[smem:$0x3FB4] =	sst s10  }
0x35: {  	s10 =	sld [smem:$0x3FB3];
	_ =	sdelay $0x3  }
0x36: {  	p1 =	seq.s32 s10, $0x1;
	s10 =	sld [smem:$0x3FB4];
	_ =	sdelay $0x3  }
0x37: {  	[smem:$0x3FB4] =	sst s10  }
0x38: {  	s10 =	sld [smem:$0x3FB5]  }
0x39: {  	_ = 	snop;
	(pc) =	sbr.ind lr, $3  }
0x3a: {  	_ = 	snop  }
0x3b: {  	_ = 	snop  }
0x3c: {  	p2 =	seq.s32 s10, $0x1;
	s10 =	sld [smem:$0x3FB4]  }
0x3d: {  	_ =	shalt  }
0x3e: {  	_ =	shalt  }
0x3f: {  	_ =	shalt  }
0x40: {  	_ =	shalt  }
0x41: {  	_ =	shalt  }
0x42: {  	_ =	shalt  }
0x43: {  	_ =	shalt  }
0x44: {  	_ =	shalt  }
0x45: {  	_ =	shalt  }
0x46: {  	_ =	shalt  }
0x47: {  	_ =	shalt  }
0x48: {  	_ =	shalt  }
0x49: {  	_ =	shalt  }
0x4a: {  	_ =	shalt  }
0x4b: {  	_ =	shalt  }
0x4c: {  	_ =	shalt  }
0x4d: {  	_ =	shalt  }
0x4e: {  	_ =	shalt  }
0x4f: {  	_ =	shalt  }
0x50: {  	_ =	shalt  }
0x51: {  	_ =	shalt  }
0x52: {  	_ =	shalt  }
0x53: {  	_ =	shalt  }
0x54: {  	_ =	shalt  }
0x55: {  	_ =	shalt  }
0x56: {  	_ =	shalt  }
0x57: {  	_ =	shalt  }
0x58: {  	_ =	shalt  }
0x59: {  	_ =	shalt  }
0x5a: {  	_ =	shalt  }
0x5b: {  	_ =	shalt  }
0x5c: {  	_ =	shalt  }
0x5d: {  	_ =	shalt  }
0x5e: {  	_ =	shalt  }
0x5f: {  	_ =	shalt  }
0x60: {  	_ =	shalt  }
0x61: {  	_ =	shalt  }
0x62: {  	_ =	shalt  }
0x63: {  	_ =	shalt  }
0x64: {  	_ =	shalt  }
0x65: {  	_ =	shalt  }
0x66: {  	_ =	shalt  }
0x67: {  	_ =	shalt  }
0x68: {  	_ =	shalt  }
0x69: {  	_ =	shalt  }
0x6a: {  	_ =	shalt  }
0x6b: {  	_ =	shalt  }
0x6c: {  	_ =	shalt  }
0x6d: {  	_ =	shalt  }
0x6e: {  	_ =	shalt  }
0x6f: {  	_ =	shalt  }
0x70: {  	_ =	shalt  }
0x71: {  	_ =	shalt  }
0x72: {  	_ =	shalt  }
0x73: {  	_ =	shalt  }
0x74: {  	_ =	shalt  }
0x75: {  	_ =	shalt  }
0x76: {  	_ =	shalt  }
0x77: {  	_ =	shalt  }
0x78: {  	_ =	shalt  }
0x79: {  	_ =	shalt  }
0x7a: {  	_ =	shalt  }
0x7b: {  	_ =	shalt  }
0x7c: {  	_ =	shalt  }
0x7d: {  	_ =	shalt  }
0x7e: {  	_ =	shalt  }
0x7f: {  	_ =	shalt  }
0x80: {  	_ =	shalt  }
0x81: {  	_ =	shalt  }
0x82: {  	_ =	shalt  }
0x83: {  	_ =	shalt  }
0x84: {  	_ =	shalt  }
0x85: {  	_ =	shalt  }
0x86: {  	_ =	shalt  }
0x87: {  	_ =	shalt  }
.Lfunc_end0:
.L_simem_size_0:
called_computation.2_lowered:
.L_overlay_start_0:
0x88: {  	s2 =	sld [smem:$0x3FD9]  }
0x89: {  	s3 =	sld [smem:$0x3FFE];
	_ =	sdelay $0x1  }
0x8a: {  	s1 =	srdreg.scid  }
0x8b: {  	s0 =	sand.u32 $0x1, s1  }
0x8c: {  	s16 =	sshll.u32 s0, $0xA;
	s2 =	sadd.s32 s3, s2  }
0x8d: {  	s2 =	sadd.s32 s2, s16  }
0x8e: {  	[smem:$0x3FC0] =	sst s2  }
0x8f: {  	_ = 	snop  }
0x90: {  	(tm) =	ssettm $0x1  }
0x91: {  	s17 =	sld [smem:$0x3FFB];
	_ =	sdelay $0x3  }
0x92: {  	_ =	strace s17  }
0x93: {  	s2 =	sld [smem:$0x3FFC];
	_ =	sdelay $0x3  }
0x94: {  	_ =	strace s2  }
0x95: {  	s2 =	sld [smem:$0x3FFD];
	_ =	sdelay $0x3  }
0x96: {  	_ =	strace s2  }
0x97: {  	_ =	strace $0x8FFFFFFF  }
0x98: {  	s18 =	sld [smem:$0x3FDB];
	_ =	sdelay $0x1  }
0x99: {  	s19 =	simm.s32 $_scs_section_size  }
0x9a: {  	s4 =	simm.s32 $_size__tile_overlayer_lowered;
	s5 =	simm.s32 $_tile_overlayer_lowered  }
0x9b: {  	s22 =	simm.s32 $0x1BFF;
	s21 =	sshll.u32 s5, $0x1;
	s2 =	sadd.s32 s19, s18  }
0x9c: {  	s6 =	simm.s32 $0x0;
	s20 =	sshll.u32 s4, $0x1;
	s4 =	sadd.s32 s21, s2  }
0x9d: {  	[timem:s6], [sflag:s22] =	dma.local [hbm:s4], s20  }
0x9e: {  	_ =	swait.ge [sflag:s22], s20  }
0x9f: {  	s3 =	ssub.s32 $0x0, s20;
	[sflag:s22] =	ssyncset.done $0x0  }
0xa0: {  	[sflag:s22] =	ssyncadd.s32 s3;
	_ =	sdelay $0x1  }
0xa1: {  	s23 =	simm.s32 $0x1B8B  }
0xa2: {  	_ =	swait.ge [sflag:s23], $0x1  }
0xa3: {  	[sflag:s23] =	ssyncset.done $0x0  }
0xa4: {  	s25 =	simm.s32 $0x1B8E;
	s24 =	sld [smem:$0x3FFE];
	[sflag:s23] =	ssyncadd.s32 $0xFFFFFFFF  }
0xa5: {  	s26 =	simm.s32 $execute0_lowered;
	[smem:$0x3FD2] =	sst s25  }
0xa6: {  	s4 =	sshll.u32 s26, $0x1;
	_ =	strace $0x8000004C;
	[dreg:$0x1] =	wrdreg $0xFFFFFFFF  }
0xa7: {  	s28 =	simm.s32 $_size_execute0_lowered;
	s2 =	sadd.s32 s2, s4;
	[dreg:$0x0] =	wrdreg $0x0  }
0xa8: {  	s4 =	sshll.u32 s28, $0x1;
	[dreg:$0x2] =	wrdreg s2  }
0xa9: {  	[dreg:$0x3] =	wrdreg s4  }
0xaa: {  	[dreg:$0x4] =	wrdreg $0xC0  }
0xab: {  	_ =	task [dreg:s6], $0x5FFFF  }
0xac: {  	[dreg:$0x1] =	wrdreg $0xFFFFFFFF  }
0xad: {  	[dreg:$0x0] =	wrdreg $0x60  }
0xae: {  	[dreg:$0x2] =	wrdreg s24  }
0xaf: {  	[dreg:$0x3] =	wrdreg $0xE4000  }
0xb0: {  	[dreg:$0x4] =	wrdreg $0x9  }
0xb1: {  	_ =	task.clear_ibuf [dreg:s6], $0x5FFFF;
	_ =	strace $0x9000004C  }
0xb2: {  	s29 =	simm.s32 $0x9;
	_ =	strace $0x8000004E  }
0xb3: {  	_ =	swait.ge [sflag:s29], $0x1  }
0xb4: {  	[sflag:s29] =	ssyncadd.s32 $0xFFFFFFFF  }
0xb5: {  	_ =	strace $0x9000004E  }
0xb6: {  	_ =	sfence  }
0xb7: {  	s30 =	sld [smem:$0x0];
	_ =	sdelay $0x2  }
0xb8: {  	s31 =	sshll.u32 s1, $0xD;
	s1 =	sshrl.u32 s1, $0x2  }
0xb9: {  	s3 =	sand.u32 $0x4000, s31;
	s1 =	sadd.s32 s1, s30  }
0xba: {  	s0 =	sor.u32 s3, s0;
	s1 =	sshll.u32 s1, $0x11  }
0xbb: {  	s0 =	sor.u32 s1, s0  }
0xbc: {  	s0 =	sadd.s32 $0x8F2B, s0  }
0xbd: {  	[sflag:s0] =	ssyncadd.remote.s32 $0x1  }
0xbe: {  	_ =	sfence.sel $0xFFFF  }
0xbf: {  	[dreg:$0x0] =	wrdreg $0xFFFFFFFF;
	(pc) =	sbr.abs _section_cstart, $3  }
0xc0: {  	[dreg:$0x1] =	wrdreg $0xFFFFFFFF  }
0xc1: {  	_ =	task.clear_ibuf [dreg:s6], $0x2FFFF;
	_ =	strace $0x9FFFFFFF  }
0xc2: {  	(tm) =	ssettm $0x7FFFFFFF  }
0xc3: {  	_ =	shalt  }
tec
execute0_lowered:
.L_overlay_start_1:
0x0: {  	(tag) =	ssettag $0x1  }
0x1: {  	s1 =	rddreg [dreg:$0x0]  }
0x2: {  	s0 =	srdreg.scid;
	s2 =	rddreg [dreg:$0x1]  }
0x3: {  	s9 =	stileid.u32;
	s4 =	simm.s32 $0x0;
	s0 =	sand.u32 $0x1, s0  }
0x4: {  	[smem:$0x7FF] =	sst s4;
	s6 =	smul.u32 $0xA000, s9;
	s4 =	sadd.s32 $0x15C00, s1  }
0x5: {  	s17 =	smul.u32 $0x28000, s9;
	p0 =	seq.s32 s9, $0xF;
	s28 =	sadd.s32 $0x96000, s2  }
0x6: {  	s25 =	sadd.s32 $0x98000, s2;
	s26 =	sadd.s32 $0x9A000, s2;
	s30 =	sadd.s32 $0x9C000, s2  }
0x7: {  	s3 =	sshll.u32 s0, $0x4;
	_ =	strace $0x8000004D;
	[dreg:$0x17] =	wrdreg s25  }
0x8: {  	s5 =	ssub.s32 $0x2, s0;
	s0 =	smul.u32 $0x9C400, s0;
	[dreg:$0x18] =	wrdreg s26  }
0x9: {  	[dreg:$0x19] =	wrdreg s30;
	s25 =	simm.s32 $0x8;
	s26 =	simm.s32 $0x0  }
0xa: {  	s3 =	sor.u32 s9, s3;
	s7 =	sshrl.u32 s5, $0x1;
	s10 =	sadd.s32 s6, s2  }
0xb: {  	s11 =	sadd.s32 $0x2000, s6;
	s15 =	sadd.s32 $0x6000, s6;
	s19 =	sshrl.u32 s17, $0x2  }
0xc: {  	s9 =	simm.s32 $0x5000;
	s3 =	smul.u32 $0x500, s3;
	s5 =	ssub.s32 s5, s7  }
0xd: {  	s8 =	sadd.s32 s6, s0;
	[dreg:$0x5] =	wrdreg s10;
	s12 =	sadd.s32 s0, s11  }
0xe: {  	s7 =	sadd.s32 s11, s2;
	s16 =	sadd.s32 s0, s15;
	s17 =	sadd.s32 s19, s2  }
0xf: {  	s10 =	simm.s32 $0x7000;
	s11 =	simm.s32 $0x9000;
	[dreg:$0x7] =	wrdreg s7  }
0x10: {  	s7 =	sadd.s32 s15, s2;
	s21 =	sadd.s32 $0x8C00, s17;
	s24 =	smax.u32 s5, $0x1  }
0x11: {  	s29 =	sadd.s32 $0x3C00, s17;
	s5 =	simm.s32 $0xD000;
	s15 =	simm.s32 $0x3  }
0x12: {  	s3 =	sadd.s32 s3, s1;
	s1 =	sadd.s32 $0x29600, s1;
	[dreg:$0xb] =	wrdreg s7  }
0x13: {  	s7 =	sadd.s32 $0x6400, s17;
	[dreg:$0x16] =	wrdreg s24;
	s31 =	sadd.s32 $0xBC00, s3  }
0x14: {  	s29 =	smov.u32 @p0 s28;
	s3 =	sadd.s32 $0x1C00, s3;
	[dreg:$0x3] =	wrdreg s31  }
0x15: {  	[dreg:$0x4] =	wrdreg s3;
	s3 =	sshrl.u32 s8, $0x3;
	s8 =	sadd.s32 $0x4000, s6  }
0x16: {  	s6 =	sadd.s32 $0x8000, s6;
	s31 =	sadd.s32 $0x1400, s17;
	s3 =	sadd.s32 s1, s3  }
0x17: {  	s13 =	sadd.s32 s0, s8;
	s8 =	sadd.s32 s8, s2;
	[dreg:$0x1a] =	wrdreg s31  }
0x18: {  	s18 =	sadd.s32 s0, s6;
	s6 =	sadd.s32 s6, s2;
	[dreg:$0x6] =	wrdreg s3  }
0x19: {  	s0 =	sshrl.u32 s0, $0x3;
	s3 =	sshrl.u32 s12, $0x3;
	[dreg:$0x9] =	wrdreg s8  }
0x1a: {  	[dreg:$0xd] =	wrdreg s6;
	s0 =	sadd.s32 s1, s0;
	s3 =	sadd.s32 s1, s3  }
0x1b: {  	s24 =	simm.s32 $0x7;
	s20 =	sadd.s32 $0x12C00, s0;
	[dreg:$0x8] =	wrdreg s3  }
0x1c: {  	s14 =	sshrl.u32 s13, $0x3;
	s22 =	sadd.s32 $0x13000, s0;
	[dreg:$0x12] =	wrdreg s20  }
0x1d: {  	s6 =	sadd.s32 $0x5000, s17;
	s23 =	sadd.s32 $0x13400, s0;
	[dreg:$0x13] =	wrdreg s22  }
0x1e: {  	s8 =	sadd.s32 $0x7800, s17;
	s0 =	sadd.s32 $0x13800, s0;
	[dreg:$0x14] =	wrdreg s23  }
0x1f: {  	s12 =	simm.s32 $0xB000;
	s3 =	sadd.s32 s1, s14;
	[dreg:$0x15] =	wrdreg s0  }
0x20: {  	s13 =	simm.s32 $0x1;
	[dreg:$0xa] =	wrdreg s3;
	s3 =	sshrl.u32 s16, $0x3  }
0x21: {  	s14 =	simm.s32 $0x2;
	s22 =	simm.s32 $0x5;
	s3 =	sadd.s32 s1, s3  }
0x22: {  	s23 =	simm.s32 $0x6;
	[dreg:$0xc] =	wrdreg s3;
	s3 =	sshrl.u32 s18, $0x3  }
0x23: {  	s16 =	simm.s32 $0x4;
	s3 =	sadd.s32 s1, s3;
	s1 =	sadd.s32 $0x97400, s2  }
0x24: {  	[dreg:$0xe] =	wrdreg s3;
	s3 =	sadd.s32 $0x98800, s2;
	s6 =	smov.u32 @p0 s1  }
0x25: {  	s1 =	sadd.s32 $0x99C00, s2;
	[dreg:$0xf] =	wrdreg s6;
	s7 =	smov.u32 @p0 s3  }
0x26: {  	s3 =	sadd.s32 $0x9B000, s2;
	s8 =	smov.u32 @p0 s1;
	[dreg:$0x10] =	wrdreg s7  }
0x27: {  	s6 =	simm.s32 $0xA;
	[dreg:$0x11] =	wrdreg s8;
	s21 =	smov.u32 @p0 s3  }
0x28: {  	v0 =	vimm.f32 $0.0e+00;
	s3 =	sadd.s32 $0x2800, s17;
	s7 =	simm.s32 $0x9;
	s8 =	simm.s32 $0x80  }
.LBB2_1:
0x29: {  	s31 =	simm.s32 $0x100;
	s30 =	simm.s32 $0x0  }
.LBB2_2:
0x2a: {  	p1 =	sne.s32 s31, $0x4F00;
	[tilespmem:s30+$0xD030] =	vst v0;
	s18 =	smov.u32 s31;
	s31 =	sadd.s32 $0x100, s31  }
.Ltmp0:
0x2b: {  	[tilespmem:s30+$0xD020] =	vst v0;
	(pc) =	sbr.rel @p1 .LBB2_2-.Ltmp0, $3  }
0x2c: {  	[tilespmem:s30+$0xD000] =	vst v0  }
0x2d: {  	[tilespmem:s30+$0xD010] =	vst v0;
	_ =	sdelay $0x1  }
0x2e: {  	s30 =	sshra.s32 s18, $0x2  }
0x2f: {  	[tilespmem:s30+$0xD030] =	vst v0  }
0x30: {  	[tilespmem:s30+$0xD020] =	vst v0  }
0x31: {  	[tilespmem:s30+$0xD000] =	vst v0  }
0x32: {  	[tilespmem:s30+$0xD010] =	vst v0;
	s0 =	simm.s32 $0x0;
	s1 =	rddreg [dreg:$0x3]  }
0x33: {  	[tilespmem:s0], [sflag:$0x9] =	stream.linear.gather [hbm4b:s1+s0], $0x2800, $0x38;
	[tilespmem:$0x18240] =	vst v63  }
0x34: {  	s20 =	rddreg [dreg:$0x4];
	s18 =	simm.s32 $0x2800  }
0x35: {  	[tilespmem:s18], [sflag:$0x9] =	stream.linear.gather [hbm4b:s20+s0], $0x2800, $0x38;
	[tilespmem:$0x18240] =	vst v63  }
0x36: {  	s30 =	simm.s32 @!p0 $0xA;
	s18 =	simm.s32 @!p0 $0xD000  }
0x37: {  	[spmem:s17] =	stream.linear.scatter @!p0 [tilespmem:s18], [sflag:$0xA], $0x1400, $0x38;
	[tilespmem:$0x18240] =	vst v63  }
0x38: {  	_ =	swait.ge @!p0 [sflag:s30], $0x1400  }
0x39: {  	[sflag:s30] =	ssyncset.done @!p0 $0x0  }
0x3a: {  	s0 =	rddreg [dreg:$0x1a];
	[sflag:s30] =	ssyncadd.s32 @!p0 $0xFFFFEC00  }
0x3b: {  	[spmem:s0] =	stream.linear.scatter @!p0 [tilespmem:s18], [sflag:$0xA], $0x1400, $0x38;
	[tilespmem:$0x18240] =	vst v63  }
0x3c: {  	_ =	swait.ge @!p0 [sflag:s30], $0x1400  }
0x3d: {  	[sflag:s30] =	ssyncset.done @!p0 $0x0  }
0x3e: {  	[sflag:s30] =	ssyncadd.s32 @!p0 $0xFFFFEC00  }
0x3f: {  	[spmem:s3] =	stream.linear.scatter @!p0 [tilespmem:s18], [sflag:$0xA], $0x1400, $0x38;
	[tilespmem:$0x18240] =	vst v63  }
0x40: {  	_ =	swait.ge @!p0 [sflag:s30], $0x1400  }
0x41: {  	[sflag:s30] =	ssyncset.done @!p0 $0x0  }
0x42: {  	[sflag:s30] =	ssyncadd.s32 @!p0 $0xFFFFEC00  }
0x43: {  	[spmem:s29] =	stream.linear.scatter [tilespmem:s5], [sflag:$0xA], $0x1400, $0x38;
	[tilespmem:$0x18240] =	vst v63  }
0x44: {  	_ =	swait.ge [sflag:s6], $0x1400  }
0x45: {  	[sflag:s6] =	ssyncset.done $0x0  }
0x46: {  	s18 =	rddreg [dreg:$0xf];
	[sflag:s6] =	ssyncadd.s32 $0xFFFFEC00  }
0x47: {  	[spmem:s18] =	stream.linear.scatter [tilespmem:s5], [sflag:$0xA], $0x1400, $0x38;
	[tilespmem:$0x18240] =	vst v63  }
0x48: {  	_ =	swait.ge [sflag:s6], $0x1400  }
0x49: {  	[sflag:s6] =	ssyncset.done $0x0  }
0x4a: {  	s19 =	rddreg [dreg:$0x10];
	[sflag:s6] =	ssyncadd.s32 $0xFFFFEC00  }
0x4b: {  	[spmem:s19] =	stream.linear.scatter [tilespmem:s5], [sflag:$0xA], $0x1400, $0x38;
	[tilespmem:$0x18240] =	vst v63  }
0x4c: {  	_ =	swait.ge [sflag:s6], $0x1400  }
0x4d: {  	[sflag:s6] =	ssyncset.done $0x0  }
0x4e: {  	s20 =	rddreg [dreg:$0x11];
	[sflag:s6] =	ssyncadd.s32 $0xFFFFEC00  }
0x4f: {  	[spmem:s20] =	stream.linear.scatter [tilespmem:s5], [sflag:$0xA], $0x1400, $0x38;
	[tilespmem:$0x18240] =	vst v63  }
0x50: {  	_ =	swait.ge [sflag:s6], $0x1400  }
0x51: {  	[sflag:s6] =	ssyncset.done $0x0  }
0x52: {  	[sflag:s6] =	ssyncadd.s32 $0xFFFFEC00  }
0x53: {  	[spmem:s21] =	stream.linear.scatter [tilespmem:s5], [sflag:$0xA], $0x1400, $0x38;
	[tilespmem:$0x18240] =	vst v63  }
0x54: {  	_ =	swait.ge [sflag:s6], $0x1400  }
0x55: {  	[sflag:s6] =	ssyncset.done $0x0  }
0x56: {  	[sflag:s6] =	ssyncadd.s32 $0xFFFFEC00  }
0x57: {  	_ =	swait.ge [sflag:s7], $0x2800  }
0x58: {  	[sflag:s7] =	ssyncset.done $0x0  }
0x59: {  	[sflag:s7] =	ssyncadd.s32 $0xFFFFD800  }
0x5a: {  	_ =	swait.ge [sflag:s7], $0x2800  }
0x5b: {  	[sflag:s7] =	ssyncset.done $0x0  }
0x5c: {  	[sflag:s7] =	ssyncadd.s32 $0xFFFFD800  }
0x5d: {  	s1 =	simm.s32 $0x0;
	[bflag:$0x0] =	sbarrier.arrive $0xFFFF  }
0x5e: {  	[tilespmem:s9], [sflag:$0x1] =	stream.indirect.gather [hbm4b:s4+s8], $0x40, s1, s8, $0xb8;
	[tilespmem:$0x18240] =	vst v63  }
0x5f: {  	_ = 	snop  }
0x60: {  	[tilespmem:s10], [sflag:$0x2] =	stream.indirect.gather [hbm4b:s4+s8], $0x40, s8, s8, $0xb8;
	[tilespmem:$0x18240] =	vst v63  }
0x61: {  	s19 =	simm.s32 $0x100  }
0x62: {  	[tilespmem:s11], [sflag:$0x3] =	stream.indirect.gather [hbm4b:s4+s8], $0x40, s19, s8, $0xb8;
	[tilespmem:$0x18240] =	vst v63  }
0x63: {  	s20 =	simm.s32 $0x180  }
0x64: {  	[tilespmem:s12], [sflag:$0x4] =	stream.indirect.gather [hbm4b:s4+s8], $0x40, s20, s8, $0xb8;
	[tilespmem:$0x18240] =	vst v63  }
0x65: {  	_ =	swait.ge [sflag:s13], $0x2000  }
0x66: {  	[sflag:s13] =	ssyncset.done $0x0  }
0x67: {  	s1 =	simm.s32 $0x2800;
	[sflag:s13] =	ssyncadd.s32 $0xFFFFE000  }
0x68: {  	[spmem:s2] =	stream.indirect.scatter.add.f32 [tilespmem:s9], [sflag:$0x5], $0x40, s1, s8, $0xb8;
	[tilespmem:$0x18240] =	vst v63  }
0x69: {  	_ =	swait.ge [sflag:s14], $0x2000  }
0x6a: {  	[sflag:s14] =	ssyncset.done $0x0  }
0x6b: {  	s19 =	simm.s32 $0x2880;
	[sflag:s14] =	ssyncadd.s32 $0xFFFFE000  }
0x6c: {  	[spmem:s2] =	stream.indirect.scatter.add.f32 [tilespmem:s10], [sflag:$0x6], $0x40, s19, s8, $0xb8;
	[tilespmem:$0x18240] =	vst v63  }
0x6d: {  	_ =	swait.ge [sflag:s15], $0x2000  }
0x6e: {  	[sflag:s15] =	ssyncset.done $0x0  }
0x6f: {  	s20 =	simm.s32 $0x2900;
	[sflag:s15] =	ssyncadd.s32 $0xFFFFE000  }
0x70: {  	[spmem:s2] =	stream.indirect.scatter.add.f32 [tilespmem:s11], [sflag:$0x7], $0x40, s20, s8, $0xb8;
	[tilespmem:$0x18240] =	vst v63  }
0x71: {  	_ =	swait.ge [sflag:s16], $0x2000  }
0x72: {  	[sflag:s16] =	ssyncset.done $0x0  }
0x73: {  	s0 =	simm.s32 $0x2980;
	[sflag:s16] =	ssyncadd.s32 $0xFFFFE000  }
0x74: {  	[spmem:s2] =	stream.indirect.scatter.add.f32 [tilespmem:s12], [sflag:$0x8], $0x40, s0, s8, $0xb8;
	[tilespmem:$0x18240] =	vst v63  }
0x75: {  	_ =	swait.ge [sflag:s22], $0x2000  }
0x76: {  	[sflag:s22] =	ssyncset.done $0x0  }
0x77: {  	s1 =	simm.s32 $0x200;
	[sflag:s22] =	ssyncadd.s32 $0xFFFFE000  }
0x78: {  	[tilespmem:s9], [sflag:$0x1] =	stream.indirect.gather [hbm4b:s4+s8], $0x40, s1, s8, $0xb8;
	[tilespmem:$0x18240] =	vst v63  }
0x79: {  	_ =	swait.ge [sflag:s23], $0x2000  }
0x7a: {  	[sflag:s23] =	ssyncset.done $0x0  }
0x7b: {  	s19 =	simm.s32 $0x280;
	[sflag:s23] =	ssyncadd.s32 $0xFFFFE000  }
0x7c: {  	[tilespmem:s10], [sflag:$0x2] =	stream.indirect.gather [hbm4b:s4+s8], $0x40, s19, s8, $0xb8;
	[tilespmem:$0x18240] =	vst v63  }
0x7d: {  	_ =	swait.ge [sflag:s24], $0x2000  }
0x7e: {  	[sflag:s24] =	ssyncset.done $0x0  }
0x7f: {  	s20 =	simm.s32 $0x300;
	[sflag:s24] =	ssyncadd.s32 $0xFFFFE000  }
0x80: {  	[tilespmem:s11], [sflag:$0x3] =	stream.indirect.gather [hbm4b:s4+s8], $0x40, s20, s8, $0xb8;
	[tilespmem:$0x18240] =	vst v63  }
0x81: {  	_ =	swait.ge [sflag:s25], $0x2000  }
0x82: {  	[sflag:s25] =	ssyncset.done $0x0  }
0x83: {  	s31 =	simm.s32 $0x380;
	s30 =	simm.s32 $0x800;
	[sflag:s25] =	ssyncadd.s32 $0xFFFFE000  }
.LBB2_4:
0x84: {  	[tilespmem:s12], [sflag:$0x4] =	stream.indirect.gather [hbm4b:s4+s8], $0x40, s31, s8, $0xb8;
	[tilespmem:$0x18240] =	vst v63  }
0x85: {  	s18 =	smov.u32 s30  }
0x86: {  	p1 =	sne.s32 s30, $0x9000;
	s30 =	sadd.s32 $0x800, s30;
	_ =	swait.ge [sflag:s13], $0x2000  }
0x87: {  	s31 =	sshra.s32 s18, $0x2;
	[sflag:s13] =	ssyncset.done $0x0  }
0x88: {  	s18 =	sadd.s32 $0x2800, s31;
	[sflag:s13] =	ssyncadd.s32 $0xFFFFE000  }
0x89: {  	[spmem:s2] =	stream.indirect.scatter.add.f32 [tilespmem:s9], [sflag:$0x5], $0x40, s18, s8, $0xb8;
	[tilespmem:$0x18240] =	vst v63  }
0x8a: {  	_ =	swait.ge [sflag:s14], $0x2000  }
0x8b: {  	[sflag:s14] =	ssyncset.done $0x0  }
0x8c: {  	s18 =	sadd.s32 $0x2880, s31;
	[sflag:s14] =	ssyncadd.s32 $0xFFFFE000  }
0x8d: {  	[spmem:s2] =	stream.indirect.scatter.add.f32 [tilespmem:s10], [sflag:$0x6], $0x40, s18, s8, $0xb8;
	[tilespmem:$0x18240] =	vst v63  }
0x8e: {  	_ =	swait.ge [sflag:s15], $0x2000  }
0x8f: {  	[sflag:s15] =	ssyncset.done $0x0  }
0x90: {  	s18 =	sadd.s32 $0x2900, s31;
	[sflag:s15] =	ssyncadd.s32 $0xFFFFE000  }
0x91: {  	[spmem:s2] =	stream.indirect.scatter.add.f32 [tilespmem:s11], [sflag:$0x7], $0x40, s18, s8, $0xb8;
	[tilespmem:$0x18240] =	vst v63  }
0x92: {  	_ =	swait.ge [sflag:s16], $0x2000  }
0x93: {  	[sflag:s16] =	ssyncset.done $0x0  }
0x94: {  	s18 =	sadd.s32 $0x2980, s31;
	[sflag:s16] =	ssyncadd.s32 $0xFFFFE000  }
0x95: {  	[spmem:s2] =	stream.indirect.scatter.add.f32 [tilespmem:s12], [sflag:$0x8], $0x40, s18, s8, $0xb8;
	[tilespmem:$0x18240] =	vst v63  }
0x96: {  	_ =	swait.ge [sflag:s22], $0x2000  }
0x97: {  	[sflag:s22] =	ssyncset.done $0x0  }
0x98: {  	s18 =	sadd.s32 $0x200, s31;
	[sflag:s22] =	ssyncadd.s32 $0xFFFFE000  }
0x99: {  	[tilespmem:s9], [sflag:$0x1] =	stream.indirect.gather [hbm4b:s4+s8], $0x40, s18, s8, $0xb8;
	[tilespmem:$0x18240] =	vst v63  }
0x9a: {  	_ =	swait.ge [sflag:s23], $0x2000  }
0x9b: {  	[sflag:s23] =	ssyncset.done $0x0  }
0x9c: {  	s18 =	sadd.s32 $0x280, s31;
	[sflag:s23] =	ssyncadd.s32 $0xFFFFE000  }
0x9d: {  	[tilespmem:s10], [sflag:$0x2] =	stream.indirect.gather [hbm4b:s4+s8], $0x40, s18, s8, $0xb8;
	[tilespmem:$0x18240] =	vst v63  }
0x9e: {  	_ =	swait.ge [sflag:s24], $0x2000  }
0x9f: {  	[sflag:s24] =	ssyncset.done $0x0  }
.Ltmp1:
0xa0: {  	s18 =	sadd.s32 $0x300, s31;
	[sflag:s24] =	ssyncadd.s32 $0xFFFFE000;
	(pc) =	sbr.rel @p1 .LBB2_4-.Ltmp1, $4  }
0xa1: {  	[tilespmem:s11], [sflag:$0x3] =	stream.indirect.gather [hbm4b:s4+s8], $0x40, s18, s8, $0xb8;
	[tilespmem:$0x18240] =	vst v63  }
0xa2: {  	_ =	swait.ge [sflag:s25], $0x2000  }
0xa3: {  	[sflag:s25] =	ssyncset.done $0x0  }
0xa4: {  	s31 =	sadd.s32 $0x380, s31;
	[sflag:s25] =	ssyncadd.s32 $0xFFFFE000  }
0xa5: {  	[tilespmem:s12], [sflag:$0x4] =	stream.indirect.gather [hbm4b:s4+s8], $0x40, s31, s8, $0xb8;
	[tilespmem:$0x18240] =	vst v63  }
0xa6: {  	_ =	swait.ge [sflag:s13], $0x2000  }
0xa7: {  	[sflag:s13] =	ssyncset.done $0x0  }
0xa8: {  	s0 =	simm.s32 $0x4E00;
	[sflag:s13] =	ssyncadd.s32 $0xFFFFE000  }
0xa9: {  	[spmem:s2] =	stream.indirect.scatter.add.f32 [tilespmem:s9], [sflag:$0x5], $0x40, s0, s8, $0xb8;
	[tilespmem:$0x18240] =	vst v63  }
0xaa: {  	_ =	swait.ge [sflag:s14], $0x2000  }
0xab: {  	[sflag:s14] =	ssyncset.done $0x0  }
0xac: {  	s19 =	simm.s32 $0x4E80;
	[sflag:s14] =	ssyncadd.s32 $0xFFFFE000  }
0xad: {  	[spmem:s2] =	stream.indirect.scatter.add.f32 [tilespmem:s10], [sflag:$0x6], $0x40, s19, s8, $0xb8;
	[tilespmem:$0x18240] =	vst v63  }
0xae: {  	_ =	swait.ge [sflag:s15], $0x2000  }
0xaf: {  	[sflag:s15] =	ssyncset.done $0x0  }
0xb0: {  	s20 =	simm.s32 $0x4F00;
	[sflag:s15] =	ssyncadd.s32 $0xFFFFE000  }
0xb1: {  	[spmem:s2] =	stream.indirect.scatter.add.f32 [tilespmem:s11], [sflag:$0x7], $0x40, s20, s8, $0xb8;
	[tilespmem:$0x18240] =	vst v63  }
0xb2: {  	_ =	swait.ge [sflag:s16], $0x2000  }
0xb3: {  	[sflag:s16] =	ssyncset.done $0x0  }
0xb4: {  	s30 =	simm.s32 $0x4F80;
	[sflag:s16] =	ssyncadd.s32 $0xFFFFE000  }
0xb5: {  	[spmem:s2] =	stream.indirect.scatter.add.f32 [tilespmem:s12], [sflag:$0x8], $0x40, s30, s8, $0xb8;
	[tilespmem:$0x18240] =	vst v63  }
0xb6: {  	_ =	swait.ge [sflag:s22], $0x2000  }
0xb7: {  	[sflag:s22] =	ssyncset.done $0x0  }
0xb8: {  	[sflag:s22] =	ssyncadd.s32 $0xFFFFE000  }
0xb9: {  	_ =	swait.ge [sflag:s23], $0x2000  }
0xba: {  	[sflag:s23] =	ssyncset.done $0x0  }
0xbb: {  	[sflag:s23] =	ssyncadd.s32 $0xFFFFE000  }
0xbc: {  	_ =	swait.ge [sflag:s24], $0x2000  }
0xbd: {  	[sflag:s24] =	ssyncset.done $0x0  }
0xbe: {  	[sflag:s24] =	ssyncadd.s32 $0xFFFFE000  }
0xbf: {  	_ =	swait.ge [sflag:s25], $0x2000  }
0xc0: {  	[sflag:s25] =	ssyncset.done $0x0  }
0xc1: {  	[sflag:s25] =	ssyncadd.s32 $0xFFFFE000  }
0xc2: {  	s18 =	simm.s32 @p0 $0x5000;
	s30 =	simm.s32 @p0 $0xA;
	[bflag:$0x0] =	sbarrier.arrive $0xFFFF  }
0xc3: {  	[tilespmem:s18], [sflag:$0xA] =	stream.linear.gather @p0 [spmem:s28], $0x2000, $0x38;
	[tilespmem:$0x18240] =	vst v63  }
0xc4: {  	_ =	swait.ge @p0 [sflag:s30], $0x2000  }
0xc5: {  	[sflag:s30] =	ssyncset.done @p0 $0x0  }
0xc6: {  	s31 =	simm.s32 @p0 $0x0;
	s0 =	rddreg [dreg:$0x12];
	[sflag:s30] =	ssyncadd.s32 @p0 $0xFFFFE000  }
0xc7: {  	[hbm4b:s0+s31] =	stream.linear.scatter @p0 [tilespmem:s18], [sflag:$0x1], $0x2000, $0x38;
	[tilespmem:$0x18240] =	vst v63  }
0xc8: {  	s1 =	rddreg [dreg:$0x17];
	s0 =	simm.s32 @p0 $0x7000  }
0xc9: {  	[tilespmem:s0], [sflag:$0xA] =	stream.linear.gather @p0 [spmem:s1], $0x2000, $0x38;
	[tilespmem:$0x18240] =	vst v63  }
0xca: {  	_ =	swait.ge @p0 [sflag:s30], $0x2000  }
0xcb: {  	[sflag:s30] =	ssyncset.done @p0 $0x0  }
0xcc: {  	s1 =	rddreg [dreg:$0x13];
	[sflag:s30] =	ssyncadd.s32 @p0 $0xFFFFE000  }
0xcd: {  	[hbm4b:s1+s31] =	stream.linear.scatter @p0 [tilespmem:s0], [sflag:$0x2], $0x2000, $0x38;
	[tilespmem:$0x18240] =	vst v63  }
0xce: {  	s0 =	simm.s32 @p0 $0x1  }
0xcf: {  	_ =	swait.ge @p0 [sflag:s0], $0x2000  }
0xd0: {  	[sflag:s0] =	ssyncset.done @p0 $0x0  }
0xd1: {  	s1 =	rddreg [dreg:$0x18];
	[sflag:s0] =	ssyncadd.s32 @p0 $0xFFFFE000  }
0xd2: {  	[tilespmem:s18], [sflag:$0xA] =	stream.linear.gather @p0 [spmem:s1], $0x2000, $0x38;
	[tilespmem:$0x18240] =	vst v63  }
0xd3: {  	_ =	swait.ge @p0 [sflag:s30], $0x2000  }
0xd4: {  	[sflag:s30] =	ssyncset.done @p0 $0x0  }
0xd5: {  	s1 =	rddreg [dreg:$0x14];
	[sflag:s30] =	ssyncadd.s32 @p0 $0xFFFFE000  }
0xd6: {  	[hbm4b:s1+s31] =	stream.linear.scatter @p0 [tilespmem:s18], [sflag:$0x1], $0x2000, $0x38;
	[tilespmem:$0x18240] =	vst v63  }
0xd7: {  	s18 =	simm.s32 @p0 $0x9000;
	s1 =	rddreg [dreg:$0x19]  }
0xd8: {  	[tilespmem:s18], [sflag:$0xA] =	stream.linear.gather @p0 [spmem:s1], $0x400, $0x38;
	[tilespmem:$0x18240] =	vst v63  }
0xd9: {  	_ =	swait.ge @p0 [sflag:s30], $0x400  }
0xda: {  	[sflag:s30] =	ssyncset.done @p0 $0x0  }
0xdb: {  	s1 =	rddreg [dreg:$0x15];
	[sflag:s30] =	ssyncadd.s32 @p0 $0xFFFFFC00  }
0xdc: {  	[hbm4b:s1+s31] =	stream.linear.scatter @p0 [tilespmem:s18], [sflag:$0x3], $0x400, $0x38;
	[tilespmem:$0x18240] =	vst v63  }
0xdd: {  	s18 =	simm.s32 @p0 $0x2  }
0xde: {  	_ =	swait.ge @p0 [sflag:s18], $0x2000  }
0xdf: {  	[sflag:s18] =	ssyncset.done @p0 $0x0  }
0xe0: {  	[sflag:s18] =	ssyncadd.s32 @p0 $0xFFFFE000  }
0xe1: {  	_ =	swait.ge @p0 [sflag:s0], $0x2000  }
0xe2: {  	[sflag:s0] =	ssyncset.done @p0 $0x0  }
0xe3: {  	[sflag:s0] =	ssyncadd.s32 @p0 $0xFFFFE000;
	s0 =	simm.s32 @p0 $0x3  }
0xe4: {  	_ =	swait.ge @p0 [sflag:s0], $0x400  }
0xe5: {  	s18 =	simm.s32 @!p0 $0xA;
	[sflag:s0] =	ssyncset.done @p0 $0x0  }
0xe6: {  	s1 =	rddreg [dreg:$0x5];
	[sflag:s0] =	ssyncadd.s32 @p0 $0xFFFFFC00;
	s0 =	simm.s32 @!p0 $0x5000  }
0xe7: {  	[tilespmem:s0], [sflag:$0xA] =	stream.linear.gather @!p0 [spmem:s1], $0x2000, $0x38;
	[tilespmem:$0x18240] =	vst v63  }
0xe8: {  	_ =	swait.ge @!p0 [sflag:s18], $0x2000  }
0xe9: {  	[sflag:s18] =	ssyncset.done @!p0 $0x0  }
0xea: {  	s30 =	simm.s32 @!p0 $0x0;
	s1 =	rddreg [dreg:$0x6];
	[sflag:s18] =	ssyncadd.s32 @!p0 $0xFFFFE000  }
0xeb: {  	[hbm4b:s1+s30] =	stream.linear.scatter @!p0 [tilespmem:s0], [sflag:$0x1], $0x2000, $0x38;
	[tilespmem:$0x18240] =	vst v63  }
0xec: {  	s31 =	simm.s32 @!p0 $0x7000;
	s1 =	rddreg [dreg:$0x7]  }
0xed: {  	[tilespmem:s31], [sflag:$0xA] =	stream.linear.gather @!p0 [spmem:s1], $0x2000, $0x38;
	[tilespmem:$0x18240] =	vst v63  }
0xee: {  	_ =	swait.ge @!p0 [sflag:s18], $0x2000  }
0xef: {  	[sflag:s18] =	ssyncset.done @!p0 $0x0  }
0xf0: {  	s19 =	simm.s32 @!p0 $0x1;
	s1 =	rddreg [dreg:$0x8];
	[sflag:s18] =	ssyncadd.s32 @!p0 $0xFFFFE000  }
0xf1: {  	[hbm4b:s1+s30] =	stream.linear.scatter @!p0 [tilespmem:s31], [sflag:$0x2], $0x2000, $0x38;
	[tilespmem:$0x18240] =	vst v63  }
0xf2: {  	_ =	swait.ge @!p0 [sflag:s19], $0x2000  }
0xf3: {  	[sflag:s19] =	ssyncset.done @!p0 $0x0  }
0xf4: {  	s1 =	rddreg [dreg:$0x9];
	[sflag:s19] =	ssyncadd.s32 @!p0 $0xFFFFE000  }
0xf5: {  	[tilespmem:s0], [sflag:$0xA] =	stream.linear.gather @!p0 [spmem:s1], $0x2000, $0x38;
	[tilespmem:$0x18240] =	vst v63  }
0xf6: {  	_ =	swait.ge @!p0 [sflag:s18], $0x2000  }
0xf7: {  	[sflag:s18] =	ssyncset.done @!p0 $0x0  }
0xf8: {  	s1 =	rddreg [dreg:$0xa];
	[sflag:s18] =	ssyncadd.s32 @!p0 $0xFFFFE000  }
0xf9: {  	[hbm4b:s1+s30] =	stream.linear.scatter @!p0 [tilespmem:s0], [sflag:$0x1], $0x2000, $0x38;
	[tilespmem:$0x18240] =	vst v63  }
0xfa: {  	s1 =	simm.s32 @!p0 $0x2  }
0xfb: {  	_ =	swait.ge @!p0 [sflag:s1], $0x2000  }
0xfc: {  	[sflag:s1] =	ssyncset.done @!p0 $0x0  }
0xfd: {  	s20 =	rddreg [dreg:$0xb];
	[sflag:s1] =	ssyncadd.s32 @!p0 $0xFFFFE000  }
0xfe: {  	[tilespmem:s31], [sflag:$0xA] =	stream.linear.gather @!p0 [spmem:s20], $0x2000, $0x38;
	[tilespmem:$0x18240] =	vst v63  }
0xff: {  	_ =	swait.ge @!p0 [sflag:s18], $0x2000  }
0x100: {  	[sflag:s18] =	ssyncset.done @!p0 $0x0  }
0x101: {  	s20 =	rddreg [dreg:$0xc];
	[sflag:s18] =	ssyncadd.s32 @!p0 $0xFFFFE000  }
0x102: {  	[hbm4b:s20+s30] =	stream.linear.scatter @!p0 [tilespmem:s31], [sflag:$0x2], $0x2000, $0x38;
	[tilespmem:$0x18240] =	vst v63  }
0x103: {  	_ =	swait.ge @!p0 [sflag:s19], $0x2000  }
0x104: {  	[sflag:s19] =	ssyncset.done @!p0 $0x0  }
0x105: {  	s20 =	rddreg [dreg:$0xd];
	[sflag:s19] =	ssyncadd.s32 @!p0 $0xFFFFE000  }
0x106: {  	[tilespmem:s0], [sflag:$0xA] =	stream.linear.gather @!p0 [spmem:s20], $0x2000, $0x38;
	[tilespmem:$0x18240] =	vst v63  }
0x107: {  	_ =	swait.ge @!p0 [sflag:s18], $0x2000  }
0x108: {  	[sflag:s18] =	ssyncset.done @!p0 $0x0  }
0x109: {  	[sflag:s18] =	ssyncadd.s32 @!p0 $0xFFFFE000;
	s18 =	rddreg [dreg:$0xe]  }
0x10a: {  	[hbm4b:s18+s30] =	stream.linear.scatter @!p0 [tilespmem:s0], [sflag:$0x1], $0x2000, $0x38;
	[tilespmem:$0x18240] =	vst v63  }
0x10b: {  	_ =	swait.ge @!p0 [sflag:s1], $0x2000  }
0x10c: {  	[sflag:s1] =	ssyncset.done @!p0 $0x0  }
0x10d: {  	[sflag:s1] =	ssyncadd.s32 @!p0 $0xFFFFE000  }
0x10e: {  	_ =	swait.ge @!p0 [sflag:s19], $0x2000  }
0x10f: {  	s26 =	sadd.s32 $0x1, s26;
	s31 =	rddreg [dreg:$0x16]  }
0x110: {  	p1 =	sne.s32 s26, s31  }
.Ltmp2:
0x111: {  	_ = 	snop;
	(pc) =	sbr.rel @p1 .LBB2_1-.Ltmp2, $3  }
0x112: {  	_ =	sdelay $0x1  }
0x113: {  	[sflag:s19] =	ssyncset.done @!p0 $0x0  }
0x114: {  	[sflag:s19] =	ssyncadd.s32 @!p0 $0xFFFFE000  }
0x115: {  	_ =	sfence.sel $0x180000  }
0x116: {  	[bflag:$0x0] =	sbarrier.arrive $0xFFFF  }
0x117: {  	_ =	strace $0x9000004D  }
0x118: {  	s0 =	stileid.u32;
	[bflag:$0x2] =	sbarrier.arrive $0xFFFF  }
0x119: {  	p0 =	sne.s32 s0, $0x0;
	s0 =	rddreg [dreg:$0x2]  }
0x11a: {  	s0 =	sadd.s32 @!p0 $0x100000, s0  }
0x11b: {  	[sflag:s0] =	ssyncadd.tile.s32 @!p0 $0x1;
	_ =	shalt  }
.Lfunc_end2:
_tile_overlayer_lowered:
.L_overlay_start_2:
0x11c: {  	(tag) =	ssettag $0x2  }
0x11d: {  	s0 =	rddreg [dreg:$0x0];
	s2 =	stileid.u32  }
0x11e: {  	s1 =	rddreg [dreg:$0x1];
	p0 =	sne.s32 s2, $0x0  }
0x11f: {  	s3 =	rddreg [dreg:$0x2];
	[bflag:$0x3] =	sbarrier.arrive $0xFFFF;
	s2 =	simm.s32 @!p0 $0x1C0A  }
0x120: {  	[timem:s3], [sflag:s2] =	dma.local @!p0 [hbm:s0], s1  }
0x121: {  	s0 =	simm.s32 @!p0 $0xA  }
0x122: {  	_ =	swait.ge @!p0 [sflag:s0], s1  }
0x123: {  	s1 =	ssub.s32 @!p0 $0x0, s1;
	[sflag:s0] =	ssyncset.done @!p0 $0x0  }
0x124: {  	[sflag:s0] =	ssyncadd.s32 @!p0 s1  }
0x125: {  	[bflag:$0x3] =	sbarrier.arrive $0xFFFF  }
0x126: {  	_ =	shalt  }

// kernel: kernel.8.cloned.1.call-start
scs
__scs_entry_jumppad:
0x0: {  	(pc) =	sbr.rel $0x88, $3  }
0x1: {  	(tag) =	ssettag $0x0;
	lr =	simm.s32 $0x1  }
0x2: {  	[smem:$0x3F99] =	sst lr;
	_ =	strace $0xD0000000  }
0x3: {  	_ = 	snop  }
0x4: {  	_ = 	snop  }
0x5: {  	_ = 	snop  }
0x6: {  	_ = 	snop  }
0x7: {  	_ = 	snop  }
__scs_overlays_trampoline_lowered:
0x8: {  	[smem:$0x3FA8] =	sst s0  }
0x9: {  	[smem:$0x3FA9] =	sst s1  }
0xa: {  	[smem:$0x3FAA] =	sst s2  }
0xb: {  	[smem:$0x3FAB] =	sst s3  }
0xc: {  	[smem:$0x3FAC] =	sst s4  }
0xd: {  	[smem:$0x3FAD] =	sst s5  }
0xe: {  	[smem:$0x3FAE] =	sst s6  }
0xf: {  	[smem:$0x3FAF] =	sst s7  }
0x10: {  	[smem:$0x3FB0] =	sst s8  }
0x11: {  	[smem:$0x3FB1] =	sst s9;
	s0 =	simm.s32 @!p0 $0x0  }
0x12: {  	s1 =	sld [smem:$0x3F97];
	s0 =	simm.s32 @p0 $0x1  }
0x13: {  	[smem:$0x3FB2] =	sst s0;
	s0 =	simm.s32 @!p1 $0x0  }
0x14: {  	s2 =	sld [smem:$0x3F96];
	s0 =	simm.s32 @p1 $0x1  }
0x15: {  	[smem:$0x3FB3] =	sst s0;
	s0 =	simm.s32 @!p2 $0x0  }
0x16: {  	s3 =	sld [smem:$0x3FDB];
	s0 =	simm.s32 @p2 $0x1  }
0x17: {  	s4 =	simm.s32 $0x1BF5;
	[smem:$0x3FB5] =	sst s0  }
0x18: {  	s0 =	sld [smem:$0x3F98];
	_ =	swait.ge [sflag:s4], $0x0  }
0x19: {  	s7 =	sld [smem:$0x3F99]  }
0x1a: {  	s8 =	sadd.s32 $0xFFFFE003, lr  }
0x1b: {  	s9 =	sadd.s32 $0xFFFFFEF7, lr;
	s5 =	simm.s32 $0xFFFFFFFF;
	p2 =	slt.u32 s8, $0xFFFFF086  }
0x1c: {  	p1 =	slt.u32 s9, $0xF7A;
	s5 =	simm.s32 @!p2 $0x0  }
0x1d: {  	s5 =	simm.s32 @p1 $0x1;
	p0 =	seq.s32 s7, s2  }
0x1e: {  	s7 =	smul.u32 @!p0 $0xF7A, s2;
	p2 =	seq.s32 @!p0 s5, $0x0  }
0x1f: {  	s9 =	smul.u32 $0xF7A, s1;
	s8 =	simm.s32 @!p0 $0x1BF5;
	p2 =	por !p2, p0  }
0x20: {  	[sflag:s8] =	ssyncset.s32 @!p0 $0xFFFFF086;
	s6 =	sadd.s32 @!p0 s3, s7;
	s7 =	simm.s32 @!p0 $0x108  }
0x21: {  	s3 =	sadd.s32 s3, s9;
	s6 =	sadd.s32 @!p0 $0x88, s6;
	s7 =	simm.s32 @p2 $0x1082  }
0x22: {  	[simem:s7], [sflag:s8] =	dma.local @!p0 [hbm:s6], $0xF7A  }
0x23: {  	s9 =	sor.u32 $0xD0000000, s2;
	s6 =	simm.s32 $0x108;
	_ =	swait.ge @!p0 [sflag:s8], $0x0  }
0x24: {  	s3 =	sadd.s32 $0x88, s3;
	s6 =	simm.s32 @!p1 $0x1082;
	[sflag:s4] =	ssyncset.s32 $0xFFFFF086  }
0x25: {  	[simem:s6], [sflag:s4] =	dma.local [hbm:s3], $0xF7A  }
0x26: {  	[smem:$0x3F99] =	sst s1;
	(tag) =	ssettag s2;
	_ =	strace s9  }
0x27: {  	s1 =	sld [smem:$0x3FA9]  }
0x28: {  	s2 =	sld [smem:$0x3FAA]  }
0x29: {  	s4 =	sld [smem:$0x3FAC]  }
0x2a: {  	p0 =	seq.s32 s5, $0x0;
	s5 =	sld [smem:$0x3FAD]  }
0x2b: {  	s6 =	sld [smem:$0x3FAE]  }
0x2c: {  	s7 =	sld [smem:$0x3FAF]  }
0x2d: {  	s3 =	simm.s32 $0x108;
	s8 =	sld [smem:$0x3FB0]  }
0x2e: {  	s3 =	simm.s32 @!p0 $0x1082;
	s9 =	sld [smem:$0x3FB1]  }
0x2f: {  	lr =	sadd.s32 s0, s3;
	s0 =	sld [smem:$0x3FA8]  }
0x30: {  	s3 =	sld [smem:$0x3FAB]  }
0x31: {  	[smem:$0x3FB4] =	sst s10  }
0x32: {  	s10 =	sld [smem:$0x3FB2];
	_ =	sdelay $0x3  }
0x33: {  	p0 =	seq.s32 s10, $0x1;
	s10 =	sld [smem:$0x3FB4];
	_ =	sdelay $0x3  }
0x34: {  	[smem:$0x3FB4] =	sst s10  }
0x35: {  	s10 =	sld [smem:$0x3FB3];
	_ =	sdelay $0x3  }
0x36: {  	p1 =	seq.s32 s10, $0x1;
	s10 =	sld [smem:$0x3FB4];
	_ =	sdelay $0x3  }
0x37: {  	[smem:$0x3FB4] =	sst s10  }
0x38: {  	s10 =	sld [smem:$0x3FB5]  }
0x39: {  	_ = 	snop;
	(pc) =	sbr.ind lr, $3  }
0x3a: {  	_ = 	snop  }
0x3b: {  	_ = 	snop  }
0x3c: {  	p2 =	seq.s32 s10, $0x1;
	s10 =	sld [smem:$0x3FB4]  }
0x3d: {  	_ =	shalt  }
0x3e: {  	_ =	shalt  }
0x3f: {  	_ =	shalt  }
0x40: {  	_ =	shalt  }
0x41: {  	_ =	shalt  }
0x42: {  	_ =	shalt  }
0x43: {  	_ =	shalt  }
0x44: {  	_ =	shalt  }
0x45: {  	_ =	shalt  }
0x46: {  	_ =	shalt  }
0x47: {  	_ =	shalt  }
0x48: {  	_ =	shalt  }
0x49: {  	_ =	shalt  }
0x4a: {  	_ =	shalt  }
0x4b: {  	_ =	shalt  }
0x4c: {  	_ =	shalt  }
0x4d: {  	_ =	shalt  }
0x4e: {  	_ =	shalt  }
0x4f: {  	_ =	shalt  }
0x50: {  	_ =	shalt  }
0x51: {  	_ =	shalt  }
0x52: {  	_ =	shalt  }
0x53: {  	_ =	shalt  }
0x54: {  	_ =	shalt  }
0x55: {  	_ =	shalt  }
0x56: {  	_ =	shalt  }
0x57: {  	_ =	shalt  }
0x58: {  	_ =	shalt  }
0x59: {  	_ =	shalt  }
0x5a: {  	_ =	shalt  }
0x5b: {  	_ =	shalt  }
0x5c: {  	_ =	shalt  }
0x5d: {  	_ =	shalt  }
0x5e: {  	_ =	shalt  }
0x5f: {  	_ =	shalt  }
0x60: {  	_ =	shalt  }
0x61: {  	_ =	shalt  }
0x62: {  	_ =	shalt  }
0x63: {  	_ =	shalt  }
0x64: {  	_ =	shalt  }
0x65: {  	_ =	shalt  }
0x66: {  	_ =	shalt  }
0x67: {  	_ =	shalt  }
0x68: {  	_ =	shalt  }
0x69: {  	_ =	shalt  }
0x6a: {  	_ =	shalt  }
0x6b: {  	_ =	shalt  }
0x6c: {  	_ =	shalt  }
0x6d: {  	_ =	shalt  }
0x6e: {  	_ =	shalt  }
0x6f: {  	_ =	shalt  }
0x70: {  	_ =	shalt  }
0x71: {  	_ =	shalt  }
0x72: {  	_ =	shalt  }
0x73: {  	_ =	shalt  }
0x74: {  	_ =	shalt  }
0x75: {  	_ =	shalt  }
0x76: {  	_ =	shalt  }
0x77: {  	_ =	shalt  }
0x78: {  	_ =	shalt  }
0x79: {  	_ =	shalt  }
0x7a: {  	_ =	shalt  }
0x7b: {  	_ =	shalt  }
0x7c: {  	_ =	shalt  }
0x7d: {  	_ =	shalt  }
0x7e: {  	_ =	shalt  }
0x7f: {  	_ =	shalt  }
0x80: {  	_ =	shalt  }
0x81: {  	_ =	shalt  }
0x82: {  	_ =	shalt  }
0x83: {  	_ =	shalt  }
0x84: {  	_ =	shalt  }
0x85: {  	_ =	shalt  }
0x86: {  	_ =	shalt  }
0x87: {  	_ =	shalt  }
.Lfunc_end0:
.L_simem_size_0:
called_computation_lowered:
.L_overlay_start_0:
0x88: {  	s2 =	sld [smem:$0x3FD9]  }
0x89: {  	s3 =	sld [smem:$0x3FFE];
	_ =	sdelay $0x1  }
0x8a: {  	s1 =	srdreg.scid  }
0x8b: {  	s0 =	sand.u32 $0x1, s1  }
0x8c: {  	s16 =	sshll.u32 s0, $0xA;
	s2 =	sadd.s32 s3, s2  }
0x8d: {  	s2 =	sadd.s32 s2, s16  }
0x8e: {  	[smem:$0x3FC0] =	sst s2  }
0x8f: {  	_ = 	snop  }
0x90: {  	(tm) =	ssettm $0x1  }
0x91: {  	s17 =	sld [smem:$0x3FFB];
	_ =	sdelay $0x3  }
0x92: {  	_ =	strace s17  }
0x93: {  	s2 =	sld [smem:$0x3FFC];
	_ =	sdelay $0x3  }
0x94: {  	_ =	strace s2  }
0x95: {  	s2 =	sld [smem:$0x3FFD];
	_ =	sdelay $0x3  }
0x96: {  	_ =	strace s2  }
0x97: {  	_ =	strace $0x8FFFFFFF  }
0x98: {  	s18 =	sld [smem:$0x3FDB];
	_ =	sdelay $0x1  }
0x99: {  	s19 =	simm.s32 $_scs_section_size  }
0x9a: {  	s4 =	simm.s32 $_size__tile_overlayer_lowered;
	s5 =	simm.s32 $_tile_overlayer_lowered  }
0x9b: {  	s22 =	simm.s32 $0x1BFF;
	s21 =	sshll.u32 s5, $0x1;
	s2 =	sadd.s32 s19, s18  }
0x9c: {  	s6 =	simm.s32 $0x0;
	s20 =	sshll.u32 s4, $0x1;
	s4 =	sadd.s32 s21, s2  }
0x9d: {  	[timem:s6], [sflag:s22] =	dma.local [hbm:s4], s20  }
0x9e: {  	_ =	swait.ge [sflag:s22], s20  }
0x9f: {  	s3 =	ssub.s32 $0x0, s20;
	[sflag:s22] =	ssyncset.done $0x0  }
0xa0: {  	[sflag:s22] =	ssyncadd.s32 s3;
	_ =	sdelay $0x1  }
0xa1: {  	s23 =	simm.s32 $0x1B8B  }
0xa2: {  	_ =	swait.ge [sflag:s23], $0x1  }
0xa3: {  	[sflag:s23] =	ssyncset.done $0x0  }
0xa4: {  	s25 =	simm.s32 $0x1B8E;
	s24 =	sld [smem:$0x3FFE];
	[sflag:s23] =	ssyncadd.s32 $0xFFFFFFFF  }
0xa5: {  	s26 =	simm.s32 $execute0_lowered;
	[smem:$0x3FD2] =	sst s25  }
0xa6: {  	s4 =	sshll.u32 s26, $0x1;
	_ =	strace $0x80000046;
	[dreg:$0x1] =	wrdreg $0xFFFFFFFF  }
0xa7: {  	s28 =	simm.s32 $_size_execute0_lowered;
	s2 =	sadd.s32 s2, s4;
	[dreg:$0x0] =	wrdreg $0x0  }
0xa8: {  	s4 =	sshll.u32 s28, $0x1;
	[dreg:$0x2] =	wrdreg s2  }
0xa9: {  	[dreg:$0x3] =	wrdreg s4  }
0xaa: {  	[dreg:$0x4] =	wrdreg $0xC0  }
0xab: {  	_ =	task [dreg:s6], $0x5FFFF  }
0xac: {  	[dreg:$0x1] =	wrdreg $0xFFFFFFFF  }
0xad: {  	[dreg:$0x0] =	wrdreg $0x60  }
0xae: {  	[dreg:$0x2] =	wrdreg s24  }
0xaf: {  	[dreg:$0x3] =	wrdreg $0x2B000  }
0xb0: {  	[dreg:$0x4] =	wrdreg $0x9  }
0xb1: {  	_ =	task.clear_ibuf [dreg:s6], $0x5FFFF;
	_ =	strace $0x90000046  }
0xb2: {  	s29 =	simm.s32 $0x9;
	_ =	strace $0x80000048  }
0xb3: {  	_ =	swait.ge [sflag:s29], $0x1  }
0xb4: {  	[sflag:s29] =	ssyncadd.s32 $0xFFFFFFFF  }
0xb5: {  	_ =	strace $0x90000048  }
0xb6: {  	_ =	sfence  }
0xb7: {  	s30 =	sld [smem:$0x0];
	_ =	sdelay $0x2  }
0xb8: {  	s31 =	sshll.u32 s1, $0xD;
	s1 =	sshrl.u32 s1, $0x2  }
0xb9: {  	s3 =	sand.u32 $0x4000, s31;
	s1 =	sadd.s32 s1, s30  }
0xba: {  	s0 =	sor.u32 s3, s0;
	s1 =	sshll.u32 s1, $0x11  }
0xbb: {  	s0 =	sor.u32 s1, s0  }
0xbc: {  	s0 =	sadd.s32 $0x8F2B, s0  }
0xbd: {  	[sflag:s0] =	ssyncadd.remote.s32 $0x1  }
0xbe: {  	_ =	sfence.sel $0xFFFF  }
0xbf: {  	[dreg:$0x0] =	wrdreg $0xFFFFFFFF;
	(pc) =	sbr.abs _section_cstart, $3  }
0xc0: {  	[dreg:$0x1] =	wrdreg $0xFFFFFFFF  }
0xc1: {  	_ =	task.clear_ibuf [dreg:s6], $0x2FFFF;
	_ =	strace $0x9FFFFFFF  }
0xc2: {  	(tm) =	ssettm $0x7FFFFFFF  }
0xc3: {  	_ =	shalt  }
tec
execute0_lowered:
.L_overlay_start_1:
0x0: {  	(tag) =	ssettag $0x1  }
0x1: {  	s0 =	srdreg.scid;
	s5 =	rddreg [dreg:$0x0]  }
0x2: {  	s2 =	rddreg [dreg:$0x1];
	s3 =	simm.s32 $0x0;
	s13 =	simm.s32 $0x80  }
0x3: {  	s14 =	simm.s32 $0x1;
	s4 =	sand.u32 $0x1, s0;
	s0 =	stileid.u32  }
0x4: {  	s15 =	simm.s32 $0x0;
	[smem:$0x7FF] =	sst s3;
	s7 =	smul.u32 $0xA00, s0  }
0x5: {  	s8 =	sadd.s32 $0x15C00, s5;
	s1 =	sshll.u32 s4, $0x4;
	s9 =	smul.u32 $0x280, s0  }
0x6: {  	s30 =	ssub.s32 $0x2, s4;
	s11 =	smul.u32 $0x2780, s4;
	p0 =	seq.s32 s0, $0xF  }
0x7: {  	s6 =	sor.u32 s0, s1;
	s1 =	rddreg [dreg:$0x2];
	_ =	strace $0x80000047  }
0x8: {  	s10 =	sshrl.u32 s30, $0x1;
	s6 =	smul.u32 $0x500, s6;
	s7 =	sshrl.u32 s7, $0x2  }
0x9: {  	s10 =	ssub.s32 s30, s10;
	s12 =	sadd.s32 s9, s11;
	s11 =	sshrl.u32 s11, $0x3  }
0xa: {  	s4 =	sadd.s32 s7, s2;
	s7 =	sadd.s32 s9, s2;
	s31 =	sshrl.u32 s12, $0x3  }
0xb: {  	s11 =	sadd.s32 s8, s11;
	s10 =	smax.u32 s10, $0x1;
	s12 =	simm.s32 $0x2  }
0xc: {  	s6 =	sadd.s32 s6, s5;
	s5 =	sadd.s32 $0x2580, s2;
	s8 =	sadd.s32 s8, s31  }
0xd: {  	v0 =	vimm.f32 $1.000000000e+00;
	v1 =	vimm.f32 $0.0e+00;
	s9 =	sadd.s32 $0x4B0, s11;
	s11 =	simm.s32 $0x300;
	s6 =	sadd.s32 $0x1C00, s6  }
.LBB2_1:
0xe: {  	[tilespmem:$0x0] =	vst v0  }
0xf: {  	[tilespmem:$0x10] =	vst v0  }
0x10: {  	[tilespmem:$0x20] =	vst v0  }
0x11: {  	[tilespmem:$0x30] =	vst v0  }
0x12: {  	[tilespmem:$0x40] =	vst v0  }
0x13: {  	[tilespmem:$0x50] =	vst v0  }
0x14: {  	[tilespmem:$0x60] =	vst v0  }
0x15: {  	[tilespmem:$0x70] =	vst v0  }
0x16: {  	[tilespmem:$0x80] =	vst v1  }
0x17: {  	[tilespmem:$0x90] =	vst v1  }
0x18: {  	[tilespmem:$0xA0] =	vst v1  }
0x19: {  	[tilespmem:$0xB0] =	vst v1  }
0x1a: {  	[tilespmem:$0xC0] =	vst v1  }
0x1b: {  	[tilespmem:$0xD0] =	vst v1  }
0x1c: {  	[tilespmem:$0xE0] =	vst v1  }
0x1d: {  	[tilespmem:$0xF0] =	vst v1  }
0x1e: {  	[tilespmem:$0x100] =	vst v1  }
0x1f: {  	[tilespmem:$0x110] =	vst v1  }
0x20: {  	[tilespmem:$0x120] =	vst v1  }
0x21: {  	[tilespmem:$0x130] =	vst v1  }
0x22: {  	[tilespmem:$0x140] =	vst v1  }
0x23: {  	[tilespmem:$0x150] =	vst v1  }
0x24: {  	[tilespmem:$0x160] =	vst v1  }
0x25: {  	[tilespmem:$0x170] =	vst v1  }
0x26: {  	[tilespmem:$0x180] =	vst v1  }
0x27: {  	[tilespmem:$0x190] =	vst v1  }
0x28: {  	[tilespmem:$0x1A0] =	vst v1  }
0x29: {  	[tilespmem:$0x1B0] =	vst v1  }
0x2a: {  	[tilespmem:$0x1C0] =	vst v1  }
0x2b: {  	[tilespmem:$0x1D0] =	vst v1  }
0x2c: {  	[tilespmem:$0x1E0] =	vst v1  }
0x2d: {  	[tilespmem:$0x1F0] =	vst v1  }
0x2e: {  	[tilespmem:$0x200] =	vst v1  }
0x2f: {  	[tilespmem:$0x210] =	vst v1  }
0x30: {  	[tilespmem:$0x220] =	vst v1  }
0x31: {  	[tilespmem:$0x230] =	vst v1  }
0x32: {  	[tilespmem:$0x240] =	vst v1  }
0x33: {  	[tilespmem:$0x250] =	vst v1  }
0x34: {  	[tilespmem:$0x260] =	vst v1  }
0x35: {  	[tilespmem:$0x270] =	vst v1  }
0x36: {  	[tilespmem:$0x280] =	vst v1  }
0x37: {  	[tilespmem:$0x290] =	vst v1  }
0x38: {  	[tilespmem:$0x2A0] =	vst v1  }
0x39: {  	[tilespmem:$0x2B0] =	vst v1  }
0x3a: {  	[tilespmem:$0x2C0] =	vst v1  }
0x3b: {  	[tilespmem:$0x2D0] =	vst v1  }
0x3c: {  	[tilespmem:$0x2E0] =	vst v1  }
0x3d: {  	[tilespmem:$0x2F0] =	vst v1;
	s16 =	simm.s32 @p0 $0x80  }
0x3e: {  	[spmem:s5] =	stream.linear.scatter @p0 [tilespmem:s16], [sflag:$0x2], $0x190, $0x38;
	[tilespmem:$0x2D80] =	vst v63  }
0x3f: {  	s16 =	simm.s32 @p0 $0x2  }
0x40: {  	_ =	swait.ge @p0 [sflag:s16], $0x190  }
0x41: {  	[sflag:s16] =	ssyncset.done @p0 $0x0  }
0x42: {  	[sflag:s16] =	ssyncadd.s32 @p0 $0xFFFFFE70;
	s16 =	simm.s32 @!p0 $0x80  }
0x43: {  	[spmem:s4] =	stream.linear.scatter @!p0 [tilespmem:s16], [sflag:$0x2], $0x280, $0x38;
	[tilespmem:$0x2D80] =	vst v63  }
0x44: {  	s16 =	simm.s32 @!p0 $0x2  }
0x45: {  	_ =	swait.ge @!p0 [sflag:s16], $0x280  }
0x46: {  	[sflag:s16] =	ssyncset.done @!p0 $0x0  }
0x47: {  	[sflag:s16] =	ssyncadd.s32 @!p0 $0xFFFFFD80  }
0x48: {  	[tilespmem:s11], [sflag:$0x2] =	stream.linear.gather [hbm4b:s6+s3], $0x2800, $0x38;
	[tilespmem:$0x2D80] =	vst v63  }
0x49: {  	_ =	swait.ge [sflag:s12], $0x2800  }
0x4a: {  	[sflag:s12] =	ssyncset.done $0x0  }
0x4b: {  	[sflag:s12] =	ssyncadd.s32 $0xFFFFD800  }
0x4c: {  	s16 =	simm.s32 $0x0;
	[bflag:$0x0] =	sbarrier.arrive $0xFFFF  }
.LBB2_2:
0x4d: {  	p1 =	sne.s32 s16, $0x9E00  }
.Ltmp0:
0x4e: {  	_ = 	snop;
	(pc) =	sbr.rel @p1 .LBB2_2-.Ltmp0, $4  }
0x4f: {  	_ = 	snop  }
0x50: {  	s17 =	sshra.s32 s16, $0x2  }
0x51: {  	s16 =	sadd.s32 $0x200, s16;
	s17 =	sadd.s32 $0x300, s17  }
0x52: {  	[spmem:s2] =	stream.indirect.scatter.add.f32 [tilespmem:s3], [sflag:$0x1], $0x1, s17, s13, $0xb8;
	[tilespmem:$0x2D80] =	vst v63  }
0x53: {  	_ =	swait.ge [sflag:s14], $0x80  }
0x54: {  	s16 =	simm.s32 $0x4F;
	[sflag:s14] =	ssyncset.done $0x0  }
.LBB2_4:
0x55: {  	p1 =	sne.s32 s16, $0x1;
	s16 =	sadd.s32 $0xFFFFFFFF, s16;
	[sflag:s14] =	ssyncadd.s32 $0xFFFFFF80  }
.Ltmp1:
0x56: {  	(pc) =	sbr.rel @p1 .LBB2_4-.Ltmp1, $3  }
0x57: {  	_ =	sdelay $0x1  }
0x58: {  	_ =	swait.ge [sflag:s14], $0x80  }
0x59: {  	[sflag:s14] =	ssyncset.done $0x0  }
0x5a: {  	[sflag:s14] =	ssyncadd.s32 $0xFFFFFF80  }
0x5b: {  	s16 =	simm.s32 @p0 $0x80;
	s17 =	simm.s32 @p0 $0x2;
	[bflag:$0x0] =	sbarrier.arrive $0xFFFF  }
0x5c: {  	[tilespmem:s16], [sflag:$0x2] =	stream.linear.gather @p0 [spmem:s5], $0x190, $0x38;
	[tilespmem:$0x2D80] =	vst v63  }
0x5d: {  	_ =	swait.ge @p0 [sflag:s17], $0x190  }
0x5e: {  	[sflag:s17] =	ssyncset.done @p0 $0x0  }
0x5f: {  	s18 =	simm.s32 @p0 $0x0;
	[sflag:s17] =	ssyncadd.s32 @p0 $0xFFFFFE70  }
0x60: {  	[hbm4b:s9+s18] =	stream.linear.scatter @p0 [tilespmem:s16], [sflag:$0x2], $0x190, $0x38;
	[tilespmem:$0x2D80] =	vst v63  }
0x61: {  	_ =	swait.ge @p0 [sflag:s17], $0x190  }
0x62: {  	[sflag:s17] =	ssyncset.done @p0 $0x0  }
0x63: {  	s16 =	simm.s32 @!p0 $0x80;
	[sflag:s17] =	ssyncadd.s32 @p0 $0xFFFFFE70;
	s17 =	simm.s32 @!p0 $0x2  }
0x64: {  	[tilespmem:s16], [sflag:$0x2] =	stream.linear.gather @!p0 [spmem:s7], $0x280, $0x38;
	[tilespmem:$0x2D80] =	vst v63  }
0x65: {  	s15 =	sadd.s32 $0x1, s15;
	_ =	swait.ge @!p0 [sflag:s17], $0x280  }
0x66: {  	p1 =	sne.s32 s15, s10;
	[sflag:s17] =	ssyncset.done @!p0 $0x0  }
.Ltmp2:
0x67: {  	s18 =	simm.s32 @!p0 $0x0;
	[sflag:s17] =	ssyncadd.s32 @!p0 $0xFFFFFD80;
	(pc) =	sbr.rel @p1 .LBB2_1-.Ltmp2, $4  }
0x68: {  	[hbm4b:s8+s18] =	stream.linear.scatter @!p0 [tilespmem:s16], [sflag:$0x2], $0x280, $0x38;
	[tilespmem:$0x2D80] =	vst v63  }
0x69: {  	_ =	swait.ge @!p0 [sflag:s17], $0x280  }
0x6a: {  	[sflag:s17] =	ssyncset.done @!p0 $0x0  }
0x6b: {  	[sflag:s17] =	ssyncadd.s32 @!p0 $0xFFFFFD80  }
0x6c: {  	_ =	sfence.sel $0x180000  }
0x6d: {  	[bflag:$0x0] =	sbarrier.arrive $0xFFFF  }
0x6e: {  	p0 =	sne.s32 s0, $0x0;
	_ =	strace $0x90000047  }
0x6f: {  	s0 =	sadd.s32 @!p0 $0x100000, s1;
	[bflag:$0x2] =	sbarrier.arrive $0xFFFF  }
0x70: {  	[sflag:s0] =	ssyncadd.tile.s32 @!p0 $0x1;
	_ =	shalt  }
.Lfunc_end2:
_tile_overlayer_lowered:
.L_overlay_start_2:
0x71: {  	(tag) =	ssettag $0x2  }
0x72: {  	s0 =	rddreg [dreg:$0x0];
	s2 =	stileid.u32  }
0x73: {  	s1 =	rddreg [dreg:$0x1];
	p0 =	sne.s32 s2, $0x0  }
0x74: {  	s3 =	rddreg [dreg:$0x2];
	[bflag:$0x3] =	sbarrier.arrive $0xFFFF;
	s2 =	simm.s32 @!p0 $0x1C02  }
0x75: {  	[timem:s3], [sflag:s2] =	dma.local @!p0 [hbm:s0], s1  }
0x76: {  	s0 =	simm.s32 @!p0 $0x2  }
0x77: {  	_ =	swait.ge @!p0 [sflag:s0], s1  }
0x78: {  	s1 =	ssub.s32 @!p0 $0x0, s1;
	[sflag:s0] =	ssyncset.done @!p0 $0x0  }
0x79: {  	[sflag:s0] =	ssyncadd.s32 @!p0 s1  }
0x7a: {  	[bflag:$0x3] =	sbarrier.arrive $0xFFFF  }
0x7b: {  	_ =	shalt  }

</sc_bundles>
